<compile_context>
chip_gen: v7x
topology: tpu7x:2x2x1
jax: 0.10.2.dev20260603
libtpu: 0.0.44.dev20260713+nightly
codegen_flags: <defaults>
</compile_context>

<pallas_src>
import functools

import jax
import jax.numpy as jnp
from jax import lax
from jax.experimental import pallas as pl
from jax.experimental.pallas import tpu as pltpu
from jax.experimental.pallas import tpu_sc as plsc

VOCAB = 100000
DEMBED = 128
BATCH = 4096
SEQ = 50

NC = 2
NS = 16
NW = NC * NS
BPR = 2
ROWS_PER_W = BATCH // NW
NCHUNK = ROWS_PER_W // BPR
NBUF = 4
LANES = 16


def _pos_table():
    ep = jnp.tile(jnp.arange(0, DEMBED, 1, dtype=jnp.float32)[None, :], (SEQ, 1))
    ep = ep.at[:, 1::2].set(ep[:, 0::2])
    ep = 1.0 / (10000.0 ** (ep / DEMBED))
    pos = jnp.tile(jnp.arange(0, SEQ, 1, dtype=jnp.float32)[:, None], (1, DEMBED))
    pos = pos * ep
    pos = pos.at[:, 1::2].set(jnp.cos(pos[:, 1::2]))
    pos = pos.at[:, 0::2].set(jnp.sin(pos[:, 0::2]))
    return pos


def _sc_body(x_hbm, table_hbm, pos_hbm, out_hbm, idx_v, pos_v,
             r0, r1, r2, r3, g0, g1, g2, g3, s0, s1, s2, s3):
    rows = [r0, r1, r2, r3]
    gsem = [g0, g1, g2, g3]
    ssem = [s0, s1, s2, s3]

    cid = lax.axis_index("c")
    sid = lax.axis_index("s")
    wid = sid * NC + cid
    batch_base = wid * ROWS_PER_W

    pltpu.sync_copy(x_hbm.at[pl.ds(batch_base, ROWS_PER_W)], idx_v)
    pltpu.sync_copy(pos_hbm, pos_v)

    def issue_gather(c, b):
        for k in range(BPR):
            pltpu.async_copy(
                table_hbm.at[idx_v.at[c * BPR + k]],
                rows[b].at[k, pl.ds(0, SEQ)],
                gsem[b],
            )

    def wait_gather(b):
        for _ in range(BPR):
            pltpu.make_async_copy(
                table_hbm.at[idx_v.at[0]],
                rows[b].at[0, pl.ds(0, SEQ)],
                gsem[b],
            ).wait()

    def issue_store(c, b):
        pltpu.async_copy(
            rows[b], out_hbm.at[pl.ds(batch_base + c * BPR, BPR)], ssem[b]
        )

    def wait_store(b):
        pltpu.make_async_copy(
            rows[b], out_hbm.at[pl.ds(0, BPR)], ssem[b]
        ).wait()

    def add_pos(b):
        def s_step(s, carry):
            for j in range(DEMBED // LANES):
                sl = pl.ds(j * LANES, LANES)
                p = pos_v[s, sl]
                for k in range(BPR):
                    rows[b][k, s, sl] = rows[b][k, s, sl] + p
            return carry
        lax.fori_loop(0, SEQ, s_step, 0)

    issue_gather(0, 0)
    issue_gather(1, 1)

    issue_gather(2, 2)
    wait_gather(0)
    add_pos(0)
    issue_store(0, 0)

    issue_gather(3, 3)
    wait_gather(1)
    add_pos(1)
    issue_store(1, 1)

    def loop_body(o, carry):
        for bp in range(NBUF):
            j = 2 + o * NBUF + bp
            b = (2 + bp) % NBUF
            rb = (b + 2) % NBUF
            wait_store(rb)
            issue_gather(j + 2, rb)
            wait_gather(b)
            add_pos(b)
            issue_store(j, b)
        return carry

    lax.fori_loop(0, (NCHUNK - 4) // NBUF, loop_body, 0)

    wait_gather(2)
    add_pos(2)
    issue_store(NCHUNK - 2, 2)

    wait_gather(3)
    add_pos(3)
    issue_store(NCHUNK - 1, 3)

    for b in range(NBUF):
        wait_store(b)


@functools.partial(jax.jit, static_argnames=())
def _impl(x, table, pos):
    mesh = plsc.VectorSubcoreMesh(core_axis_name="c", subcore_axis_name="s")
    outp = pl.kernel(
        _sc_body,
        out_type=jax.ShapeDtypeStruct((BATCH, SEQ, DEMBED), jnp.float32),
        mesh=mesh,
        scratch_types=(
            [pltpu.VMEM((ROWS_PER_W, SEQ), jnp.int32),
             pltpu.VMEM((SEQ, DEMBED), jnp.float32)]
            + [pltpu.VMEM((BPR, SEQ, DEMBED), jnp.float32)] * NBUF
            + [pltpu.SemaphoreType.DMA] * (2 * NBUF)
        ),
    )(x.astype(jnp.int32), table, pos)
    return outp


def kernel(x, table):
    return _impl(x, table, _pos_table())

# --- scband reference (transcript-rebuilt; emitter-appended) ---
"""Pipeline reference for scband-inp-embed-13400297963535 (READ-ONLY COPY).

The authoritative reference and input builder live on the scoring server;
editing this copy changes nothing except your own understanding.
"""

import jax, jax.numpy as jnp
import numpy as np

VOCAB = 100000
DEMBED = 128
BATCH = 4096
SEQ = 50

def embed_position(dembed, sequence_length):
    ep = jnp.tile(jnp.arange(0, dembed, 1, dtype=jnp.float32)[None, :], (sequence_length, 1))
    ep = ep.at[:, 1::2].set(ep[:, 0::2])
    ep = 1.0 / (10000.0 ** (ep / dembed))
    pos = jnp.tile(jnp.arange(0, sequence_length, 1, dtype=jnp.float32)[:, None], (1, dembed))
    pos = pos * ep
    pos = pos.at[:, 1::2].set(jnp.cos(pos[:, 1::2]))
    pos = pos.at[:, 0::2].set(jnp.sin(pos[:, 0::2]))
    return pos


def setup_inputs(seed: int = 0) -> dict:
    key = jax.random.key(seed)
    k1, k2 = jax.random.split(key)
    x = jax.random.randint(k1, (BATCH, SEQ), 0, VOCAB, dtype=jnp.int64 if jax.config.jax_enable_x64 else jnp.int32)
    table = jax.random.normal(k2, (VOCAB, DEMBED), dtype=jnp.float32)
    # padding_idx=0 -> row 0 is zero-initialized in nn.Embedding
    table = table.at[0].set(0.0)
    return {"x": x, "table": table}


def reference(x, table):
    # enforce padding_idx=0 semantics
    table = table.at[0].set(0.0)
    emb = jnp.take(table, x, axis=0)  # [B, S, D] gather
    pos = embed_position(DEMBED, x.shape[1])  # [S, D]
    return emb + pos[None, :, :]

if __name__ == "__main__":
    import jax
    _d = setup_inputs()
    print(jax.jit(kernel)(*tuple(_d.values())))

</pallas_src>

<mosaic_0001>
#map = affine_map<(d0, d1) -> (0, 0)>
#map1 = affine_map<(d0, d1) -> (0, 0, 0)>
module attributes {stable_mosaic.version = 14 : i64} {
  func.func @_sc_body(%arg0: i32, %arg1: i32, %arg2: memref<4096x50xi32, #tpu.memory_space<hbm>>, %arg3: memref<100000x128xf32, #tpu.memory_space<hbm>>, %arg4: memref<50x128xf32, #tpu.memory_space<hbm>>, %arg5: memref<4096x50x128xf32, #tpu.memory_space<hbm>>, %arg6: memref<128x50xi32, #tpu.memory_space<vmem>>, %arg7: memref<50x128xf32, #tpu.memory_space<vmem>>, %arg8: memref<2x50x128xf32, #tpu.memory_space<vmem>>, %arg9: memref<2x50x128xf32, #tpu.memory_space<vmem>>, %arg10: memref<2x50x128xf32, #tpu.memory_space<vmem>>, %arg11: memref<2x50x128xf32, #tpu.memory_space<vmem>>, %arg12: memref<!tpu.dma_semaphore, #tpu.memory_space<semaphore_mem>>, %arg13: memref<!tpu.dma_semaphore, #tpu.memory_space<semaphore_mem>>, %arg14: memref<!tpu.dma_semaphore, #tpu.memory_space<semaphore_mem>>, %arg15: memref<!tpu.dma_semaphore, #tpu.memory_space<semaphore_mem>>, %arg16: memref<!tpu.dma_semaphore, #tpu.memory_space<semaphore_mem>>, %arg17: memref<!tpu.dma_semaphore, #tpu.memory_space<semaphore_mem>>, %arg18: memref<!tpu.dma_semaphore, #tpu.memory_space<semaphore_mem>>, %arg19: memref<!tpu.dma_semaphore, #tpu.memory_space<semaphore_mem>>) attributes {dimension_semantics = [#tpu.dimension_semantics<core_parallel>, #tpu.dimension_semantics<subcore_parallel>], iteration_bounds = array<i64: 2, 16>, scalar_prefetch = 0 : i64, scratch_operands = 14 : i64, tpu.core_type = #tpu.core_type<sc_vector_subcore>, window_params = [{transform_indices = #map}, {transform_indices = #map}, {transform_indices = #map}, {transform_indices = #map1}]} {
    %mul3A = arith.constant 2 : i32
    %mul3A_0 = arith.muli %arg1, %mul3A : i32
    %add3A = arith.addi %mul3A_0, %arg0 : i32
    %mul3A_1 = arith.constant 128 : i32
    %mul3A_2 = arith.muli %add3A, %mul3A_1 : i32
    "tpu.region"() ({
      %run_scoped3A = tpu.sem_alloc : memref<!tpu.dma_semaphore, #tpu.memory_space<semaphore_mem>>
      %dma_start3A_286 = arith.constant 0 : i32
      %dma_start3A_287 = tpu.memref_slice %arg2[%mul3A_2, %dma_start3A_286] : memref<4096x50xi32, #tpu.memory_space<hbm>> -> memref<128x50xi32, #tpu.memory_space<hbm>>
      %dma_start3A_288 = arith.constant 0 : i32
      %dma_start3A_289 = tpu.memref_slice %arg2[%mul3A_2, %dma_start3A_288] : memref<4096x50xi32, #tpu.memory_space<hbm>> -> memref<128x50xi32, #tpu.memory_space<hbm>>
      tpu.enqueue_dma source(%dma_start3A_289 : memref<128x50xi32, #tpu.memory_space<hbm>>) target(%arg6 : memref<128x50xi32, #tpu.memory_space<vmem>>) target_semaphore(%run_scoped3A : memref<!tpu.dma_semaphore, #tpu.memory_space<semaphore_mem>>)
      %dma_wait3A_290 = arith.constant 0 : i32
      %dma_wait3A_291 = tpu.memref_slice %arg2[%mul3A_2, %dma_wait3A_290] : memref<4096x50xi32, #tpu.memory_space<hbm>> -> memref<128x50xi32, #tpu.memory_space<hbm>>
      %dma_wait3A_292 = arith.constant 0 : i32
      %dma_wait3A_293 = tpu.memref_slice %arg2[%mul3A_2, %dma_wait3A_292] : memref<4096x50xi32, #tpu.memory_space<hbm>> -> memref<128x50xi32, #tpu.memory_space<hbm>>
      tpu.wait_dma2 semaphore(%run_scoped3A : memref<!tpu.dma_semaphore, #tpu.memory_space<semaphore_mem>>) src(%dma_wait3A_293 : memref<128x50xi32, #tpu.memory_space<hbm>>) dst(%arg6 : memref<128x50xi32, #tpu.memory_space<vmem>>)
      tpu.yield
    }) : () -> ()
    "tpu.region"() ({
      %run_scoped3A = tpu.sem_alloc : memref<!tpu.dma_semaphore, #tpu.memory_space<semaphore_mem>>
      tpu.enqueue_dma source(%arg4 : memref<50x128xf32, #tpu.memory_space<hbm>>) target(%arg7 : memref<50x128xf32, #tpu.memory_space<vmem>>) target_semaphore(%run_scoped3A : memref<!tpu.dma_semaphore, #tpu.memory_space<semaphore_mem>>)
      tpu.wait_dma2 semaphore(%run_scoped3A : memref<!tpu.dma_semaphore, #tpu.memory_space<semaphore_mem>>) src(%arg4 : memref<50x128xf32, #tpu.memory_space<hbm>>) dst(%arg7 : memref<50x128xf32, #tpu.memory_space<vmem>>)
      tpu.yield
    }) : () -> ()
    %dma_start3A = arith.constant 0 : i32
    %dma_start3A_3 = arith.constant 0 : i32
    %dma_start3A_4 = arith.constant 0 : i32
    %dma_start3A_5 = arith.constant 0 : i32
    %dma_start3A_6 = tpu.memref_slice %arg8[%dma_start3A_3, %dma_start3A_4, %dma_start3A_5] : memref<2x50x128xf32, #tpu.memory_space<vmem>> -> memref<1x50x128xf32, #tpu.memory_space<vmem>>
    %dma_start3A_7 = tpu.memref_squeeze %dma_start3A_6 : memref<1x50x128xf32, #tpu.memory_space<vmem>> -> memref<50x128xf32, #tpu.memory_space<vmem>>
    %dma_start3A_8 = arith.constant 0 : i32
    %dma_start3A_9 = tpu.memref_slice %arg6[%dma_start3A, %dma_start3A_8] : memref<128x50xi32, #tpu.memory_space<vmem>> -> memref<1x50xi32, #tpu.memory_space<vmem>>
    %dma_start3A_10 = tpu.memref_squeeze %dma_start3A_9 : memref<1x50xi32, #tpu.memory_space<vmem>> -> memref<50xi32, #tpu.memory_space<vmem>>
    %dma_start3A_11 = arith.constant 0 : i32
    %dma_start3A_12 = arith.constant 0 : i32
    %dma_start3A_13 = tpu.memref_slice %arg3[%dma_start3A_11, %dma_start3A_12] : memref<100000x128xf32, #tpu.memory_space<hbm>> -> memref<100000x128xf32, #tpu.memory_space<hbm>>
    tpu.enqueue_indirect_dma source(%dma_start3A_13 : memref<100000x128xf32, #tpu.memory_space<hbm>>) target(%dma_start3A_7 : memref<50x128xf32, #tpu.memory_space<vmem>>) offsets(%dma_start3A_10 : memref<50xi32, #tpu.memory_space<vmem>>) semaphore(%arg12 : memref<!tpu.dma_semaphore, #tpu.memory_space<semaphore_mem>>)
    %dma_start3A_14 = arith.constant 1 : i32
    %dma_start3A_15 = arith.constant 1 : i32
    %dma_start3A_16 = arith.constant 0 : i32
    %dma_start3A_17 = arith.constant 0 : i32
    %dma_start3A_18 = tpu.memref_slice %arg8[%dma_start3A_15, %dma_start3A_16, %dma_start3A_17] : memref<2x50x128xf32, #tpu.memory_space<vmem>> -> memref<1x50x128xf32, #tpu.memory_space<vmem>>
    %dma_start3A_19 = tpu.memref_squeeze %dma_start3A_18 : memref<1x50x128xf32, #tpu.memory_space<vmem>> -> memref<50x128xf32, #tpu.memory_space<vmem>>
    %dma_start3A_20 = arith.constant 0 : i32
    %dma_start3A_21 = tpu.memref_slice %arg6[%dma_start3A_14, %dma_start3A_20] : memref<128x50xi32, #tpu.memory_space<vmem>> -> memref<1x50xi32, #tpu.memory_space<vmem>>
    %dma_start3A_22 = tpu.memref_squeeze %dma_start3A_21 : memref<1x50xi32, #tpu.memory_space<vmem>> -> memref<50xi32, #tpu.memory_space<vmem>>
    %dma_start3A_23 = arith.constant 0 : i32
    %dma_start3A_24 = arith.constant 0 : i32
    %dma_start3A_25 = tpu.memref_slice %arg3[%dma_start3A_23, %dma_start3A_24] : memref<100000x128xf32, #tpu.memory_space<hbm>> -> memref<100000x128xf32, #tpu.memory_space<hbm>>
    tpu.enqueue_indirect_dma source(%dma_start3A_25 : memref<100000x128xf32, #tpu.memory_space<hbm>>) target(%dma_start3A_19 : memref<50x128xf32, #tpu.memory_space<vmem>>) offsets(%dma_start3A_22 : memref<50xi32, #tpu.memory_space<vmem>>) semaphore(%arg12 : memref<!tpu.dma_semaphore, #tpu.memory_space<semaphore_mem>>)
    %dma_start3A_26 = arith.constant 2 : i32
    %dma_start3A_27 = arith.constant 0 : i32
    %dma_start3A_28 = arith.constant 0 : i32
    %dma_start3A_29 = arith.constant 0 : i32
    %dma_start3A_30 = tpu.memref_slice %arg9[%dma_start3A_27, %dma_start3A_28, %dma_start3A_29] : memref<2x50x128xf32, #tpu.memory_space<vmem>> -> memref<1x50x128xf32, #tpu.memory_space<vmem>>
    %dma_start3A_31 = tpu.memref_squeeze %dma_start3A_30 : memref<1x50x128xf32, #tpu.memory_space<vmem>> -> memref<50x128xf32, #tpu.memory_space<vmem>>
    %dma_start3A_32 = arith.constant 0 : i32
    %dma_start3A_33 = tpu.memref_slice %arg6[%dma_start3A_26, %dma_start3A_32] : memref<128x50xi32, #tpu.memory_space<vmem>> -> memref<1x50xi32, #tpu.memory_space<vmem>>
    %dma_start3A_34 = tpu.memref_squeeze %dma_start3A_33 : memref<1x50xi32, #tpu.memory_space<vmem>> -> memref<50xi32, #tpu.memory_space<vmem>>
    %dma_start3A_35 = arith.constant 0 : i32
    %dma_start3A_36 = arith.constant 0 : i32
    %dma_start3A_37 = tpu.memref_slice %arg3[%dma_start3A_35, %dma_start3A_36] : memref<100000x128xf32, #tpu.memory_space<hbm>> -> memref<100000x128xf32, #tpu.memory_space<hbm>>
    tpu.enqueue_indirect_dma source(%dma_start3A_37 : memref<100000x128xf32, #tpu.memory_space<hbm>>) target(%dma_start3A_31 : memref<50x128xf32, #tpu.memory_space<vmem>>) offsets(%dma_start3A_34 : memref<50xi32, #tpu.memory_space<vmem>>) semaphore(%arg13 : memref<!tpu.dma_semaphore, #tpu.memory_space<semaphore_mem>>)
    %dma_start3A_38 = arith.constant 3 : i32
    %dma_start3A_39 = arith.constant 1 : i32
    %dma_start3A_40 = arith.constant 0 : i32
    %dma_start3A_41 = arith.constant 0 : i32
    %dma_start3A_42 = tpu.memref_slice %arg9[%dma_start3A_39, %dma_start3A_40, %dma_start3A_41] : memref<2x50x128xf32, #tpu.memory_space<vmem>> -> memref<1x50x128xf32, #tpu.memory_space<vmem>>
    %dma_start3A_43 = tpu.memref_squeeze %dma_start3A_42 : memref<1x50x128xf32, #tpu.memory_space<vmem>> -> memref<50x128xf32, #tpu.memory_space<vmem>>
    %dma_start3A_44 = arith.constant 0 : i32
    %dma_start3A_45 = tpu.memref_slice %arg6[%dma_start3A_38, %dma_start3A_44] : memref<128x50xi32, #tpu.memory_space<vmem>> -> memref<1x50xi32, #tpu.memory_space<vmem>>
    %dma_start3A_46 = tpu.memref_squeeze %dma_start3A_45 : memref<1x50xi32, #tpu.memory_space<vmem>> -> memref<50xi32, #tpu.memory_space<vmem>>
    %dma_start3A_47 = arith.constant 0 : i32
    %dma_start3A_48 = arith.constant 0 : i32
    %dma_start3A_49 = tpu.memref_slice %arg3[%dma_start3A_47, %dma_start3A_48] : memref<100000x128xf32, #tpu.memory_space<hbm>> -> memref<100000x128xf32, #tpu.memory_space<hbm>>
    tpu.enqueue_indirect_dma source(%dma_start3A_49 : memref<100000x128xf32, #tpu.memory_space<hbm>>) target(%dma_start3A_43 : memref<50x128xf32, #tpu.memory_space<vmem>>) offsets(%dma_start3A_46 : memref<50xi32, #tpu.memory_space<vmem>>) semaphore(%arg13 : memref<!tpu.dma_semaphore, #tpu.memory_space<semaphore_mem>>)
    %dma_start3A_50 = arith.constant 4 : i32
    %dma_start3A_51 = arith.constant 0 : i32
    %dma_start3A_52 = arith.constant 0 : i32
    %dma_start3A_53 = arith.constant 0 : i32
    %dma_start3A_54 = tpu.memref_slice %arg10[%dma_start3A_51, %dma_start3A_52, %dma_start3A_53] : memref<2x50x128xf32, #tpu.memory_space<vmem>> -> memref<1x50x128xf32, #tpu.memory_space<vmem>>
    %dma_start3A_55 = tpu.memref_squeeze %dma_start3A_54 : memref<1x50x128xf32, #tpu.memory_space<vmem>> -> memref<50x128xf32, #tpu.memory_space<vmem>>
    %dma_start3A_56 = arith.constant 0 : i32
    %dma_start3A_57 = tpu.memref_slice %arg6[%dma_start3A_50, %dma_start3A_56] : memref<128x50xi32, #tpu.memory_space<vmem>> -> memref<1x50xi32, #tpu.memory_space<vmem>>
    %dma_start3A_58 = tpu.memref_squeeze %dma_start3A_57 : memref<1x50xi32, #tpu.memory_space<vmem>> -> memref<50xi32, #tpu.memory_space<vmem>>
    %dma_start3A_59 = arith.constant 0 : i32
    %dma_start3A_60 = arith.constant 0 : i32
    %dma_start3A_61 = tpu.memref_slice %arg3[%dma_start3A_59, %dma_start3A_60] : memref<100000x128xf32, #tpu.memory_space<hbm>> -> memref<100000x128xf32, #tpu.memory_space<hbm>>
    tpu.enqueue_indirect_dma source(%dma_start3A_61 : memref<100000x128xf32, #tpu.memory_space<hbm>>) target(%dma_start3A_55 : memref<50x128xf32, #tpu.memory_space<vmem>>) offsets(%dma_start3A_58 : memref<50xi32, #tpu.memory_space<vmem>>) semaphore(%arg14 : memref<!tpu.dma_semaphore, #tpu.memory_space<semaphore_mem>>)
    %dma_start3A_62 = arith.constant 5 : i32
    %dma_start3A_63 = arith.constant 1 : i32
    %dma_start3A_64 = arith.constant 0 : i32
    %dma_start3A_65 = arith.constant 0 : i32
    %dma_start3A_66 = tpu.memref_slice %arg10[%dma_start3A_63, %dma_start3A_64, %dma_start3A_65] : memref<2x50x128xf32, #tpu.memory_space<vmem>> -> memref<1x50x128xf32, #tpu.memory_space<vmem>>
    %dma_start3A_67 = tpu.memref_squeeze %dma_start3A_66 : memref<1x50x128xf32, #tpu.memory_space<vmem>> -> memref<50x128xf32, #tpu.memory_space<vmem>>
    %dma_start3A_68 = arith.constant 0 : i32
    %dma_start3A_69 = tpu.memref_slice %arg6[%dma_start3A_62, %dma_start3A_68] : memref<128x50xi32, #tpu.memory_space<vmem>> -> memref<1x50xi32, #tpu.memory_space<vmem>>
    %dma_start3A_70 = tpu.memref_squeeze %dma_start3A_69 : memref<1x50xi32, #tpu.memory_space<vmem>> -> memref<50xi32, #tpu.memory_space<vmem>>
    %dma_start3A_71 = arith.constant 0 : i32
    %dma_start3A_72 = arith.constant 0 : i32
    %dma_start3A_73 = tpu.memref_slice %arg3[%dma_start3A_71, %dma_start3A_72] : memref<100000x128xf32, #tpu.memory_space<hbm>> -> memref<100000x128xf32, #tpu.memory_space<hbm>>
    tpu.enqueue_indirect_dma source(%dma_start3A_73 : memref<100000x128xf32, #tpu.memory_space<hbm>>) target(%dma_start3A_67 : memref<50x128xf32, #tpu.memory_space<vmem>>) offsets(%dma_start3A_70 : memref<50xi32, #tpu.memory_space<vmem>>) semaphore(%arg14 : memref<!tpu.dma_semaphore, #tpu.memory_space<semaphore_mem>>)
    %dma_wait3A = arith.constant 0 : i32
    %dma_wait3A_74 = arith.constant 0 : i32
    %dma_wait3A_75 = arith.constant 0 : i32
    %dma_wait3A_76 = arith.constant 0 : i32
    %dma_wait3A_77 = tpu.memref_slice %arg8[%dma_wait3A_74, %dma_wait3A_75, %dma_wait3A_76] : memref<2x50x128xf32, #tpu.memory_space<vmem>> -> memref<1x50x128xf32, #tpu.memory_space<vmem>>
    %dma_wait3A_78 = tpu.memref_squeeze %dma_wait3A_77 : memref<1x50x128xf32, #tpu.memory_space<vmem>> -> memref<50x128xf32, #tpu.memory_space<vmem>>
    %dma_wait3A_79 = arith.constant 0 : i32
    %dma_wait3A_80 = tpu.memref_slice %arg6[%dma_wait3A, %dma_wait3A_79] : memref<128x50xi32, #tpu.memory_space<vmem>> -> memref<1x50xi32, #tpu.memory_space<vmem>>
    %dma_wait3A_81 = tpu.memref_squeeze %dma_wait3A_80 : memref<1x50xi32, #tpu.memory_space<vmem>> -> memref<50xi32, #tpu.memory_space<vmem>>
    %dma_wait3A_82 = arith.constant 0 : i32
    %dma_wait3A_83 = arith.constant 0 : i32
    %dma_wait3A_84 = tpu.memref_slice %arg3[%dma_wait3A_82, %dma_wait3A_83] : memref<100000x128xf32, #tpu.memory_space<hbm>> -> memref<100000x128xf32, #tpu.memory_space<hbm>>
    tpu.wait_indirect_dma semaphore(%arg12 : memref<!tpu.dma_semaphore, #tpu.memory_space<semaphore_mem>>) src(%dma_wait3A_84 : memref<100000x128xf32, #tpu.memory_space<hbm>>) dst(%dma_wait3A_78 : memref<50x128xf32, #tpu.memory_space<vmem>>)
    %dma_wait3A_85 = arith.constant 0 : i32
    %dma_wait3A_86 = arith.constant 0 : i32
    %dma_wait3A_87 = arith.constant 0 : i32
    %dma_wait3A_88 = arith.constant 0 : i32
    %dma_wait3A_89 = tpu.memref_slice %arg8[%dma_wait3A_86, %dma_wait3A_87, %dma_wait3A_88] : memref<2x50x128xf32, #tpu.memory_space<vmem>> -> memref<1x50x128xf32, #tpu.memory_space<vmem>>
    %dma_wait3A_90 = tpu.memref_squeeze %dma_wait3A_89 : memref<1x50x128xf32, #tpu.memory_space<vmem>> -> memref<50x128xf32, #tpu.memory_space<vmem>>
    %dma_wait3A_91 = arith.constant 0 : i32
    %dma_wait3A_92 = tpu.memref_slice %arg6[%dma_wait3A_85, %dma_wait3A_91] : memref<128x50xi32, #tpu.memory_space<vmem>> -> memref<1x50xi32, #tpu.memory_space<vmem>>
    %dma_wait3A_93 = tpu.memref_squeeze %dma_wait3A_92 : memref<1x50xi32, #tpu.memory_space<vmem>> -> memref<50xi32, #tpu.memory_space<vmem>>
    %dma_wait3A_94 = arith.constant 0 : i32
    %dma_wait3A_95 = arith.constant 0 : i32
    %dma_wait3A_96 = tpu.memref_slice %arg3[%dma_wait3A_94, %dma_wait3A_95] : memref<100000x128xf32, #tpu.memory_space<hbm>> -> memref<100000x128xf32, #tpu.memory_space<hbm>>
    tpu.wait_indirect_dma semaphore(%arg12 : memref<!tpu.dma_semaphore, #tpu.memory_space<semaphore_mem>>) src(%dma_wait3A_96 : memref<100000x128xf32, #tpu.memory_space<hbm>>) dst(%dma_wait3A_90 : memref<50x128xf32, #tpu.memory_space<vmem>>)
    %scan3A = arith.constant 0 : i32
    %scan3A_97 = arith.constant 0 : i32
    %scan3A_98 = arith.constant 50 : i32
    %scan3A_99 = arith.addi %scan3A_97, %scan3A_98 : i32
    %scan3A_100 = arith.constant 1 : i32
    scf.for %scan3A_286 = %scan3A_97 to %scan3A_99 step %scan3A_100  : i32 {
      %get3A = arith.index_cast %scan3A_286 : i32 to index
      %get3A_287 = arith.constant 0 : index
      %get3A_288 = tpu.vector_load %arg7[%get3A, %get3A_287] {strides = array<i32>} : memref<50x128xf32, #tpu.memory_space<vmem>>, vector<1x16xf32>,
      %get3A_289 = vector.shape_cast %get3A_288 : vector<1x16xf32> to vector<16xf32>
      %get3A_290 = arith.constant 0 : i32
      %get3A_291 = arith.index_cast %get3A_290 : i32 to index
      %get3A_292 = arith.index_cast %scan3A_286 : i32 to index
      %get3A_293 = arith.constant 0 : index
      %get3A_294 = tpu.vector_load %arg8[%get3A_291, %get3A_292, %get3A_293] {strides = array<i32>} : memref<2x50x128xf32, #tpu.memory_space<vmem>>, vector<1x1x16xf32>,
      %get3A_295 = vector.shape_cast %get3A_294 : vector<1x1x16xf32> to vector<16xf32>
      %add3A_296 = arith.addf %get3A_295, %get3A_289 : vector<16xf32>
      %swap3A = arith.constant 0 : i32
      %swap3A_297 = arith.index_cast %swap3A : i32 to index
      %swap3A_298 = arith.index_cast %scan3A_286 : i32 to index
      %swap3A_299 = arith.constant 0 : index
      %swap3A_300 = tpu.vector_load %arg8[%swap3A_297, %swap3A_298, %swap3A_299] {strides = array<i32>} : memref<2x50x128xf32, #tpu.memory_space<vmem>>, vector<1x1x16xf32>,
      %swap3A_301 = vector.shape_cast %swap3A_300 : vector<1x1x16xf32> to vector<16xf32>
      %swap3A_302 = vector.shape_cast %add3A_296 : vector<16xf32> to vector<1x1x16xf32>
      tpu.vector_store %arg8[%swap3A_297, %swap3A_298, %swap3A_299], %swap3A_302 {strides = array<i32>} : memref<2x50x128xf32, #tpu.memory_space<vmem>>, vector<1x1x16xf32>,
      %get3A_303 = arith.constant 1 : i32
      %get3A_304 = arith.index_cast %get3A_303 : i32 to index
      %get3A_305 = arith.index_cast %scan3A_286 : i32 to index
      %get3A_306 = arith.constant 0 : index
      %get3A_307 = tpu.vector_load %arg8[%get3A_304, %get3A_305, %get3A_306] {strides = array<i32>} : memref<2x50x128xf32, #tpu.memory_space<vmem>>, vector<1x1x16xf32>,
      %get3A_308 = vector.shape_cast %get3A_307 : vector<1x1x16xf32> to vector<16xf32>
      %add3A_309 = arith.addf %get3A_308, %get3A_289 : vector<16xf32>
      %swap3A_310 = arith.constant 1 : i32
      %swap3A_311 = arith.index_cast %swap3A_310 : i32 to index
      %swap3A_312 = arith.index_cast %scan3A_286 : i32 to index
      %swap3A_313 = arith.constant 0 : index
      %swap3A_314 = tpu.vector_load %arg8[%swap3A_311, %swap3A_312, %swap3A_313] {strides = array<i32>} : memref<2x50x128xf32, #tpu.memory_space<vmem>>, vector<1x1x16xf32>,
      %swap3A_315 = vector.shape_cast %swap3A_314 : vector<1x1x16xf32> to vector<16xf32>
      %swap3A_316 = vector.shape_cast %add3A_309 : vector<16xf32> to vector<1x1x16xf32>
      tpu.vector_store %arg8[%swap3A_311, %swap3A_312, %swap3A_313], %swap3A_316 {strides = array<i32>} : memref<2x50x128xf32, #tpu.memory_space<vmem>>, vector<1x1x16xf32>,
      %get3A_317 = arith.index_cast %scan3A_286 : i32 to index
      %get3A_318 = arith.constant 16 : index
      %get3A_319 = tpu.vector_load %arg7[%get3A_317, %get3A_318] {strides = array<i32>} : memref<50x128xf32, #tpu.memory_space<vmem>>, vector<1x16xf32>,
      %get3A_320 = vector.shape_cast %get3A_319 : vector<1x16xf32> to vector<16xf32>
      %get3A_321 = arith.constant 0 : i32
      %get3A_322 = arith.index_cast %get3A_321 : i32 to index
      %get3A_323 = arith.index_cast %scan3A_286 : i32 to index
      %get3A_324 = arith.constant 16 : index
      %get3A_325 = tpu.vector_load %arg8[%get3A_322, %get3A_323, %get3A_324] {strides = array<i32>} : memref<2x50x128xf32, #tpu.memory_space<vmem>>, vector<1x1x16xf32>,
      %get3A_326 = vector.shape_cast %get3A_325 : vector<1x1x16xf32> to vector<16xf32>
      %add3A_327 = arith.addf %get3A_326, %get3A_320 : vector<16xf32>
      %swap3A_328 = arith.constant 0 : i32
      %swap3A_329 = arith.index_cast %swap3A_328 : i32 to index
      %swap3A_330 = arith.index_cast %scan3A_286 : i32 to index
      %swap3A_331 = arith.constant 16 : index
      %swap3A_332 = tpu.vector_load %arg8[%swap3A_329, %swap3A_330, %swap3A_331] {strides = array<i32>} : memref<2x50x128xf32, #tpu.memory_space<vmem>>, vector<1x1x16xf32>,
      %swap3A_333 = vector.shape_cast %swap3A_332 : vector<1x1x16xf32> to vector<16xf32>
      %swap3A_334 = vector.shape_cast %add3A_327 : vector<16xf32> to vector<1x1x16xf32>
      tpu.vector_store %arg8[%swap3A_329, %swap3A_330, %swap3A_331], %swap3A_334 {strides = array<i32>} : memref<2x50x128xf32, #tpu.memory_space<vmem>>, vector<1x1x16xf32>,
      %get3A_335 = arith.constant 1 : i32
      %get3A_336 = arith.index_cast %get3A_335 : i32 to index
      %get3A_337 = arith.index_cast %scan3A_286 : i32 to index
      %get3A_338 = arith.constant 16 : index
      %get3A_339 = tpu.vector_load %arg8[%get3A_336, %get3A_337, %get3A_338] {strides = array<i32>} : memref<2x50x128xf32, #tpu.memory_space<vmem>>, vector<1x1x16xf32>,
      %get3A_340 = vector.shape_cast %get3A_339 : vector<1x1x16xf32> to vector<16xf32>
      %add3A_341 = arith.addf %get3A_340, %get3A_320 : vector<16xf32>
      %swap3A_342 = arith.constant 1 : i32
      %swap3A_343 = arith.index_cast %swap3A_342 : i32 to index
      %swap3A_344 = arith.index_cast %scan3A_286 : i32 to index
      %swap3A_345 = arith.constant 16 : index
      %swap3A_346 = tpu.vector_load %arg8[%swap3A_343, %swap3A_344, %swap3A_345] {strides = array<i32>} : memref<2x50x128xf32, #tpu.memory_space<vmem>>, vector<1x1x16xf32>,
      %swap3A_347 = vector.shape_cast %swap3A_346 : vector<1x1x16xf32> to vector<16xf32>
      %swap3A_348 = vector.shape_cast %add3A_341 : vector<16xf32> to vector<1x1x16xf32>
      tpu.vector_store %arg8[%swap3A_343, %swap3A_344, %swap3A_345], %swap3A_348 {strides = array<i32>} : memref<2x50x128xf32, #tpu.memory_space<vmem>>, vector<1x1x16xf32>,
      %get3A_349 = arith.index_cast %scan3A_286 : i32 to index
      %get3A_350 = arith.constant 32 : index
      %get3A_351 = tpu.vector_load %arg7[%get3A_349, %get3A_350] {strides = array<i32>} : memref<50x128xf32, #tpu.memory_space<vmem>>, vector<1x16xf32>,
      %get3A_352 = vector.shape_cast %get3A_351 : vector<1x16xf32> to vector<16xf32>
      %get3A_353 = arith.constant 0 : i32
      %get3A_354 = arith.index_cast %get3A_353 : i32 to index
      %get3A_355 = arith.index_cast %scan3A_286 : i32 to index
      %get3A_356 = arith.constant 32 : index
      %get3A_357 = tpu.vector_load %arg8[%get3A_354, %get3A_355, %get3A_356] {strides = array<i32>} : memref<2x50x128xf32, #tpu.memory_space<vmem>>, vector<1x1x16xf32>,
      %get3A_358 = vector.shape_cast %get3A_357 : vector<1x1x16xf32> to vector<16xf32>
      %add3A_359 = arith.addf %get3A_358, %get3A_352 : vector<16xf32>
      %swap3A_360 = arith.constant 0 : i32
      %swap3A_361 = arith.index_cast %swap3A_360 : i32 to index
      %swap3A_362 = arith.index_cast %scan3A_286 : i32 to index
      %swap3A_363 = arith.constant 32 : index
      %swap3A_364 = tpu.vector_load %arg8[%swap3A_361, %swap3A_362, %swap3A_363] {strides = array<i32>} : memref<2x50x128xf32, #tpu.memory_space<vmem>>, vector<1x1x16xf32>,
      %swap3A_365 = vector.shape_cast %swap3A_364 : vector<1x1x16xf32> to vector<16xf32>
      %swap3A_366 = vector.shape_cast %add3A_359 : vector<16xf32> to vector<1x1x16xf32>
      tpu.vector_store %arg8[%swap3A_361, %swap3A_362, %swap3A_363], %swap3A_366 {strides = array<i32>} : memref<2x50x128xf32, #tpu.memory_space<vmem>>, vector<1x1x16xf32>,
      %get3A_367 = arith.constant 1 : i32
      %get3A_368 = arith.index_cast %get3A_367 : i32 to index
      %get3A_369 = arith.index_cast %scan3A_286 : i32 to index
      %get3A_370 = arith.constant 32 : index
      %get3A_371 = tpu.vector_load %arg8[%get3A_368, %get3A_369, %get3A_370] {strides = array<i32>} : memref<2x50x128xf32, #tpu.memory_space<vmem>>, vector<1x1x16xf32>,
      %get3A_372 = vector.shape_cast %get3A_371 : vector<1x1x16xf32> to vector<16xf32>
      %add3A_373 = arith.addf %get3A_372, %get3A_352 : vector<16xf32>
      %swap3A_374 = arith.constant 1 : i32
      %swap3A_375 = arith.index_cast %swap3A_374 : i32 to index
      %swap3A_376 = arith.index_cast %scan3A_286 : i32 to index
      %swap3A_377 = arith.constant 32 : index
      %swap3A_378 = tpu.vector_load %arg8[%swap3A_375, %swap3A_376, %swap3A_377] {strides = array<i32>} : memref<2x50x128xf32, #tpu.memory_space<vmem>>, vector<1x1x16xf32>,
      %swap3A_379 = vector.shape_cast %swap3A_378 : vector<1x1x16xf32> to vector<16xf32>
      %swap3A_380 = vector.shape_cast %add3A_373 : vector<16xf32> to vector<1x1x16xf32>
      tpu.vector_store %arg8[%swap3A_375, %swap3A_376, %swap3A_377], %swap3A_380 {strides = array<i32>} : memref<2x50x128xf32, #tpu.memory_space<vmem>>, vector<1x1x16xf32>,
      %get3A_381 = arith.index_cast %scan3A_286 : i32 to index
      %get3A_382 = arith.constant 48 : index
      %get3A_383 = tpu.vector_load %arg7[%get3A_381, %get3A_382] {strides = array<i32>} : memref<50x128xf32, #tpu.memory_space<vmem>>, vector<1x16xf32>,
      %get3A_384 = vector.shape_cast %get3A_383 : vector<1x16xf32> to vector<16xf32>
      %get3A_385 = arith.constant 0 : i32
      %get3A_386 = arith.index_cast %get3A_385 : i32 to index
      %get3A_387 = arith.index_cast %scan3A_286 : i32 to index
      %get3A_388 = arith.constant 48 : index
      %get3A_389 = tpu.vector_load %arg8[%get3A_386, %get3A_387, %get3A_388] {strides = array<i32>} : memref<2x50x128xf32, #tpu.memory_space<vmem>>, vector<1x1x16xf32>,
      %get3A_390 = vector.shape_cast %get3A_389 : vector<1x1x16xf32> to vector<16xf32>
      %add3A_391 = arith.addf %get3A_390, %get3A_384 : vector<16xf32>
      %swap3A_392 = arith.constant 0 : i32
      %swap3A_393 = arith.index_cast %swap3A_392 : i32 to index
      %swap3A_394 = arith.index_cast %scan3A_286 : i32 to index
      %swap3A_395 = arith.constant 48 : index
      %swap3A_396 = tpu.vector_load %arg8[%swap3A_393, %swap3A_394, %swap3A_395] {strides = array<i32>} : memref<2x50x128xf32, #tpu.memory_space<vmem>>, vector<1x1x16xf32>,
      %swap3A_397 = vector.shape_cast %swap3A_396 : vector<1x1x16xf32> to vector<16xf32>
      %swap3A_398 = vector.shape_cast %add3A_391 : vector<16xf32> to vector<1x1x16xf32>
      tpu.vector_store %arg8[%swap3A_393, %swap3A_394, %swap3A_395], %swap3A_398 {strides = array<i32>} : memref<2x50x128xf32, #tpu.memory_space<vmem>>, vector<1x1x16xf32>,
      %get3A_399 = arith.constant 1 : i32
      %get3A_400 = arith.index_cast %get3A_399 : i32 to index
      %get3A_401 = arith.index_cast %scan3A_286 : i32 to index
      %get3A_402 = arith.constant 48 : index
      %get3A_403 = tpu.vector_load %arg8[%get3A_400, %get3A_401, %get3A_402] {strides = array<i32>} : memref<2x50x128xf32, #tpu.memory_space<vmem>>, vector<1x1x16xf32>,
      %get3A_404 = vector.shape_cast %get3A_403 : vector<1x1x16xf32> to vector<16xf32>
      %add3A_405 = arith.addf %get3A_404, %get3A_384 : vector<16xf32>
      %swap3A_406 = arith.constant 1 : i32
      %swap3A_407 = arith.index_cast %swap3A_406 : i32 to index
      %swap3A_408 = arith.index_cast %scan3A_286 : i32 to index
      %swap3A_409 = arith.constant 48 : index
      %swap3A_410 = tpu.vector_load %arg8[%swap3A_407, %swap3A_408, %swap3A_409] {strides = array<i32>} : memref<2x50x128xf32, #tpu.memory_space<vmem>>, vector<1x1x16xf32>,
      %swap3A_411 = vector.shape_cast %swap3A_410 : vector<1x1x16xf32> to vector<16xf32>
      %swap3A_412 = vector.shape_cast %add3A_405 : vector<16xf32> to vector<1x1x16xf32>
      tpu.vector_store %arg8[%swap3A_407, %swap3A_408, %swap3A_409], %swap3A_412 {strides = array<i32>} : memref<2x50x128xf32, #tpu.memory_space<vmem>>, vector<1x1x16xf32>,
      %get3A_413 = arith.index_cast %scan3A_286 : i32 to index
      %get3A_414 = arith.constant 64 : index
      %get3A_415 = tpu.vector_load %arg7[%get3A_413, %get3A_414] {strides = array<i32>} : memref<50x128xf32, #tpu.memory_space<vmem>>, vector<1x16xf32>,
      %get3A_416 = vector.shape_cast %get3A_415 : vector<1x16xf32> to vector<16xf32>
      %get3A_417 = arith.constant 0 : i32
      %get3A_418 = arith.index_cast %get3A_417 : i32 to index
      %get3A_419 = arith.index_cast %scan3A_286 : i32 to index
      %get3A_420 = arith.constant 64 : index
      %get3A_421 = tpu.vector_load %arg8[%get3A_418, %get3A_419, %get3A_420] {strides = array<i32>} : memref<2x50x128xf32, #tpu.memory_space<vmem>>, vector<1x1x16xf32>,
      %get3A_422 = vector.shape_cast %get3A_421 : vector<1x1x16xf32> to vector<16xf32>
      %add3A_423 = arith.addf %get3A_422, %get3A_416 : vector<16xf32>
      %swap3A_424 = arith.constant 0 : i32
      %swap3A_425 = arith.index_cast %swap3A_424 : i32 to index
      %swap3A_426 = arith.index_cast %scan3A_286 : i32 to index
      %swap3A_427 = arith.constant 64 : index
      %swap3A_428 = tpu.vector_load %arg8[%swap3A_425, %swap3A_426, %swap3A_427] {strides = array<i32>} : memref<2x50x128xf32, #tpu.memory_space<vmem>>, vector<1x1x16xf32>,
      %swap3A_429 = vector.shape_cast %swap3A_428 : vector<1x1x16xf32> to vector<16xf32>
      %swap3A_430 = vector.shape_cast %add3A_423 : vector<16xf32> to vector<1x1x16xf32>
      tpu.vector_store %arg8[%swap3A_425, %swap3A_426, %swap3A_427], %swap3A_430 {strides = array<i32>} : memref<2x50x128xf32, #tpu.memory_space<vmem>>, vector<1x1x16xf32>,
      %get3A_431 = arith.constant 1 : i32
      %get3A_432 = arith.index_cast %get3A_431 : i32 to index
      %get3A_433 = arith.index_cast %scan3A_286 : i32 to index
      %get3A_434 = arith.constant 64 : index
      %get3A_435 = tpu.vector_load %arg8[%get3A_432, %get3A_433, %get3A_434] {strides = array<i32>} : memref<2x50x128xf32, #tpu.memory_space<vmem>>, vector<1x1x16xf32>,
      %get3A_436 = vector.shape_cast %get3A_435 : vector<1x1x16xf32> to vector<16xf32>
      %add3A_437 = arith.addf %get3A_436, %get3A_416 : vector<16xf32>
      %swap3A_438 = arith.constant 1 : i32
      %swap3A_439 = arith.index_cast %swap3A_438 : i32 to index
      %swap3A_440 = arith.index_cast %scan3A_286 : i32 to index
      %swap3A_441 = arith.constant 64 : index
      %swap3A_442 = tpu.vector_load %arg8[%swap3A_439, %swap3A_440, %swap3A_441] {strides = array<i32>} : memref<2x50x128xf32, #tpu.memory_space<vmem>>, vector<1x1x16xf32>,
      %swap3A_443 = vector.shape_cast %swap3A_442 : vector<1x1x16xf32> to vector<16xf32>
      %swap3A_444 = vector.shape_cast %add3A_437 : vector<16xf32> to vector<1x1x16xf32>
      tpu.vector_store %arg8[%swap3A_439, %swap3A_440, %swap3A_441], %swap3A_444 {strides = array<i32>} : memref<2x50x128xf32, #tpu.memory_space<vmem>>, vector<1x1x16xf32>,
      %get3A_445 = arith.index_cast %scan3A_286 : i32 to index
      %get3A_446 = arith.constant 80 : index
      %get3A_447 = tpu.vector_load %arg7[%get3A_445, %get3A_446] {strides = array<i32>} : memref<50x128xf32, #tpu.memory_space<vmem>>, vector<1x16xf32>,
      %get3A_448 = vector.shape_cast %get3A_447 : vector<1x16xf32> to vector<16xf32>
      %get3A_449 = arith.constant 0 : i32
      %get3A_450 = arith.index_cast %get3A_449 : i32 to index
      %get3A_451 = arith.index_cast %scan3A_286 : i32 to index
      %get3A_452 = arith.constant 80 : index
      %get3A_453 = tpu.vector_load %arg8[%get3A_450, %get3A_451, %get3A_452] {strides = array<i32>} : memref<2x50x128xf32, #tpu.memory_space<vmem>>, vector<1x1x16xf32>,
      %get3A_454 = vector.shape_cast %get3A_453 : vector<1x1x16xf32> to vector<16xf32>
      %add3A_455 = arith.addf %get3A_454, %get3A_448 : vector<16xf32>
      %swap3A_456 = arith.constant 0 : i32
      %swap3A_457 = arith.index_cast %swap3A_456 : i32 to index
      %swap3A_458 = arith.index_cast %scan3A_286 : i32 to index
      %swap3A_459 = arith.constant 80 : index
      %swap3A_460 = tpu.vector_load %arg8[%swap3A_457, %swap3A_458, %swap3A_459] {strides = array<i32>} : memref<2x50x128xf32, #tpu.memory_space<vmem>>, vector<1x1x16xf32>,
      %swap3A_461 = vector.shape_cast %swap3A_460 : vector<1x1x16xf32> to vector<16xf32>
      %swap3A_462 = vector.shape_cast %add3A_455 : vector<16xf32> to vector<1x1x16xf32>
      tpu.vector_store %arg8[%swap3A_457, %swap3A_458, %swap3A_459], %swap3A_462 {strides = array<i32>} : memref<2x50x128xf32, #tpu.memory_space<vmem>>, vector<1x1x16xf32>,
      %get3A_463 = arith.constant 1 : i32
      %get3A_464 = arith.index_cast %get3A_463 : i32 to index
      %get3A_465 = arith.index_cast %scan3A_286 : i32 to index
      %get3A_466 = arith.constant 80 : index
      %get3A_467 = tpu.vector_load %arg8[%get3A_464, %get3A_465, %get3A_466] {strides = array<i32>} : memref<2x50x128xf32, #tpu.memory_space<vmem>>, vector<1x1x16xf32>,
      %get3A_468 = vector.shape_cast %get3A_467 : vector<1x1x16xf32> to vector<16xf32>
      %add3A_469 = arith.addf %get3A_468, %get3A_448 : vector<16xf32>
      %swap3A_470 = arith.constant 1 : i32
      %swap3A_471 = arith.index_cast %swap3A_470 : i32 to index
      %swap3A_472 = arith.index_cast %scan3A_286 : i32 to index
      %swap3A_473 = arith.constant 80 : index
      %swap3A_474 = tpu.vector_load %arg8[%swap3A_471, %swap3A_472, %swap3A_473] {strides = array<i32>} : memref<2x50x128xf32, #tpu.memory_space<vmem>>, vector<1x1x16xf32>,
      %swap3A_475 = vector.shape_cast %swap3A_474 : vector<1x1x16xf32> to vector<16xf32>
      %swap3A_476 = vector.shape_cast %add3A_469 : vector<16xf32> to vector<1x1x16xf32>
      tpu.vector_store %arg8[%swap3A_471, %swap3A_472, %swap3A_473], %swap3A_476 {strides = array<i32>} : memref<2x50x128xf32, #tpu.memory_space<vmem>>, vector<1x1x16xf32>,
      %get3A_477 = arith.index_cast %scan3A_286 : i32 to index
      %get3A_478 = arith.constant 96 : index
      %get3A_479 = tpu.vector_load %arg7[%get3A_477, %get3A_478] {strides = array<i32>} : memref<50x128xf32, #tpu.memory_space<vmem>>, vector<1x16xf32>,
      %get3A_480 = vector.shape_cast %get3A_479 : vector<1x16xf32> to vector<16xf32>
      %get3A_481 = arith.constant 0 : i32
      %get3A_482 = arith.index_cast %get3A_481 : i32 to index
      %get3A_483 = arith.index_cast %scan3A_286 : i32 to index
      %get3A_484 = arith.constant 96 : index
      %get3A_485 = tpu.vector_load %arg8[%get3A_482, %get3A_483, %get3A_484] {strides = array<i32>} : memref<2x50x128xf32, #tpu.memory_space<vmem>>, vector<1x1x16xf32>,
      %get3A_486 = vector.shape_cast %get3A_485 : vector<1x1x16xf32> to vector<16xf32>
      %add3A_487 = arith.addf %get3A_486, %get3A_480 : vector<16xf32>
      %swap3A_488 = arith.constant 0 : i32
      %swap3A_489 = arith.index_cast %swap3A_488 : i32 to index
      %swap3A_490 = arith.index_cast %scan3A_286 : i32 to index
      %swap3A_491 = arith.constant 96 : index
      %swap3A_492 = tpu.vector_load %arg8[%swap3A_489, %swap3A_490, %swap3A_491] {strides = array<i32>} : memref<2x50x128xf32, #tpu.memory_space<vmem>>, vector<1x1x16xf32>,
      %swap3A_493 = vector.shape_cast %swap3A_492 : vector<1x1x16xf32> to vector<16xf32>
      %swap3A_494 = vector.shape_cast %add3A_487 : vector<16xf32> to vector<1x1x16xf32>
      tpu.vector_store %arg8[%swap3A_489, %swap3A_490, %swap3A_491], %swap3A_494 {strides = array<i32>} : memref<2x50x128xf32, #tpu.memory_space<vmem>>, vector<1x1x16xf32>,
      %get3A_495 = arith.constant 1 : i32
      %get3A_496 = arith.index_cast %get3A_495 : i32 to index
      %get3A_497 = arith.index_cast %scan3A_286 : i32 to index
      %get3A_498 = arith.constant 96 : index
      %get3A_499 = tpu.vector_load %arg8[%get3A_496, %get3A_497, %get3A_498] {strides = array<i32>} : memref<2x50x128xf32, #tpu.memory_space<vmem>>, vector<1x1x16xf32>,
      %get3A_500 = vector.shape_cast %get3A_499 : vector<1x1x16xf32> to vector<16xf32>
      %add3A_501 = arith.addf %get3A_500, %get3A_480 : vector<16xf32>
      %swap3A_502 = arith.constant 1 : i32
      %swap3A_503 = arith.index_cast %swap3A_502 : i32 to index
      %swap3A_504 = arith.index_cast %scan3A_286 : i32 to index
      %swap3A_505 = arith.constant 96 : index
      %swap3A_506 = tpu.vector_load %arg8[%swap3A_503, %swap3A_504, %swap3A_505] {strides = array<i32>} : memref<2x50x128xf32, #tpu.memory_space<vmem>>, vector<1x1x16xf32>,
      %swap3A_507 = vector.shape_cast %swap3A_506 : vector<1x1x16xf32> to vector<16xf32>
      %swap3A_508 = vector.shape_cast %add3A_501 : vector<16xf32> to vector<1x1x16xf32>
      tpu.vector_store %arg8[%swap3A_503, %swap3A_504, %swap3A_505], %swap3A_508 {strides = array<i32>} : memref<2x50x128xf32, #tpu.memory_space<vmem>>, vector<1x1x16xf32>,
      %get3A_509 = arith.index_cast %scan3A_286 : i32 to index
      %get3A_510 = arith.constant 112 : index
      %get3A_511 = tpu.vector_load %arg7[%get3A_509, %get3A_510] {strides = array<i32>} : memref<50x128xf32, #tpu.memory_space<vmem>>, vector<1x16xf32>,
      %get3A_512 = vector.shape_cast %get3A_511 : vector<1x16xf32> to vector<16xf32>
      %get3A_513 = arith.constant 0 : i32
      %get3A_514 = arith.index_cast %get3A_513 : i32 to index
      %get3A_515 = arith.index_cast %scan3A_286 : i32 to index
      %get3A_516 = arith.constant 112 : index
      %get3A_517 = tpu.vector_load %arg8[%get3A_514, %get3A_515, %get3A_516] {strides = array<i32>} : memref<2x50x128xf32, #tpu.memory_space<vmem>>, vector<1x1x16xf32>,
      %get3A_518 = vector.shape_cast %get3A_517 : vector<1x1x16xf32> to vector<16xf32>
      %add3A_519 = arith.addf %get3A_518, %get3A_512 : vector<16xf32>
      %swap3A_520 = arith.constant 0 : i32
      %swap3A_521 = arith.index_cast %swap3A_520 : i32 to index
      %swap3A_522 = arith.index_cast %scan3A_286 : i32 to index
      %swap3A_523 = arith.constant 112 : index
      %swap3A_524 = tpu.vector_load %arg8[%swap3A_521, %swap3A_522, %swap3A_523] {strides = array<i32>} : memref<2x50x128xf32, #tpu.memory_space<vmem>>, vector<1x1x16xf32>,
      %swap3A_525 = vector.shape_cast %swap3A_524 : vector<1x1x16xf32> to vector<16xf32>
      %swap3A_526 = vector.shape_cast %add3A_519 : vector<16xf32> to vector<1x1x16xf32>
      tpu.vector_store %arg8[%swap3A_521, %swap3A_522, %swap3A_523], %swap3A_526 {strides = array<i32>} : memref<2x50x128xf32, #tpu.memory_space<vmem>>, vector<1x1x16xf32>,
      %get3A_527 = arith.constant 1 : i32
      %get3A_528 = arith.index_cast %get3A_527 : i32 to index
      %get3A_529 = arith.index_cast %scan3A_286 : i32 to index
      %get3A_530 = arith.constant 112 : index
      %get3A_531 = tpu.vector_load %arg8[%get3A_528, %get3A_529, %get3A_530] {strides = array<i32>} : memref<2x50x128xf32, #tpu.memory_space<vmem>>, vector<1x1x16xf32>,
      %get3A_532 = vector.shape_cast %get3A_531 : vector<1x1x16xf32> to vector<16xf32>
      %add3A_533 = arith.addf %get3A_532, %get3A_512 : vector<16xf32>
      %swap3A_534 = arith.constant 1 : i32
      %swap3A_535 = arith.index_cast %swap3A_534 : i32 to index
      %swap3A_536 = arith.index_cast %scan3A_286 : i32 to index
      %swap3A_537 = arith.constant 112 : index
      %swap3A_538 = tpu.vector_load %arg8[%swap3A_535, %swap3A_536, %swap3A_537] {strides = array<i32>} : memref<2x50x128xf32, #tpu.memory_space<vmem>>, vector<1x1x16xf32>,
      %swap3A_539 = vector.shape_cast %swap3A_538 : vector<1x1x16xf32> to vector<16xf32>
      %swap3A_540 = vector.shape_cast %add3A_533 : vector<16xf32> to vector<1x1x16xf32>
      tpu.vector_store %arg8[%swap3A_535, %swap3A_536, %swap3A_537], %swap3A_540 {strides = array<i32>} : memref<2x50x128xf32, #tpu.memory_space<vmem>>, vector<1x1x16xf32>,
    }
    %scan3A_101 = arith.constant 50 : i32
    %add3A_102 = arith.constant 0 : i32
    %add3A_103 = arith.addi %mul3A_2, %add3A_102 : i32
    %dma_start3A_104 = arith.constant 0 : i32
    %dma_start3A_105 = arith.constant 0 : i32
    %dma_start3A_106 = tpu.memref_slice %arg5[%add3A_103, %dma_start3A_104, %dma_start3A_105] : memref<4096x50x128xf32, #tpu.memory_space<hbm>> -> memref<2x50x128xf32, #tpu.memory_space<hbm>>
    %dma_start3A_107 = arith.constant 0 : i32
    %dma_start3A_108 = arith.constant 0 : i32
    %dma_start3A_109 = tpu.memref_slice %arg5[%add3A_103, %dma_start3A_107, %dma_start3A_108] : memref<4096x50x128xf32, #tpu.memory_space<hbm>> -> memref<2x50x128xf32, #tpu.memory_space<hbm>>
    tpu.enqueue_dma source(%arg8 : memref<2x50x128xf32, #tpu.memory_space<vmem>>) target(%dma_start3A_109 : memref<2x50x128xf32, #tpu.memory_space<hbm>>) target_semaphore(%arg16 : memref<!tpu.dma_semaphore, #tpu.memory_space<semaphore_mem>>)
    %dma_start3A_110 = arith.constant 6 : i32
    %dma_start3A_111 = arith.constant 0 : i32
    %dma_start3A_112 = arith.constant 0 : i32
    %dma_start3A_113 = arith.constant 0 : i32
    %dma_start3A_114 = tpu.memref_slice %arg11[%dma_start3A_111, %dma_start3A_112, %dma_start3A_113] : memref<2x50x128xf32, #tpu.memory_space<vmem>> -> memref<1x50x128xf32, #tpu.memory_space<vmem>>
    %dma_start3A_115 = tpu.memref_squeeze %dma_start3A_114 : memref<1x50x128xf32, #tpu.memory_space<vmem>> -> memref<50x128xf32, #tpu.memory_space<vmem>>
    %dma_start3A_116 = arith.constant 0 : i32
    %dma_start3A_117 = tpu.memref_slice %arg6[%dma_start3A_110, %dma_start3A_116] : memref<128x50xi32, #tpu.memory_space<vmem>> -> memref<1x50xi32, #tpu.memory_space<vmem>>
    %dma_start3A_118 = tpu.memref_squeeze %dma_start3A_117 : memref<1x50xi32, #tpu.memory_space<vmem>> -> memref<50xi32, #tpu.memory_space<vmem>>
    %dma_start3A_119 = arith.constant 0 : i32
    %dma_start3A_120 = arith.constant 0 : i32
    %dma_start3A_121 = tpu.memref_slice %arg3[%dma_start3A_119, %dma_start3A_120] : memref<100000x128xf32, #tpu.memory_space<hbm>> -> memref<100000x128xf32, #tpu.memory_space<hbm>>
    tpu.enqueue_indirect_dma source(%dma_start3A_121 : memref<100000x128xf32, #tpu.memory_space<hbm>>) target(%dma_start3A_115 : memref<50x128xf32, #tpu.memory_space<vmem>>) offsets(%dma_start3A_118 : memref<50xi32, #tpu.memory_space<vmem>>) semaphore(%arg15 : memref<!tpu.dma_semaphore, #tpu.memory_space<semaphore_mem>>)
    %dma_start3A_122 = arith.constant 7 : i32
    %dma_start3A_123 = arith.constant 1 : i32
    %dma_start3A_124 = arith.constant 0 : i32
    %dma_start3A_125 = arith.constant 0 : i32
    %dma_start3A_126 = tpu.memref_slice %arg11[%dma_start3A_123, %dma_start3A_124, %dma_start3A_125] : memref<2x50x128xf32, #tpu.memory_space<vmem>> -> memref<1x50x128xf32, #tpu.memory_space<vmem>>
    %dma_start3A_127 = tpu.memref_squeeze %dma_start3A_126 : memref<1x50x128xf32, #tpu.memory_space<vmem>> -> memref<50x128xf32, #tpu.memory_space<vmem>>
    %dma_start3A_128 = arith.constant 0 : i32
    %dma_start3A_129 = tpu.memref_slice %arg6[%dma_start3A_122, %dma_start3A_128] : memref<128x50xi32, #tpu.memory_space<vmem>> -> memref<1x50xi32, #tpu.memory_space<vmem>>
    %dma_start3A_130 = tpu.memref_squeeze %dma_start3A_129 : memref<1x50xi32, #tpu.memory_space<vmem>> -> memref<50xi32, #tpu.memory_space<vmem>>
    %dma_start3A_131 = arith.constant 0 : i32
    %dma_start3A_132 = arith.constant 0 : i32
    %dma_start3A_133 = tpu.memref_slice %arg3[%dma_start3A_131, %dma_start3A_132] : memref<100000x128xf32, #tpu.memory_space<hbm>> -> memref<100000x128xf32, #tpu.memory_space<hbm>>
    tpu.enqueue_indirect_dma source(%dma_start3A_133 : memref<100000x128xf32, #tpu.memory_space<hbm>>) target(%dma_start3A_127 : memref<50x128xf32, #tpu.memory_space<vmem>>) offsets(%dma_start3A_130 : memref<50xi32, #tpu.memory_space<vmem>>) semaphore(%arg15 : memref<!tpu.dma_semaphore, #tpu.memory_space<semaphore_mem>>)
    %dma_wait3A_134 = arith.constant 0 : i32
    %dma_wait3A_135 = arith.constant 0 : i32
    %dma_wait3A_136 = arith.constant 0 : i32
    %dma_wait3A_137 = arith.constant 0 : i32
    %dma_wait3A_138 = tpu.memref_slice %arg9[%dma_wait3A_135, %dma_wait3A_136, %dma_wait3A_137] : memref<2x50x128xf32, #tpu.memory_space<vmem>> -> memref<1x50x128xf32, #tpu.memory_space<vmem>>
    %dma_wait3A_139 = tpu.memref_squeeze %dma_wait3A_138 : memref<1x50x128xf32, #tpu.memory_space<vmem>> -> memref<50x128xf32, #tpu.memory_space<vmem>>
    %dma_wait3A_140 = arith.constant 0 : i32
    %dma_wait3A_141 = tpu.memref_slice %arg6[%dma_wait3A_134, %dma_wait3A_140] : memref<128x50xi32, #tpu.memory_space<vmem>> -> memref<1x50xi32, #tpu.memory_space<vmem>>
    %dma_wait3A_142 = tpu.memref_squeeze %dma_wait3A_141 : memref<1x50xi32, #tpu.memory_space<vmem>> -> memref<50xi32, #tpu.memory_space<vmem>>
    %dma_wait3A_143 = arith.constant 0 : i32
    %dma_wait3A_144 = arith.constant 0 : i32
    %dma_wait3A_145 = tpu.memref_slice %arg3[%dma_wait3A_143, %dma_wait3A_144] : memref<100000x128xf32, #tpu.memory_space<hbm>> -> memref<100000x128xf32, #tpu.memory_space<hbm>>
    tpu.wait_indirect_dma semaphore(%arg13 : memref<!tpu.dma_semaphore, #tpu.memory_space<semaphore_mem>>) src(%dma_wait3A_145 : memref<100000x128xf32, #tpu.memory_space<hbm>>) dst(%dma_wait3A_139 : memref<50x128xf32, #tpu.memory_space<vmem>>)
    %dma_wait3A_146 = arith.constant 0 : i32
    %dma_wait3A_147 = arith.constant 0 : i32
    %dma_wait3A_148 = arith.constant 0 : i32
    %dma_wait3A_149 = arith.constant 0 : i32
    %dma_wait3A_150 = tpu.memref_slice %arg9[%dma_wait3A_147, %dma_wait3A_148, %dma_wait3A_149] : memref<2x50x128xf32, #tpu.memory_space<vmem>> -> memref<1x50x128xf32, #tpu.memory_space<vmem>>
    %dma_wait3A_151 = tpu.memref_squeeze %dma_wait3A_150 : memref<1x50x128xf32, #tpu.memory_space<vmem>> -> memref<50x128xf32, #tpu.memory_space<vmem>>
    %dma_wait3A_152 = arith.constant 0 : i32
    %dma_wait3A_153 = tpu.memref_slice %arg6[%dma_wait3A_146, %dma_wait3A_152] : memref<128x50xi32, #tpu.memory_space<vmem>> -> memref<1x50xi32, #tpu.memory_space<vmem>>
    %dma_wait3A_154 = tpu.memref_squeeze %dma_wait3A_153 : memref<1x50xi32, #tpu.memory_space<vmem>> -> memref<50xi32, #tpu.memory_space<vmem>>
    %dma_wait3A_155 = arith.constant 0 : i32
    %dma_wait3A_156 = arith.constant 0 : i32
    %dma_wait3A_157 = tpu.memref_slice %arg3[%dma_wait3A_155, %dma_wait3A_156] : memref<100000x128xf32, #tpu.memory_space<hbm>> -> memref<100000x128xf32, #tpu.memory_space<hbm>>
    tpu.wait_indirect_dma semaphore(%arg13 : memref<!tpu.dma_semaphore, #tpu.memory_space<semaphore_mem>>) src(%dma_wait3A_157 : memref<100000x128xf32, #tpu.memory_space<hbm>>) dst(%dma_wait3A_151 : memref<50x128xf32, #tpu.memory_space<vmem>>)
    %scan3A_158 = arith.constant 0 : i32
    %scan3A_159 = arith.constant 0 : i32
    %scan3A_160 = arith.constant 50 : i32
    %scan3A_161 = arith.addi %scan3A_159, %scan3A_160 : i32
    %scan3A_162 = arith.constant 1 : i32
    scf.for %scan3A_286 = %scan3A_159 to %scan3A_161 step %scan3A_162  : i32 {
      %get3A = arith.index_cast %scan3A_286 : i32 to index
      %get3A_287 = arith.constant 0 : index
      %get3A_288 = tpu.vector_load %arg7[%get3A, %get3A_287] {strides = array<i32>} : memref<50x128xf32, #tpu.memory_space<vmem>>, vector<1x16xf32>,
      %get3A_289 = vector.shape_cast %get3A_288 : vector<1x16xf32> to vector<16xf32>
      %get3A_290 = arith.constant 0 : i32
      %get3A_291 = arith.index_cast %get3A_290 : i32 to index
      %get3A_292 = arith.index_cast %scan3A_286 : i32 to index
      %get3A_293 = arith.constant 0 : index
      %get3A_294 = tpu.vector_load %arg9[%get3A_291, %get3A_292, %get3A_293] {strides = array<i32>} : memref<2x50x128xf32, #tpu.memory_space<vmem>>, vector<1x1x16xf32>,
      %get3A_295 = vector.shape_cast %get3A_294 : vector<1x1x16xf32> to vector<16xf32>
      %add3A_296 = arith.addf %get3A_295, %get3A_289 : vector<16xf32>
      %swap3A = arith.constant 0 : i32
      %swap3A_297 = arith.index_cast %swap3A : i32 to index
      %swap3A_298 = arith.index_cast %scan3A_286 : i32 to index
      %swap3A_299 = arith.constant 0 : index
      %swap3A_300 = tpu.vector_load %arg9[%swap3A_297, %swap3A_298, %swap3A_299] {strides = array<i32>} : memref<2x50x128xf32, #tpu.memory_space<vmem>>, vector<1x1x16xf32>,
      %swap3A_301 = vector.shape_cast %swap3A_300 : vector<1x1x16xf32> to vector<16xf32>
      %swap3A_302 = vector.shape_cast %add3A_296 : vector<16xf32> to vector<1x1x16xf32>
      tpu.vector_store %arg9[%swap3A_297, %swap3A_298, %swap3A_299], %swap3A_302 {strides = array<i32>} : memref<2x50x128xf32, #tpu.memory_space<vmem>>, vector<1x1x16xf32>,
      %get3A_303 = arith.constant 1 : i32
      %get3A_304 = arith.index_cast %get3A_303 : i32 to index
      %get3A_305 = arith.index_cast %scan3A_286 : i32 to index
      %get3A_306 = arith.constant 0 : index
      %get3A_307 = tpu.vector_load %arg9[%get3A_304, %get3A_305, %get3A_306] {strides = array<i32>} : memref<2x50x128xf32, #tpu.memory_space<vmem>>, vector<1x1x16xf32>,
      %get3A_308 = vector.shape_cast %get3A_307 : vector<1x1x16xf32> to vector<16xf32>
      %add3A_309 = arith.addf %get3A_308, %get3A_289 : vector<16xf32>
      %swap3A_310 = arith.constant 1 : i32
      %swap3A_311 = arith.index_cast %swap3A_310 : i32 to index
      %swap3A_312 = arith.index_cast %scan3A_286 : i32 to index
      %swap3A_313 = arith.constant 0 : index
      %swap3A_314 = tpu.vector_load %arg9[%swap3A_311, %swap3A_312, %swap3A_313] {strides = array<i32>} : memref<2x50x128xf32, #tpu.memory_space<vmem>>, vector<1x1x16xf32>,
      %swap3A_315 = vector.shape_cast %swap3A_314 : vector<1x1x16xf32> to vector<16xf32>
      %swap3A_316 = vector.shape_cast %add3A_309 : vector<16xf32> to vector<1x1x16xf32>
      tpu.vector_store %arg9[%swap3A_311, %swap3A_312, %swap3A_313], %swap3A_316 {strides = array<i32>} : memref<2x50x128xf32, #tpu.memory_space<vmem>>, vector<1x1x16xf32>,
      %get3A_317 = arith.index_cast %scan3A_286 : i32 to index
      %get3A_318 = arith.constant 16 : index
      %get3A_319 = tpu.vector_load %arg7[%get3A_317, %get3A_318] {strides = array<i32>} : memref<50x128xf32, #tpu.memory_space<vmem>>, vector<1x16xf32>,
      %get3A_320 = vector.shape_cast %get3A_319 : vector<1x16xf32> to vector<16xf32>
      %get3A_321 = arith.constant 0 : i32
      %get3A_322 = arith.index_cast %get3A_321 : i32 to index
      %get3A_323 = arith.index_cast %scan3A_286 : i32 to index
      %get3A_324 = arith.constant 16 : index
      %get3A_325 = tpu.vector_load %arg9[%get3A_322, %get3A_323, %get3A_324] {strides = array<i32>} : memref<2x50x128xf32, #tpu.memory_space<vmem>>, vector<1x1x16xf32>,
      %get3A_326 = vector.shape_cast %get3A_325 : vector<1x1x16xf32> to vector<16xf32>
      %add3A_327 = arith.addf %get3A_326, %get3A_320 : vector<16xf32>
      %swap3A_328 = arith.constant 0 : i32
      %swap3A_329 = arith.index_cast %swap3A_328 : i32 to index
      %swap3A_330 = arith.index_cast %scan3A_286 : i32 to index
      %swap3A_331 = arith.constant 16 : index
      %swap3A_332 = tpu.vector_load %arg9[%swap3A_329, %swap3A_330, %swap3A_331] {strides = array<i32>} : memref<2x50x128xf32, #tpu.memory_space<vmem>>, vector<1x1x16xf32>,
      %swap3A_333 = vector.shape_cast %swap3A_332 : vector<1x1x16xf32> to vector<16xf32>
      %swap3A_334 = vector.shape_cast %add3A_327 : vector<16xf32> to vector<1x1x16xf32>
      tpu.vector_store %arg9[%swap3A_329, %swap3A_330, %swap3A_331], %swap3A_334 {strides = array<i32>} : memref<2x50x128xf32, #tpu.memory_space<vmem>>, vector<1x1x16xf32>,
      %get3A_335 = arith.constant 1 : i32
      %get3A_336 = arith.index_cast %get3A_335 : i32 to index
      %get3A_337 = arith.index_cast %scan3A_286 : i32 to index
      %get3A_338 = arith.constant 16 : index
      %get3A_339 = tpu.vector_load %arg9[%get3A_336, %get3A_337, %get3A_338] {strides = array<i32>} : memref<2x50x128xf32, #tpu.memory_space<vmem>>, vector<1x1x16xf32>,
      %get3A_340 = vector.shape_cast %get3A_339 : vector<1x1x16xf32> to vector<16xf32>
      %add3A_341 = arith.addf %get3A_340, %get3A_320 : vector<16xf32>
      %swap3A_342 = arith.constant 1 : i32
      %swap3A_343 = arith.index_cast %swap3A_342 : i32 to index
      %swap3A_344 = arith.index_cast %scan3A_286 : i32 to index
      %swap3A_345 = arith.constant 16 : index
      %swap3A_346 = tpu.vector_load %arg9[%swap3A_343, %swap3A_344, %swap3A_345] {strides = array<i32>} : memref<2x50x128xf32, #tpu.memory_space<vmem>>, vector<1x1x16xf32>,
      %swap3A_347 = vector.shape_cast %swap3A_346 : vector<1x1x16xf32> to vector<16xf32>
      %swap3A_348 = vector.shape_cast %add3A_341 : vector<16xf32> to vector<1x1x16xf32>
      tpu.vector_store %arg9[%swap3A_343, %swap3A_344, %swap3A_345], %swap3A_348 {strides = array<i32>} : memref<2x50x128xf32, #tpu.memory_space<vmem>>, vector<1x1x16xf32>,
      %get3A_349 = arith.index_cast %scan3A_286 : i32 to index
      %get3A_350 = arith.constant 32 : index
      %get3A_351 = tpu.vector_load %arg7[%get3A_349, %get3A_350] {strides = array<i32>} : memref<50x128xf32, #tpu.memory_space<vmem>>, vector<1x16xf32>,
      %get3A_352 = vector.shape_cast %get3A_351 : vector<1x16xf32> to vector<16xf32>
      %get3A_353 = arith.constant 0 : i32
      %get3A_354 = arith.index_cast %get3A_353 : i32 to index
      %get3A_355 = arith.index_cast %scan3A_286 : i32 to index
      %get3A_356 = arith.constant 32 : index
      %get3A_357 = tpu.vector_load %arg9[%get3A_354, %get3A_355, %get3A_356] {strides = array<i32>} : memref<2x50x128xf32, #tpu.memory_space<vmem>>, vector<1x1x16xf32>,
      %get3A_358 = vector.shape_cast %get3A_357 : vector<1x1x16xf32> to vector<16xf32>
      %add3A_359 = arith.addf %get3A_358, %get3A_352 : vector<16xf32>
      %swap3A_360 = arith.constant 0 : i32
      %swap3A_361 = arith.index_cast %swap3A_360 : i32 to index
      %swap3A_362 = arith.index_cast %scan3A_286 : i32 to index
      %swap3A_363 = arith.constant 32 : index
      %swap3A_364 = tpu.vector_load %arg9[%swap3A_361, %swap3A_362, %swap3A_363] {strides = array<i32>} : memref<2x50x128xf32, #tpu.memory_space<vmem>>, vector<1x1x16xf32>,
      %swap3A_365 = vector.shape_cast %swap3A_364 : vector<1x1x16xf32> to vector<16xf32>
      %swap3A_366 = vector.shape_cast %add3A_359 : vector<16xf32> to vector<1x1x16xf32>
      tpu.vector_store %arg9[%swap3A_361, %swap3A_362, %swap3A_363], %swap3A_366 {strides = array<i32>} : memref<2x50x128xf32, #tpu.memory_space<vmem>>, vector<1x1x16xf32>,
      %get3A_367 = arith.constant 1 : i32
      %get3A_368 = arith.index_cast %get3A_367 : i32 to index
      %get3A_369 = arith.index_cast %scan3A_286 : i32 to index
      %get3A_370 = arith.constant 32 : index
      %get3A_371 = tpu.vector_load %arg9[%get3A_368, %get3A_369, %get3A_370] {strides = array<i32>} : memref<2x50x128xf32, #tpu.memory_space<vmem>>, vector<1x1x16xf32>,
      %get3A_372 = vector.shape_cast %get3A_371 : vector<1x1x16xf32> to vector<16xf32>
      %add3A_373 = arith.addf %get3A_372, %get3A_352 : vector<16xf32>
      %swap3A_374 = arith.constant 1 : i32
      %swap3A_375 = arith.index_cast %swap3A_374 : i32 to index
      %swap3A_376 = arith.index_cast %scan3A_286 : i32 to index
      %swap3A_377 = arith.constant 32 : index
      %swap3A_378 = tpu.vector_load %arg9[%swap3A_375, %swap3A_376, %swap3A_377] {strides = array<i32>} : memref<2x50x128xf32, #tpu.memory_space<vmem>>, vector<1x1x16xf32>,
      %swap3A_379 = vector.shape_cast %swap3A_378 : vector<1x1x16xf32> to vector<16xf32>
      %swap3A_380 = vector.shape_cast %add3A_373 : vector<16xf32> to vector<1x1x16xf32>
      tpu.vector_store %arg9[%swap3A_375, %swap3A_376, %swap3A_377], %swap3A_380 {strides = array<i32>} : memref<2x50x128xf32, #tpu.memory_space<vmem>>, vector<1x1x16xf32>,
      %get3A_381 = arith.index_cast %scan3A_286 : i32 to index
      %get3A_382 = arith.constant 48 : index
      %get3A_383 = tpu.vector_load %arg7[%get3A_381, %get3A_382] {strides = array<i32>} : memref<50x128xf32, #tpu.memory_space<vmem>>, vector<1x16xf32>,
      %get3A_384 = vector.shape_cast %get3A_383 : vector<1x16xf32> to vector<16xf32>
      %get3A_385 = arith.constant 0 : i32
      %get3A_386 = arith.index_cast %get3A_385 : i32 to index
      %get3A_387 = arith.index_cast %scan3A_286 : i32 to index
      %get3A_388 = arith.constant 48 : index
      %get3A_389 = tpu.vector_load %arg9[%get3A_386, %get3A_387, %get3A_388] {strides = array<i32>} : memref<2x50x128xf32, #tpu.memory_space<vmem>>, vector<1x1x16xf32>,
      %get3A_390 = vector.shape_cast %get3A_389 : vector<1x1x16xf32> to vector<16xf32>
      %add3A_391 = arith.addf %get3A_390, %get3A_384 : vector<16xf32>
      %swap3A_392 = arith.constant 0 : i32
      %swap3A_393 = arith.index_cast %swap3A_392 : i32 to index
      %swap3A_394 = arith.index_cast %scan3A_286 : i32 to index
      %swap3A_395 = arith.constant 48 : index
      %swap3A_396 = tpu.vector_load %arg9[%swap3A_393, %swap3A_394, %swap3A_395] {strides = array<i32>} : memref<2x50x128xf32, #tpu.memory_space<vmem>>, vector<1x1x16xf32>,
      %swap3A_397 = vector.shape_cast %swap3A_396 : vector<1x1x16xf32> to vector<16xf32>
      %swap3A_398 = vector.shape_cast %add3A_391 : vector<16xf32> to vector<1x1x16xf32>
      tpu.vector_store %arg9[%swap3A_393, %swap3A_394, %swap3A_395], %swap3A_398 {strides = array<i32>} : memref<2x50x128xf32, #tpu.memory_space<vmem>>, vector<1x1x16xf32>,
      %get3A_399 = arith.constant 1 : i32
      %get3A_400 = arith.index_cast %get3A_399 : i32 to index
      %get3A_401 = arith.index_cast %scan3A_286 : i32 to index
      %get3A_402 = arith.constant 48 : index
      %get3A_403 = tpu.vector_load %arg9[%get3A_400, %get3A_401, %get3A_402] {strides = array<i32>} : memref<2x50x128xf32, #tpu.memory_space<vmem>>, vector<1x1x16xf32>,
      %get3A_404 = vector.shape_cast %get3A_403 : vector<1x1x16xf32> to vector<16xf32>
      %add3A_405 = arith.addf %get3A_404, %get3A_384 : vector<16xf32>
      %swap3A_406 = arith.constant 1 : i32
      %swap3A_407 = arith.index_cast %swap3A_406 : i32 to index
      %swap3A_408 = arith.index_cast %scan3A_286 : i32 to index
      %swap3A_409 = arith.constant 48 : index
      %swap3A_410 = tpu.vector_load %arg9[%swap3A_407, %swap3A_408, %swap3A_409] {strides = array<i32>} : memref<2x50x128xf32, #tpu.memory_space<vmem>>, vector<1x1x16xf32>,
      %swap3A_411 = vector.shape_cast %swap3A_410 : vector<1x1x16xf32> to vector<16xf32>
      %swap3A_412 = vector.shape_cast %add3A_405 : vector<16xf32> to vector<1x1x16xf32>
      tpu.vector_store %arg9[%swap3A_407, %swap3A_408, %swap3A_409], %swap3A_412 {strides = array<i32>} : memref<2x50x128xf32, #tpu.memory_space<vmem>>, vector<1x1x16xf32>,
      %get3A_413 = arith.index_cast %scan3A_286 : i32 to index
      %get3A_414 = arith.constant 64 : index
      %get3A_415 = tpu.vector_load %arg7[%get3A_413, %get3A_414] {strides = array<i32>} : memref<50x128xf32, #tpu.memory_space<vmem>>, vector<1x16xf32>,
      %get3A_416 = vector.shape_cast %get3A_415 : vector<1x16xf32> to vector<16xf32>
      %get3A_417 = arith.constant 0 : i32
      %get3A_418 = arith.index_cast %get3A_417 : i32 to index
      %get3A_419 = arith.index_cast %scan3A_286 : i32 to index
      %get3A_420 = arith.constant 64 : index
      %get3A_421 = tpu.vector_load %arg9[%get3A_418, %get3A_419, %get3A_420] {strides = array<i32>} : memref<2x50x128xf32, #tpu.memory_space<vmem>>, vector<1x1x16xf32>,
      %get3A_422 = vector.shape_cast %get3A_421 : vector<1x1x16xf32> to vector<16xf32>
      %add3A_423 = arith.addf %get3A_422, %get3A_416 : vector<16xf32>
      %swap3A_424 = arith.constant 0 : i32
      %swap3A_425 = arith.index_cast %swap3A_424 : i32 to index
      %swap3A_426 = arith.index_cast %scan3A_286 : i32 to index
      %swap3A_427 = arith.constant 64 : index
      %swap3A_428 = tpu.vector_load %arg9[%swap3A_425, %swap3A_426, %swap3A_427] {strides = array<i32>} : memref<2x50x128xf32, #tpu.memory_space<vmem>>, vector<1x1x16xf32>,
      %swap3A_429 = vector.shape_cast %swap3A_428 : vector<1x1x16xf32> to vector<16xf32>
      %swap3A_430 = vector.shape_cast %add3A_423 : vector<16xf32> to vector<1x1x16xf32>
      tpu.vector_store %arg9[%swap3A_425, %swap3A_426, %swap3A_427], %swap3A_430 {strides = array<i32>} : memref<2x50x128xf32, #tpu.memory_space<vmem>>, vector<1x1x16xf32>,
      %get3A_431 = arith.constant 1 : i32
      %get3A_432 = arith.index_cast %get3A_431 : i32 to index
      %get3A_433 = arith.index_cast %scan3A_286 : i32 to index
      %get3A_434 = arith.constant 64 : index
      %get3A_435 = tpu.vector_load %arg9[%get3A_432, %get3A_433, %get3A_434] {strides = array<i32>} : memref<2x50x128xf32, #tpu.memory_space<vmem>>, vector<1x1x16xf32>,
      %get3A_436 = vector.shape_cast %get3A_435 : vector<1x1x16xf32> to vector<16xf32>
      %add3A_437 = arith.addf %get3A_436, %get3A_416 : vector<16xf32>
      %swap3A_438 = arith.constant 1 : i32
      %swap3A_439 = arith.index_cast %swap3A_438 : i32 to index
      %swap3A_440 = arith.index_cast %scan3A_286 : i32 to index
      %swap3A_441 = arith.constant 64 : index
      %swap3A_442 = tpu.vector_load %arg9[%swap3A_439, %swap3A_440, %swap3A_441] {strides = array<i32>} : memref<2x50x128xf32, #tpu.memory_space<vmem>>, vector<1x1x16xf32>,
      %swap3A_443 = vector.shape_cast %swap3A_442 : vector<1x1x16xf32> to vector<16xf32>
      %swap3A_444 = vector.shape_cast %add3A_437 : vector<16xf32> to vector<1x1x16xf32>
      tpu.vector_store %arg9[%swap3A_439, %swap3A_440, %swap3A_441], %swap3A_444 {strides = array<i32>} : memref<2x50x128xf32, #tpu.memory_space<vmem>>, vector<1x1x16xf32>,
      %get3A_445 = arith.index_cast %scan3A_286 : i32 to index
      %get3A_446 = arith.constant 80 : index
      %get3A_447 = tpu.vector_load %arg7[%get3A_445, %get3A_446] {strides = array<i32>} : memref<50x128xf32, #tpu.memory_space<vmem>>, vector<1x16xf32>,
      %get3A_448 = vector.shape_cast %get3A_447 : vector<1x16xf32> to vector<16xf32>
      %get3A_449 = arith.constant 0 : i32
      %get3A_450 = arith.index_cast %get3A_449 : i32 to index
      %get3A_451 = arith.index_cast %scan3A_286 : i32 to index
      %get3A_452 = arith.constant 80 : index
      %get3A_453 = tpu.vector_load %arg9[%get3A_450, %get3A_451, %get3A_452] {strides = array<i32>} : memref<2x50x128xf32, #tpu.memory_space<vmem>>, vector<1x1x16xf32>,
      %get3A_454 = vector.shape_cast %get3A_453 : vector<1x1x16xf32> to vector<16xf32>
      %add3A_455 = arith.addf %get3A_454, %get3A_448 : vector<16xf32>
      %swap3A_456 = arith.constant 0 : i32
      %swap3A_457 = arith.index_cast %swap3A_456 : i32 to index
      %swap3A_458 = arith.index_cast %scan3A_286 : i32 to index
      %swap3A_459 = arith.constant 80 : index
      %swap3A_460 = tpu.vector_load %arg9[%swap3A_457, %swap3A_458, %swap3A_459] {strides = array<i32>} : memref<2x50x128xf32, #tpu.memory_space<vmem>>, vector<1x1x16xf32>,
      %swap3A_461 = vector.shape_cast %swap3A_460 : vector<1x1x16xf32> to vector<16xf32>
      %swap3A_462 = vector.shape_cast %add3A_455 : vector<16xf32> to vector<1x1x16xf32>
      tpu.vector_store %arg9[%swap3A_457, %swap3A_458, %swap3A_459], %swap3A_462 {strides = array<i32>} : memref<2x50x128xf32, #tpu.memory_space<vmem>>, vector<1x1x16xf32>,
      %get3A_463 = arith.constant 1 : i32
      %get3A_464 = arith.index_cast %get3A_463 : i32 to index
      %get3A_465 = arith.index_cast %scan3A_286 : i32 to index
      %get3A_466 = arith.constant 80 : index
      %get3A_467 = tpu.vector_load %arg9[%get3A_464, %get3A_465, %get3A_466] {strides = array<i32>} : memref<2x50x128xf32, #tpu.memory_space<vmem>>, vector<1x1x16xf32>,
      %get3A_468 = vector.shape_cast %get3A_467 : vector<1x1x16xf32> to vector<16xf32>
      %add3A_469 = arith.addf %get3A_468, %get3A_448 : vector<16xf32>
      %swap3A_470 = arith.constant 1 : i32
      %swap3A_471 = arith.index_cast %swap3A_470 : i32 to index
      %swap3A_472 = arith.index_cast %scan3A_286 : i32 to index
      %swap3A_473 = arith.constant 80 : index
      %swap3A_474 = tpu.vector_load %arg9[%swap3A_471, %swap3A_472, %swap3A_473] {strides = array<i32>} : memref<2x50x128xf32, #tpu.memory_space<vmem>>, vector<1x1x16xf32>,
      %swap3A_475 = vector.shape_cast %swap3A_474 : vector<1x1x16xf32> to vector<16xf32>
      %swap3A_476 = vector.shape_cast %add3A_469 : vector<16xf32> to vector<1x1x16xf32>
      tpu.vector_store %arg9[%swap3A_471, %swap3A_472, %swap3A_473], %swap3A_476 {strides = array<i32>} : memref<2x50x128xf32, #tpu.memory_space<vmem>>, vector<1x1x16xf32>,
      %get3A_477 = arith.index_cast %scan3A_286 : i32 to index
      %get3A_478 = arith.constant 96 : index
      %get3A_479 = tpu.vector_load %arg7[%get3A_477, %get3A_478] {strides = array<i32>} : memref<50x128xf32, #tpu.memory_space<vmem>>, vector<1x16xf32>,
      %get3A_480 = vector.shape_cast %get3A_479 : vector<1x16xf32> to vector<16xf32>
      %get3A_481 = arith.constant 0 : i32
      %get3A_482 = arith.index_cast %get3A_481 : i32 to index
      %get3A_483 = arith.index_cast %scan3A_286 : i32 to index
      %get3A_484 = arith.constant 96 : index
      %get3A_485 = tpu.vector_load %arg9[%get3A_482, %get3A_483, %get3A_484] {strides = array<i32>} : memref<2x50x128xf32, #tpu.memory_space<vmem>>, vector<1x1x16xf32>,
      %get3A_486 = vector.shape_cast %get3A_485 : vector<1x1x16xf32> to vector<16xf32>
      %add3A_487 = arith.addf %get3A_486, %get3A_480 : vector<16xf32>
      %swap3A_488 = arith.constant 0 : i32
      %swap3A_489 = arith.index_cast %swap3A_488 : i32 to index
      %swap3A_490 = arith.index_cast %scan3A_286 : i32 to index
      %swap3A_491 = arith.constant 96 : index
      %swap3A_492 = tpu.vector_load %arg9[%swap3A_489, %swap3A_490, %swap3A_491] {strides = array<i32>} : memref<2x50x128xf32, #tpu.memory_space<vmem>>, vector<1x1x16xf32>,
      %swap3A_493 = vector.shape_cast %swap3A_492 : vector<1x1x16xf32> to vector<16xf32>
      %swap3A_494 = vector.shape_cast %add3A_487 : vector<16xf32> to vector<1x1x16xf32>
      tpu.vector_store %arg9[%swap3A_489, %swap3A_490, %swap3A_491], %swap3A_494 {strides = array<i32>} : memref<2x50x128xf32, #tpu.memory_space<vmem>>, vector<1x1x16xf32>,
      %get3A_495 = arith.constant 1 : i32
      %get3A_496 = arith.index_cast %get3A_495 : i32 to index
      %get3A_497 = arith.index_cast %scan3A_286 : i32 to index
      %get3A_498 = arith.constant 96 : index
      %get3A_499 = tpu.vector_load %arg9[%get3A_496, %get3A_497, %get3A_498] {strides = array<i32>} : memref<2x50x128xf32, #tpu.memory_space<vmem>>, vector<1x1x16xf32>,
      %get3A_500 = vector.shape_cast %get3A_499 : vector<1x1x16xf32> to vector<16xf32>
      %add3A_501 = arith.addf %get3A_500, %get3A_480 : vector<16xf32>
      %swap3A_502 = arith.constant 1 : i32
      %swap3A_503 = arith.index_cast %swap3A_502 : i32 to index
      %swap3A_504 = arith.index_cast %scan3A_286 : i32 to index
      %swap3A_505 = arith.constant 96 : index
      %swap3A_506 = tpu.vector_load %arg9[%swap3A_503, %swap3A_504, %swap3A_505] {strides = array<i32>} : memref<2x50x128xf32, #tpu.memory_space<vmem>>, vector<1x1x16xf32>,
      %swap3A_507 = vector.shape_cast %swap3A_506 : vector<1x1x16xf32> to vector<16xf32>
      %swap3A_508 = vector.shape_cast %add3A_501 : vector<16xf32> to vector<1x1x16xf32>
      tpu.vector_store %arg9[%swap3A_503, %swap3A_504, %swap3A_505], %swap3A_508 {strides = array<i32>} : memref<2x50x128xf32, #tpu.memory_space<vmem>>, vector<1x1x16xf32>,
      %get3A_509 = arith.index_cast %scan3A_286 : i32 to index
      %get3A_510 = arith.constant 112 : index
      %get3A_511 = tpu.vector_load %arg7[%get3A_509, %get3A_510] {strides = array<i32>} : memref<50x128xf32, #tpu.memory_space<vmem>>, vector<1x16xf32>,
      %get3A_512 = vector.shape_cast %get3A_511 : vector<1x16xf32> to vector<16xf32>
      %get3A_513 = arith.constant 0 : i32
      %get3A_514 = arith.index_cast %get3A_513 : i32 to index
      %get3A_515 = arith.index_cast %scan3A_286 : i32 to index
      %get3A_516 = arith.constant 112 : index
      %get3A_517 = tpu.vector_load %arg9[%get3A_514, %get3A_515, %get3A_516] {strides = array<i32>} : memref<2x50x128xf32, #tpu.memory_space<vmem>>, vector<1x1x16xf32>,
      %get3A_518 = vector.shape_cast %get3A_517 : vector<1x1x16xf32> to vector<16xf32>
      %add3A_519 = arith.addf %get3A_518, %get3A_512 : vector<16xf32>
      %swap3A_520 = arith.constant 0 : i32
      %swap3A_521 = arith.index_cast %swap3A_520 : i32 to index
      %swap3A_522 = arith.index_cast %scan3A_286 : i32 to index
      %swap3A_523 = arith.constant 112 : index
      %swap3A_524 = tpu.vector_load %arg9[%swap3A_521, %swap3A_522, %swap3A_523] {strides = array<i32>} : memref<2x50x128xf32, #tpu.memory_space<vmem>>, vector<1x1x16xf32>,
      %swap3A_525 = vector.shape_cast %swap3A_524 : vector<1x1x16xf32> to vector<16xf32>
      %swap3A_526 = vector.shape_cast %add3A_519 : vector<16xf32> to vector<1x1x16xf32>
      tpu.vector_store %arg9[%swap3A_521, %swap3A_522, %swap3A_523], %swap3A_526 {strides = array<i32>} : memref<2x50x128xf32, #tpu.memory_space<vmem>>, vector<1x1x16xf32>,
      %get3A_527 = arith.constant 1 : i32
      %get3A_528 = arith.index_cast %get3A_527 : i32 to index
      %get3A_529 = arith.index_cast %scan3A_286 : i32 to index
      %get3A_530 = arith.constant 112 : index
      %get3A_531 = tpu.vector_load %arg9[%get3A_528, %get3A_529, %get3A_530] {strides = array<i32>} : memref<2x50x128xf32, #tpu.memory_space<vmem>>, vector<1x1x16xf32>,
      %get3A_532 = vector.shape_cast %get3A_531 : vector<1x1x16xf32> to vector<16xf32>
      %add3A_533 = arith.addf %get3A_532, %get3A_512 : vector<16xf32>
      %swap3A_534 = arith.constant 1 : i32
      %swap3A_535 = arith.index_cast %swap3A_534 : i32 to index
      %swap3A_536 = arith.index_cast %scan3A_286 : i32 to index
      %swap3A_537 = arith.constant 112 : index
      %swap3A_538 = tpu.vector_load %arg9[%swap3A_535, %swap3A_536, %swap3A_537] {strides = array<i32>} : memref<2x50x128xf32, #tpu.memory_space<vmem>>, vector<1x1x16xf32>,
      %swap3A_539 = vector.shape_cast %swap3A_538 : vector<1x1x16xf32> to vector<16xf32>
      %swap3A_540 = vector.shape_cast %add3A_533 : vector<16xf32> to vector<1x1x16xf32>
      tpu.vector_store %arg9[%swap3A_535, %swap3A_536, %swap3A_537], %swap3A_540 {strides = array<i32>} : memref<2x50x128xf32, #tpu.memory_space<vmem>>, vector<1x1x16xf32>,
    }
    %scan3A_163 = arith.constant 50 : i32
    %add3A_164 = arith.constant 2 : i32
    %add3A_165 = arith.addi %mul3A_2, %add3A_164 : i32
    %dma_start3A_166 = arith.constant 0 : i32
    %dma_start3A_167 = arith.constant 0 : i32
    %dma_start3A_168 = tpu.memref_slice %arg5[%add3A_165, %dma_start3A_166, %dma_start3A_167] : memref<4096x50x128xf32, #tpu.memory_space<hbm>> -> memref<2x50x128xf32, #tpu.memory_space<hbm>>
    %dma_start3A_169 = arith.constant 0 : i32
    %dma_start3A_170 = arith.constant 0 : i32
    %dma_start3A_171 = tpu.memref_slice %arg5[%add3A_165, %dma_start3A_169, %dma_start3A_170] : memref<4096x50x128xf32, #tpu.memory_space<hbm>> -> memref<2x50x128xf32, #tpu.memory_space<hbm>>
    tpu.enqueue_dma source(%arg9 : memref<2x50x128xf32, #tpu.memory_space<vmem>>) target(%dma_start3A_171 : memref<2x50x128xf32, #tpu.memory_space<hbm>>) target_semaphore(%arg17 : memref<!tpu.dma_semaphore, #tpu.memory_space<semaphore_mem>>)
    %scan3A_172 = arith.constant 0 : i32
    %scan3A_173 = arith.constant 0 : i32
    %scan3A_174 = arith.constant 15 : i32
    %scan3A_175 = arith.addi %scan3A_173, %scan3A_174 : i32
    %scan3A_176 = arith.constant 1 : i32
    scf.for %scan3A_286 = %scan3A_173 to %scan3A_175 step %scan3A_176  : i32 {
      %mul3A_287 = arith.constant 4 : i32
      %mul3A_288 = arith.muli %scan3A_286, %mul3A_287 : i32
      %add3A_289 = arith.constant 2 : i32
      %add3A_290 = arith.addi %add3A_289, %mul3A_288 : i32
      %add3A_291 = arith.constant 0 : i32
      %add3A_292 = arith.addi %add3A_290, %add3A_291 : i32
      %dma_wait3A_293 = arith.constant 0 : i32
      %dma_wait3A_294 = arith.constant 0 : i32
      %dma_wait3A_295 = arith.constant 0 : i32
      %dma_wait3A_296 = tpu.memref_slice %arg5[%dma_wait3A_293, %dma_wait3A_294, %dma_wait3A_295] : memref<4096x50x128xf32, #tpu.memory_space<hbm>> -> memref<2x50x128xf32, #tpu.memory_space<hbm>>
      %dma_wait3A_297 = arith.constant 0 : i32
      %dma_wait3A_298 = arith.constant 0 : i32
      %dma_wait3A_299 = arith.constant 0 : i32
      %dma_wait3A_300 = tpu.memref_slice %arg5[%dma_wait3A_297, %dma_wait3A_298, %dma_wait3A_299] : memref<4096x50x128xf32, #tpu.memory_space<hbm>> -> memref<2x50x128xf32, #tpu.memory_space<hbm>>
      tpu.wait_dma2 semaphore(%arg16 : memref<!tpu.dma_semaphore, #tpu.memory_space<semaphore_mem>>) src(%arg8 : memref<2x50x128xf32, #tpu.memory_space<vmem>>) dst(%dma_wait3A_300 : memref<2x50x128xf32, #tpu.memory_space<hbm>>)
      %add3A_301 = arith.constant 2 : i32
      %add3A_302 = arith.addi %add3A_292, %add3A_301 : i32
      %mul3A_303 = arith.constant 2 : i32
      %mul3A_304 = arith.muli %add3A_302, %mul3A_303 : i32
      %add3A_305 = arith.constant 0 : i32
      %add3A_306 = arith.addi %mul3A_304, %add3A_305 : i32
      %dma_start3A_307 = arith.constant 0 : i32
      %dma_start3A_308 = arith.constant 0 : i32
      %dma_start3A_309 = arith.constant 0 : i32
      %dma_start3A_310 = tpu.memref_slice %arg8[%dma_start3A_307, %dma_start3A_308, %dma_start3A_309] : memref<2x50x128xf32, #tpu.memory_space<vmem>> -> memref<1x50x128xf32, #tpu.memory_space<vmem>>
      %dma_start3A_311 = tpu.memref_squeeze %dma_start3A_310 : memref<1x50x128xf32, #tpu.memory_space<vmem>> -> memref<50x128xf32, #tpu.memory_space<vmem>>
      %dma_start3A_312 = arith.constant 0 : i32
      %dma_start3A_313 = tpu.memref_slice %arg6[%add3A_306, %dma_start3A_312] : memref<128x50xi32, #tpu.memory_space<vmem>> -> memref<1x50xi32, #tpu.memory_space<vmem>>
      %dma_start3A_314 = tpu.memref_squeeze %dma_start3A_313 : memref<1x50xi32, #tpu.memory_space<vmem>> -> memref<50xi32, #tpu.memory_space<vmem>>
      %dma_start3A_315 = arith.constant 0 : i32
      %dma_start3A_316 = arith.constant 0 : i32
      %dma_start3A_317 = tpu.memref_slice %arg3[%dma_start3A_315, %dma_start3A_316] : memref<100000x128xf32, #tpu.memory_space<hbm>> -> memref<100000x128xf32, #tpu.memory_space<hbm>>
      tpu.enqueue_indirect_dma source(%dma_start3A_317 : memref<100000x128xf32, #tpu.memory_space<hbm>>) target(%dma_start3A_311 : memref<50x128xf32, #tpu.memory_space<vmem>>) offsets(%dma_start3A_314 : memref<50xi32, #tpu.memory_space<vmem>>) semaphore(%arg12 : memref<!tpu.dma_semaphore, #tpu.memory_space<semaphore_mem>>)
      %mul3A_318 = arith.constant 2 : i32
      %mul3A_319 = arith.muli %add3A_302, %mul3A_318 : i32
      %add3A_320 = arith.constant 1 : i32
      %add3A_321 = arith.addi %mul3A_319, %add3A_320 : i32
      %dma_start3A_322 = arith.constant 1 : i32
      %dma_start3A_323 = arith.constant 0 : i32
      %dma_start3A_324 = arith.constant 0 : i32
      %dma_start3A_325 = tpu.memref_slice %arg8[%dma_start3A_322, %dma_start3A_323, %dma_start3A_324] : memref<2x50x128xf32, #tpu.memory_space<vmem>> -> memref<1x50x128xf32, #tpu.memory_space<vmem>>
      %dma_start3A_326 = tpu.memref_squeeze %dma_start3A_325 : memref<1x50x128xf32, #tpu.memory_space<vmem>> -> memref<50x128xf32, #tpu.memory_space<vmem>>
      %dma_start3A_327 = arith.constant 0 : i32
      %dma_start3A_328 = tpu.memref_slice %arg6[%add3A_321, %dma_start3A_327] : memref<128x50xi32, #tpu.memory_space<vmem>> -> memref<1x50xi32, #tpu.memory_space<vmem>>
      %dma_start3A_329 = tpu.memref_squeeze %dma_start3A_328 : memref<1x50xi32, #tpu.memory_space<vmem>> -> memref<50xi32, #tpu.memory_space<vmem>>
      %dma_start3A_330 = arith.constant 0 : i32
      %dma_start3A_331 = arith.constant 0 : i32
      %dma_start3A_332 = tpu.memref_slice %arg3[%dma_start3A_330, %dma_start3A_331] : memref<100000x128xf32, #tpu.memory_space<hbm>> -> memref<100000x128xf32, #tpu.memory_space<hbm>>
      tpu.enqueue_indirect_dma source(%dma_start3A_332 : memref<100000x128xf32, #tpu.memory_space<hbm>>) target(%dma_start3A_326 : memref<50x128xf32, #tpu.memory_space<vmem>>) offsets(%dma_start3A_329 : memref<50xi32, #tpu.memory_space<vmem>>) semaphore(%arg12 : memref<!tpu.dma_semaphore, #tpu.memory_space<semaphore_mem>>)
      %dma_wait3A_333 = arith.constant 0 : i32
      %dma_wait3A_334 = arith.constant 0 : i32
      %dma_wait3A_335 = arith.constant 0 : i32
      %dma_wait3A_336 = arith.constant 0 : i32
      %dma_wait3A_337 = tpu.memref_slice %arg10[%dma_wait3A_334, %dma_wait3A_335, %dma_wait3A_336] : memref<2x50x128xf32, #tpu.memory_space<vmem>> -> memref<1x50x128xf32, #tpu.memory_space<vmem>>
      %dma_wait3A_338 = tpu.memref_squeeze %dma_wait3A_337 : memref<1x50x128xf32, #tpu.memory_space<vmem>> -> memref<50x128xf32, #tpu.memory_space<vmem>>
      %dma_wait3A_339 = arith.constant 0 : i32
      %dma_wait3A_340 = tpu.memref_slice %arg6[%dma_wait3A_333, %dma_wait3A_339] : memref<128x50xi32, #tpu.memory_space<vmem>> -> memref<1x50xi32, #tpu.memory_space<vmem>>
      %dma_wait3A_341 = tpu.memref_squeeze %dma_wait3A_340 : memref<1x50xi32, #tpu.memory_space<vmem>> -> memref<50xi32, #tpu.memory_space<vmem>>
      %dma_wait3A_342 = arith.constant 0 : i32
      %dma_wait3A_343 = arith.constant 0 : i32
      %dma_wait3A_344 = tpu.memref_slice %arg3[%dma_wait3A_342, %dma_wait3A_343] : memref<100000x128xf32, #tpu.memory_space<hbm>> -> memref<100000x128xf32, #tpu.memory_space<hbm>>
      tpu.wait_indirect_dma semaphore(%arg14 : memref<!tpu.dma_semaphore, #tpu.memory_space<semaphore_mem>>) src(%dma_wait3A_344 : memref<100000x128xf32, #tpu.memory_space<hbm>>) dst(%dma_wait3A_338 : memref<50x128xf32, #tpu.memory_space<vmem>>)
      %dma_wait3A_345 = arith.constant 0 : i32
      %dma_wait3A_346 = arith.constant 0 : i32
      %dma_wait3A_347 = arith.constant 0 : i32
      %dma_wait3A_348 = arith.constant 0 : i32
      %dma_wait3A_349 = tpu.memref_slice %arg10[%dma_wait3A_346, %dma_wait3A_347, %dma_wait3A_348] : memref<2x50x128xf32, #tpu.memory_space<vmem>> -> memref<1x50x128xf32, #tpu.memory_space<vmem>>
      %dma_wait3A_350 = tpu.memref_squeeze %dma_wait3A_349 : memref<1x50x128xf32, #tpu.memory_space<vmem>> -> memref<50x128xf32, #tpu.memory_space<vmem>>
      %dma_wait3A_351 = arith.constant 0 : i32
      %dma_wait3A_352 = tpu.memref_slice %arg6[%dma_wait3A_345, %dma_wait3A_351] : memref<128x50xi32, #tpu.memory_space<vmem>> -> memref<1x50xi32, #tpu.memory_space<vmem>>
      %dma_wait3A_353 = tpu.memref_squeeze %dma_wait3A_352 : memref<1x50xi32, #tpu.memory_space<vmem>> -> memref<50xi32, #tpu.memory_space<vmem>>
      %dma_wait3A_354 = arith.constant 0 : i32
      %dma_wait3A_355 = arith.constant 0 : i32
      %dma_wait3A_356 = tpu.memref_slice %arg3[%dma_wait3A_354, %dma_wait3A_355] : memref<100000x128xf32, #tpu.memory_space<hbm>> -> memref<100000x128xf32, #tpu.memory_space<hbm>>
      tpu.wait_indirect_dma semaphore(%arg14 : memref<!tpu.dma_semaphore, #tpu.memory_space<semaphore_mem>>) src(%dma_wait3A_356 : memref<100000x128xf32, #tpu.memory_space<hbm>>) dst(%dma_wait3A_350 : memref<50x128xf32, #tpu.memory_space<vmem>>)
      %scan3A_357 = arith.constant 0 : i32
      %scan3A_358 = arith.constant 0 : i32
      %scan3A_359 = arith.constant 50 : i32
      %scan3A_360 = arith.addi %scan3A_358, %scan3A_359 : i32
      %scan3A_361 = arith.constant 1 : i32
      scf.for %scan3A_627 = %scan3A_358 to %scan3A_360 step %scan3A_361  : i32 {
        %get3A = arith.index_cast %scan3A_627 : i32 to index
        %get3A_628 = arith.constant 0 : index
        %get3A_629 = tpu.vector_load %arg7[%get3A, %get3A_628] {strides = array<i32>} : memref<50x128xf32, #tpu.memory_space<vmem>>, vector<1x16xf32>,
        %get3A_630 = vector.shape_cast %get3A_629 : vector<1x16xf32> to vector<16xf32>
        %get3A_631 = arith.constant 0 : i32
        %get3A_632 = arith.index_cast %get3A_631 : i32 to index
        %get3A_633 = arith.index_cast %scan3A_627 : i32 to index
        %get3A_634 = arith.constant 0 : index
        %get3A_635 = tpu.vector_load %arg10[%get3A_632, %get3A_633, %get3A_634] {strides = array<i32>} : memref<2x50x128xf32, #tpu.memory_space<vmem>>, vector<1x1x16xf32>,
        %get3A_636 = vector.shape_cast %get3A_635 : vector<1x1x16xf32> to vector<16xf32>
        %add3A_637 = arith.addf %get3A_636, %get3A_630 : vector<16xf32>
        %swap3A = arith.constant 0 : i32
        %swap3A_638 = arith.index_cast %swap3A : i32 to index
        %swap3A_639 = arith.index_cast %scan3A_627 : i32 to index
        %swap3A_640 = arith.constant 0 : index
        %swap3A_641 = tpu.vector_load %arg10[%swap3A_638, %swap3A_639, %swap3A_640] {strides = array<i32>} : memref<2x50x128xf32, #tpu.memory_space<vmem>>, vector<1x1x16xf32>,
        %swap3A_642 = vector.shape_cast %swap3A_641 : vector<1x1x16xf32> to vector<16xf32>
        %swap3A_643 = vector.shape_cast %add3A_637 : vector<16xf32> to vector<1x1x16xf32>
        tpu.vector_store %arg10[%swap3A_638, %swap3A_639, %swap3A_640], %swap3A_643 {strides = array<i32>} : memref<2x50x128xf32, #tpu.memory_space<vmem>>, vector<1x1x16xf32>,
        %get3A_644 = arith.constant 1 : i32
        %get3A_645 = arith.index_cast %get3A_644 : i32 to index
        %get3A_646 = arith.index_cast %scan3A_627 : i32 to index
        %get3A_647 = arith.constant 0 : index
        %get3A_648 = tpu.vector_load %arg10[%get3A_645, %get3A_646, %get3A_647] {strides = array<i32>} : memref<2x50x128xf32, #tpu.memory_space<vmem>>, vector<1x1x16xf32>,
        %get3A_649 = vector.shape_cast %get3A_648 : vector<1x1x16xf32> to vector<16xf32>
        %add3A_650 = arith.addf %get3A_649, %get3A_630 : vector<16xf32>
        %swap3A_651 = arith.constant 1 : i32
        %swap3A_652 = arith.index_cast %swap3A_651 : i32 to index
        %swap3A_653 = arith.index_cast %scan3A_627 : i32 to index
        %swap3A_654 = arith.constant 0 : index
        %swap3A_655 = tpu.vector_load %arg10[%swap3A_652, %swap3A_653, %swap3A_654] {strides = array<i32>} : memref<2x50x128xf32, #tpu.memory_space<vmem>>, vector<1x1x16xf32>,
        %swap3A_656 = vector.shape_cast %swap3A_655 : vector<1x1x16xf32> to vector<16xf32>
        %swap3A_657 = vector.shape_cast %add3A_650 : vector<16xf32> to vector<1x1x16xf32>
        tpu.vector_store %arg10[%swap3A_652, %swap3A_653, %swap3A_654], %swap3A_657 {strides = array<i32>} : memref<2x50x128xf32, #tpu.memory_space<vmem>>, vector<1x1x16xf32>,
        %get3A_658 = arith.index_cast %scan3A_627 : i32 to index
        %get3A_659 = arith.constant 16 : index
        %get3A_660 = tpu.vector_load %arg7[%get3A_658, %get3A_659] {strides = array<i32>} : memref<50x128xf32, #tpu.memory_space<vmem>>, vector<1x16xf32>,
        %get3A_661 = vector.shape_cast %get3A_660 : vector<1x16xf32> to vector<16xf32>
        %get3A_662 = arith.constant 0 : i32
        %get3A_663 = arith.index_cast %get3A_662 : i32 to index
        %get3A_664 = arith.index_cast %scan3A_627 : i32 to index
        %get3A_665 = arith.constant 16 : index
        %get3A_666 = tpu.vector_load %arg10[%get3A_663, %get3A_664, %get3A_665] {strides = array<i32>} : memref<2x50x128xf32, #tpu.memory_space<vmem>>, vector<1x1x16xf32>,
        %get3A_667 = vector.shape_cast %get3A_666 : vector<1x1x16xf32> to vector<16xf32>
        %add3A_668 = arith.addf %get3A_667, %get3A_661 : vector<16xf32>
        %swap3A_669 = arith.constant 0 : i32
        %swap3A_670 = arith.index_cast %swap3A_669 : i32 to index
        %swap3A_671 = arith.index_cast %scan3A_627 : i32 to index
        %swap3A_672 = arith.constant 16 : index
        %swap3A_673 = tpu.vector_load %arg10[%swap3A_670, %swap3A_671, %swap3A_672] {strides = array<i32>} : memref<2x50x128xf32, #tpu.memory_space<vmem>>, vector<1x1x16xf32>,
        %swap3A_674 = vector.shape_cast %swap3A_673 : vector<1x1x16xf32> to vector<16xf32>
        %swap3A_675 = vector.shape_cast %add3A_668 : vector<16xf32> to vector<1x1x16xf32>
        tpu.vector_store %arg10[%swap3A_670, %swap3A_671, %swap3A_672], %swap3A_675 {strides = array<i32>} : memref<2x50x128xf32, #tpu.memory_space<vmem>>, vector<1x1x16xf32>,
        %get3A_676 = arith.constant 1 : i32
        %get3A_677 = arith.index_cast %get3A_676 : i32 to index
        %get3A_678 = arith.index_cast %scan3A_627 : i32 to index
        %get3A_679 = arith.constant 16 : index
        %get3A_680 = tpu.vector_load %arg10[%get3A_677, %get3A_678, %get3A_679] {strides = array<i32>} : memref<2x50x128xf32, #tpu.memory_space<vmem>>, vector<1x1x16xf32>,
        %get3A_681 = vector.shape_cast %get3A_680 : vector<1x1x16xf32> to vector<16xf32>
        %add3A_682 = arith.addf %get3A_681, %get3A_661 : vector<16xf32>
        %swap3A_683 = arith.constant 1 : i32
        %swap3A_684 = arith.index_cast %swap3A_683 : i32 to index
        %swap3A_685 = arith.index_cast %scan3A_627 : i32 to index
        %swap3A_686 = arith.constant 16 : index
        %swap3A_687 = tpu.vector_load %arg10[%swap3A_684, %swap3A_685, %swap3A_686] {strides = array<i32>} : memref<2x50x128xf32, #tpu.memory_space<vmem>>, vector<1x1x16xf32>,
        %swap3A_688 = vector.shape_cast %swap3A_687 : vector<1x1x16xf32> to vector<16xf32>
        %swap3A_689 = vector.shape_cast %add3A_682 : vector<16xf32> to vector<1x1x16xf32>
        tpu.vector_store %arg10[%swap3A_684, %swap3A_685, %swap3A_686], %swap3A_689 {strides = array<i32>} : memref<2x50x128xf32, #tpu.memory_space<vmem>>, vector<1x1x16xf32>,
        %get3A_690 = arith.index_cast %scan3A_627 : i32 to index
        %get3A_691 = arith.constant 32 : index
        %get3A_692 = tpu.vector_load %arg7[%get3A_690, %get3A_691] {strides = array<i32>} : memref<50x128xf32, #tpu.memory_space<vmem>>, vector<1x16xf32>,
        %get3A_693 = vector.shape_cast %get3A_692 : vector<1x16xf32> to vector<16xf32>
        %get3A_694 = arith.constant 0 : i32
        %get3A_695 = arith.index_cast %get3A_694 : i32 to index
        %get3A_696 = arith.index_cast %scan3A_627 : i32 to index
        %get3A_697 = arith.constant 32 : index
        %get3A_698 = tpu.vector_load %arg10[%get3A_695, %get3A_696, %get3A_697] {strides = array<i32>} : memref<2x50x128xf32, #tpu.memory_space<vmem>>, vector<1x1x16xf32>,
        %get3A_699 = vector.shape_cast %get3A_698 : vector<1x1x16xf32> to vector<16xf32>
        %add3A_700 = arith.addf %get3A_699, %get3A_693 : vector<16xf32>
        %swap3A_701 = arith.constant 0 : i32
        %swap3A_702 = arith.index_cast %swap3A_701 : i32 to index
        %swap3A_703 = arith.index_cast %scan3A_627 : i32 to index
        %swap3A_704 = arith.constant 32 : index
        %swap3A_705 = tpu.vector_load %arg10[%swap3A_702, %swap3A_703, %swap3A_704] {strides = array<i32>} : memref<2x50x128xf32, #tpu.memory_space<vmem>>, vector<1x1x16xf32>,
        %swap3A_706 = vector.shape_cast %swap3A_705 : vector<1x1x16xf32> to vector<16xf32>
        %swap3A_707 = vector.shape_cast %add3A_700 : vector<16xf32> to vector<1x1x16xf32>
        tpu.vector_store %arg10[%swap3A_702, %swap3A_703, %swap3A_704], %swap3A_707 {strides = array<i32>} : memref<2x50x128xf32, #tpu.memory_space<vmem>>, vector<1x1x16xf32>,
        %get3A_708 = arith.constant 1 : i32
        %get3A_709 = arith.index_cast %get3A_708 : i32 to index
        %get3A_710 = arith.index_cast %scan3A_627 : i32 to index
        %get3A_711 = arith.constant 32 : index
        %get3A_712 = tpu.vector_load %arg10[%get3A_709, %get3A_710, %get3A_711] {strides = array<i32>} : memref<2x50x128xf32, #tpu.memory_space<vmem>>, vector<1x1x16xf32>,
        %get3A_713 = vector.shape_cast %get3A_712 : vector<1x1x16xf32> to vector<16xf32>
        %add3A_714 = arith.addf %get3A_713, %get3A_693 : vector<16xf32>
        %swap3A_715 = arith.constant 1 : i32
        %swap3A_716 = arith.index_cast %swap3A_715 : i32 to index
        %swap3A_717 = arith.index_cast %scan3A_627 : i32 to index
        %swap3A_718 = arith.constant 32 : index
        %swap3A_719 = tpu.vector_load %arg10[%swap3A_716, %swap3A_717, %swap3A_718] {strides = array<i32>} : memref<2x50x128xf32, #tpu.memory_space<vmem>>, vector<1x1x16xf32>,
        %swap3A_720 = vector.shape_cast %swap3A_719 : vector<1x1x16xf32> to vector<16xf32>
        %swap3A_721 = vector.shape_cast %add3A_714 : vector<16xf32> to vector<1x1x16xf32>
        tpu.vector_store %arg10[%swap3A_716, %swap3A_717, %swap3A_718], %swap3A_721 {strides = array<i32>} : memref<2x50x128xf32, #tpu.memory_space<vmem>>, vector<1x1x16xf32>,
        %get3A_722 = arith.index_cast %scan3A_627 : i32 to index
        %get3A_723 = arith.constant 48 : index
        %get3A_724 = tpu.vector_load %arg7[%get3A_722, %get3A_723] {strides = array<i32>} : memref<50x128xf32, #tpu.memory_space<vmem>>, vector<1x16xf32>,
        %get3A_725 = vector.shape_cast %get3A_724 : vector<1x16xf32> to vector<16xf32>
        %get3A_726 = arith.constant 0 : i32
        %get3A_727 = arith.index_cast %get3A_726 : i32 to index
        %get3A_728 = arith.index_cast %scan3A_627 : i32 to index
        %get3A_729 = arith.constant 48 : index
        %get3A_730 = tpu.vector_load %arg10[%get3A_727, %get3A_728, %get3A_729] {strides = array<i32>} : memref<2x50x128xf32, #tpu.memory_space<vmem>>, vector<1x1x16xf32>,
        %get3A_731 = vector.shape_cast %get3A_730 : vector<1x1x16xf32> to vector<16xf32>
        %add3A_732 = arith.addf %get3A_731, %get3A_725 : vector<16xf32>
        %swap3A_733 = arith.constant 0 : i32
        %swap3A_734 = arith.index_cast %swap3A_733 : i32 to index
        %swap3A_735 = arith.index_cast %scan3A_627 : i32 to index
        %swap3A_736 = arith.constant 48 : index
        %swap3A_737 = tpu.vector_load %arg10[%swap3A_734, %swap3A_735, %swap3A_736] {strides = array<i32>} : memref<2x50x128xf32, #tpu.memory_space<vmem>>, vector<1x1x16xf32>,
        %swap3A_738 = vector.shape_cast %swap3A_737 : vector<1x1x16xf32> to vector<16xf32>
        %swap3A_739 = vector.shape_cast %add3A_732 : vector<16xf32> to vector<1x1x16xf32>
        tpu.vector_store %arg10[%swap3A_734, %swap3A_735, %swap3A_736], %swap3A_739 {strides = array<i32>} : memref<2x50x128xf32, #tpu.memory_space<vmem>>, vector<1x1x16xf32>,
        %get3A_740 = arith.constant 1 : i32
        %get3A_741 = arith.index_cast %get3A_740 : i32 to index
        %get3A_742 = arith.index_cast %scan3A_627 : i32 to index
        %get3A_743 = arith.constant 48 : index
        %get3A_744 = tpu.vector_load %arg10[%get3A_741, %get3A_742, %get3A_743] {strides = array<i32>} : memref<2x50x128xf32, #tpu.memory_space<vmem>>, vector<1x1x16xf32>,
        %get3A_745 = vector.shape_cast %get3A_744 : vector<1x1x16xf32> to vector<16xf32>
        %add3A_746 = arith.addf %get3A_745, %get3A_725 : vector<16xf32>
        %swap3A_747 = arith.constant 1 : i32
        %swap3A_748 = arith.index_cast %swap3A_747 : i32 to index
        %swap3A_749 = arith.index_cast %scan3A_627 : i32 to index
        %swap3A_750 = arith.constant 48 : index
        %swap3A_751 = tpu.vector_load %arg10[%swap3A_748, %swap3A_749, %swap3A_750] {strides = array<i32>} : memref<2x50x128xf32, #tpu.memory_space<vmem>>, vector<1x1x16xf32>,
        %swap3A_752 = vector.shape_cast %swap3A_751 : vector<1x1x16xf32> to vector<16xf32>
        %swap3A_753 = vector.shape_cast %add3A_746 : vector<16xf32> to vector<1x1x16xf32>
        tpu.vector_store %arg10[%swap3A_748, %swap3A_749, %swap3A_750], %swap3A_753 {strides = array<i32>} : memref<2x50x128xf32, #tpu.memory_space<vmem>>, vector<1x1x16xf32>,
        %get3A_754 = arith.index_cast %scan3A_627 : i32 to index
        %get3A_755 = arith.constant 64 : index
        %get3A_756 = tpu.vector_load %arg7[%get3A_754, %get3A_755] {strides = array<i32>} : memref<50x128xf32, #tpu.memory_space<vmem>>, vector<1x16xf32>,
        %get3A_757 = vector.shape_cast %get3A_756 : vector<1x16xf32> to vector<16xf32>
        %get3A_758 = arith.constant 0 : i32
        %get3A_759 = arith.index_cast %get3A_758 : i32 to index
        %get3A_760 = arith.index_cast %scan3A_627 : i32 to index
        %get3A_761 = arith.constant 64 : index
        %get3A_762 = tpu.vector_load %arg10[%get3A_759, %get3A_760, %get3A_761] {strides = array<i32>} : memref<2x50x128xf32, #tpu.memory_space<vmem>>, vector<1x1x16xf32>,
        %get3A_763 = vector.shape_cast %get3A_762 : vector<1x1x16xf32> to vector<16xf32>
        %add3A_764 = arith.addf %get3A_763, %get3A_757 : vector<16xf32>
        %swap3A_765 = arith.constant 0 : i32
        %swap3A_766 = arith.index_cast %swap3A_765 : i32 to index
        %swap3A_767 = arith.index_cast %scan3A_627 : i32 to index
        %swap3A_768 = arith.constant 64 : index
        %swap3A_769 = tpu.vector_load %arg10[%swap3A_766, %swap3A_767, %swap3A_768] {strides = array<i32>} : memref<2x50x128xf32, #tpu.memory_space<vmem>>, vector<1x1x16xf32>,
        %swap3A_770 = vector.shape_cast %swap3A_769 : vector<1x1x16xf32> to vector<16xf32>
        %swap3A_771 = vector.shape_cast %add3A_764 : vector<16xf32> to vector<1x1x16xf32>
        tpu.vector_store %arg10[%swap3A_766, %swap3A_767, %swap3A_768], %swap3A_771 {strides = array<i32>} : memref<2x50x128xf32, #tpu.memory_space<vmem>>, vector<1x1x16xf32>,
        %get3A_772 = arith.constant 1 : i32
        %get3A_773 = arith.index_cast %get3A_772 : i32 to index
        %get3A_774 = arith.index_cast %scan3A_627 : i32 to index
        %get3A_775 = arith.constant 64 : index
        %get3A_776 = tpu.vector_load %arg10[%get3A_773, %get3A_774, %get3A_775] {strides = array<i32>} : memref<2x50x128xf32, #tpu.memory_space<vmem>>, vector<1x1x16xf32>,
        %get3A_777 = vector.shape_cast %get3A_776 : vector<1x1x16xf32> to vector<16xf32>
        %add3A_778 = arith.addf %get3A_777, %get3A_757 : vector<16xf32>
        %swap3A_779 = arith.constant 1 : i32
        %swap3A_780 = arith.index_cast %swap3A_779 : i32 to index
        %swap3A_781 = arith.index_cast %scan3A_627 : i32 to index
        %swap3A_782 = arith.constant 64 : index
        %swap3A_783 = tpu.vector_load %arg10[%swap3A_780, %swap3A_781, %swap3A_782] {strides = array<i32>} : memref<2x50x128xf32, #tpu.memory_space<vmem>>, vector<1x1x16xf32>,
        %swap3A_784 = vector.shape_cast %swap3A_783 : vector<1x1x16xf32> to vector<16xf32>
        %swap3A_785 = vector.shape_cast %add3A_778 : vector<16xf32> to vector<1x1x16xf32>
        tpu.vector_store %arg10[%swap3A_780, %swap3A_781, %swap3A_782], %swap3A_785 {strides = array<i32>} : memref<2x50x128xf32, #tpu.memory_space<vmem>>, vector<1x1x16xf32>,
        %get3A_786 = arith.index_cast %scan3A_627 : i32 to index
        %get3A_787 = arith.constant 80 : index
        %get3A_788 = tpu.vector_load %arg7[%get3A_786, %get3A_787] {strides = array<i32>} : memref<50x128xf32, #tpu.memory_space<vmem>>, vector<1x16xf32>,
        %get3A_789 = vector.shape_cast %get3A_788 : vector<1x16xf32> to vector<16xf32>
        %get3A_790 = arith.constant 0 : i32
        %get3A_791 = arith.index_cast %get3A_790 : i32 to index
        %get3A_792 = arith.index_cast %scan3A_627 : i32 to index
        %get3A_793 = arith.constant 80 : index
        %get3A_794 = tpu.vector_load %arg10[%get3A_791, %get3A_792, %get3A_793] {strides = array<i32>} : memref<2x50x128xf32, #tpu.memory_space<vmem>>, vector<1x1x16xf32>,
        %get3A_795 = vector.shape_cast %get3A_794 : vector<1x1x16xf32> to vector<16xf32>
        %add3A_796 = arith.addf %get3A_795, %get3A_789 : vector<16xf32>
        %swap3A_797 = arith.constant 0 : i32
        %swap3A_798 = arith.index_cast %swap3A_797 : i32 to index
        %swap3A_799 = arith.index_cast %scan3A_627 : i32 to index
        %swap3A_800 = arith.constant 80 : index
        %swap3A_801 = tpu.vector_load %arg10[%swap3A_798, %swap3A_799, %swap3A_800] {strides = array<i32>} : memref<2x50x128xf32, #tpu.memory_space<vmem>>, vector<1x1x16xf32>,
        %swap3A_802 = vector.shape_cast %swap3A_801 : vector<1x1x16xf32> to vector<16xf32>
        %swap3A_803 = vector.shape_cast %add3A_796 : vector<16xf32> to vector<1x1x16xf32>
        tpu.vector_store %arg10[%swap3A_798, %swap3A_799, %swap3A_800], %swap3A_803 {strides = array<i32>} : memref<2x50x128xf32, #tpu.memory_space<vmem>>, vector<1x1x16xf32>,
        %get3A_804 = arith.constant 1 : i32
        %get3A_805 = arith.index_cast %get3A_804 : i32 to index
        %get3A_806 = arith.index_cast %scan3A_627 : i32 to index
        %get3A_807 = arith.constant 80 : index
        %get3A_808 = tpu.vector_load %arg10[%get3A_805, %get3A_806, %get3A_807] {strides = array<i32>} : memref<2x50x128xf32, #tpu.memory_space<vmem>>, vector<1x1x16xf32>,
        %get3A_809 = vector.shape_cast %get3A_808 : vector<1x1x16xf32> to vector<16xf32>
        %add3A_810 = arith.addf %get3A_809, %get3A_789 : vector<16xf32>
        %swap3A_811 = arith.constant 1 : i32
        %swap3A_812 = arith.index_cast %swap3A_811 : i32 to index
        %swap3A_813 = arith.index_cast %scan3A_627 : i32 to index
        %swap3A_814 = arith.constant 80 : index
        %swap3A_815 = tpu.vector_load %arg10[%swap3A_812, %swap3A_813, %swap3A_814] {strides = array<i32>} : memref<2x50x128xf32, #tpu.memory_space<vmem>>, vector<1x1x16xf32>,
        %swap3A_816 = vector.shape_cast %swap3A_815 : vector<1x1x16xf32> to vector<16xf32>
        %swap3A_817 = vector.shape_cast %add3A_810 : vector<16xf32> to vector<1x1x16xf32>
        tpu.vector_store %arg10[%swap3A_812, %swap3A_813, %swap3A_814], %swap3A_817 {strides = array<i32>} : memref<2x50x128xf32, #tpu.memory_space<vmem>>, vector<1x1x16xf32>,
        %get3A_818 = arith.index_cast %scan3A_627 : i32 to index
        %get3A_819 = arith.constant 96 : index
        %get3A_820 = tpu.vector_load %arg7[%get3A_818, %get3A_819] {strides = array<i32>} : memref<50x128xf32, #tpu.memory_space<vmem>>, vector<1x16xf32>,
        %get3A_821 = vector.shape_cast %get3A_820 : vector<1x16xf32> to vector<16xf32>
        %get3A_822 = arith.constant 0 : i32
        %get3A_823 = arith.index_cast %get3A_822 : i32 to index
        %get3A_824 = arith.index_cast %scan3A_627 : i32 to index
        %get3A_825 = arith.constant 96 : index
        %get3A_826 = tpu.vector_load %arg10[%get3A_823, %get3A_824, %get3A_825] {strides = array<i32>} : memref<2x50x128xf32, #tpu.memory_space<vmem>>, vector<1x1x16xf32>,
        %get3A_827 = vector.shape_cast %get3A_826 : vector<1x1x16xf32> to vector<16xf32>
        %add3A_828 = arith.addf %get3A_827, %get3A_821 : vector<16xf32>
        %swap3A_829 = arith.constant 0 : i32
        %swap3A_830 = arith.index_cast %swap3A_829 : i32 to index
        %swap3A_831 = arith.index_cast %scan3A_627 : i32 to index
        %swap3A_832 = arith.constant 96 : index
        %swap3A_833 = tpu.vector_load %arg10[%swap3A_830, %swap3A_831, %swap3A_832] {strides = array<i32>} : memref<2x50x128xf32, #tpu.memory_space<vmem>>, vector<1x1x16xf32>,
        %swap3A_834 = vector.shape_cast %swap3A_833 : vector<1x1x16xf32> to vector<16xf32>
        %swap3A_835 = vector.shape_cast %add3A_828 : vector<16xf32> to vector<1x1x16xf32>
        tpu.vector_store %arg10[%swap3A_830, %swap3A_831, %swap3A_832], %swap3A_835 {strides = array<i32>} : memref<2x50x128xf32, #tpu.memory_space<vmem>>, vector<1x1x16xf32>,
        %get3A_836 = arith.constant 1 : i32
        %get3A_837 = arith.index_cast %get3A_836 : i32 to index
        %get3A_838 = arith.index_cast %scan3A_627 : i32 to index
        %get3A_839 = arith.constant 96 : index
        %get3A_840 = tpu.vector_load %arg10[%get3A_837, %get3A_838, %get3A_839] {strides = array<i32>} : memref<2x50x128xf32, #tpu.memory_space<vmem>>, vector<1x1x16xf32>,
        %get3A_841 = vector.shape_cast %get3A_840 : vector<1x1x16xf32> to vector<16xf32>
        %add3A_842 = arith.addf %get3A_841, %get3A_821 : vector<16xf32>
        %swap3A_843 = arith.constant 1 : i32
        %swap3A_844 = arith.index_cast %swap3A_843 : i32 to index
        %swap3A_845 = arith.index_cast %scan3A_627 : i32 to index
        %swap3A_846 = arith.constant 96 : index
        %swap3A_847 = tpu.vector_load %arg10[%swap3A_844, %swap3A_845, %swap3A_846] {strides = array<i32>} : memref<2x50x128xf32, #tpu.memory_space<vmem>>, vector<1x1x16xf32>,
        %swap3A_848 = vector.shape_cast %swap3A_847 : vector<1x1x16xf32> to vector<16xf32>
        %swap3A_849 = vector.shape_cast %add3A_842 : vector<16xf32> to vector<1x1x16xf32>
        tpu.vector_store %arg10[%swap3A_844, %swap3A_845, %swap3A_846], %swap3A_849 {strides = array<i32>} : memref<2x50x128xf32, #tpu.memory_space<vmem>>, vector<1x1x16xf32>,
        %get3A_850 = arith.index_cast %scan3A_627 : i32 to index
        %get3A_851 = arith.constant 112 : index
        %get3A_852 = tpu.vector_load %arg7[%get3A_850, %get3A_851] {strides = array<i32>} : memref<50x128xf32, #tpu.memory_space<vmem>>, vector<1x16xf32>,
        %get3A_853 = vector.shape_cast %get3A_852 : vector<1x16xf32> to vector<16xf32>
        %get3A_854 = arith.constant 0 : i32
        %get3A_855 = arith.index_cast %get3A_854 : i32 to index
        %get3A_856 = arith.index_cast %scan3A_627 : i32 to index
        %get3A_857 = arith.constant 112 : index
        %get3A_858 = tpu.vector_load %arg10[%get3A_855, %get3A_856, %get3A_857] {strides = array<i32>} : memref<2x50x128xf32, #tpu.memory_space<vmem>>, vector<1x1x16xf32>,
        %get3A_859 = vector.shape_cast %get3A_858 : vector<1x1x16xf32> to vector<16xf32>
        %add3A_860 = arith.addf %get3A_859, %get3A_853 : vector<16xf32>
        %swap3A_861 = arith.constant 0 : i32
        %swap3A_862 = arith.index_cast %swap3A_861 : i32 to index
        %swap3A_863 = arith.index_cast %scan3A_627 : i32 to index
        %swap3A_864 = arith.constant 112 : index
        %swap3A_865 = tpu.vector_load %arg10[%swap3A_862, %swap3A_863, %swap3A_864] {strides = array<i32>} : memref<2x50x128xf32, #tpu.memory_space<vmem>>, vector<1x1x16xf32>,
        %swap3A_866 = vector.shape_cast %swap3A_865 : vector<1x1x16xf32> to vector<16xf32>
        %swap3A_867 = vector.shape_cast %add3A_860 : vector<16xf32> to vector<1x1x16xf32>
        tpu.vector_store %arg10[%swap3A_862, %swap3A_863, %swap3A_864], %swap3A_867 {strides = array<i32>} : memref<2x50x128xf32, #tpu.memory_space<vmem>>, vector<1x1x16xf32>,
        %get3A_868 = arith.constant 1 : i32
        %get3A_869 = arith.index_cast %get3A_868 : i32 to index
        %get3A_870 = arith.index_cast %scan3A_627 : i32 to index
        %get3A_871 = arith.constant 112 : index
        %get3A_872 = tpu.vector_load %arg10[%get3A_869, %get3A_870, %get3A_871] {strides = array<i32>} : memref<2x50x128xf32, #tpu.memory_space<vmem>>, vector<1x1x16xf32>,
        %get3A_873 = vector.shape_cast %get3A_872 : vector<1x1x16xf32> to vector<16xf32>
        %add3A_874 = arith.addf %get3A_873, %get3A_853 : vector<16xf32>
        %swap3A_875 = arith.constant 1 : i32
        %swap3A_876 = arith.index_cast %swap3A_875 : i32 to index
        %swap3A_877 = arith.index_cast %scan3A_627 : i32 to index
        %swap3A_878 = arith.constant 112 : index
        %swap3A_879 = tpu.vector_load %arg10[%swap3A_876, %swap3A_877, %swap3A_878] {strides = array<i32>} : memref<2x50x128xf32, #tpu.memory_space<vmem>>, vector<1x1x16xf32>,
        %swap3A_880 = vector.shape_cast %swap3A_879 : vector<1x1x16xf32> to vector<16xf32>
        %swap3A_881 = vector.shape_cast %add3A_874 : vector<16xf32> to vector<1x1x16xf32>
        tpu.vector_store %arg10[%swap3A_876, %swap3A_877, %swap3A_878], %swap3A_881 {strides = array<i32>} : memref<2x50x128xf32, #tpu.memory_space<vmem>>, vector<1x1x16xf32>,
      }
      %scan3A_362 = arith.constant 50 : i32
      %mul3A_363 = arith.constant 2 : i32
      %mul3A_364 = arith.muli %add3A_292, %mul3A_363 : i32
      %add3A_365 = arith.addi %mul3A_2, %mul3A_364 : i32
      %dma_start3A_366 = arith.constant 0 : i32
      %dma_start3A_367 = arith.constant 0 : i32
      %dma_start3A_368 = tpu.memref_slice %arg5[%add3A_365, %dma_start3A_366, %dma_start3A_367] : memref<4096x50x128xf32, #tpu.memory_space<hbm>> -> memref<2x50x128xf32, #tpu.memory_space<hbm>>
      %dma_start3A_369 = arith.constant 0 : i32
      %dma_start3A_370 = arith.constant 0 : i32
      %dma_start3A_371 = tpu.memref_slice %arg5[%add3A_365, %dma_start3A_369, %dma_start3A_370] : memref<4096x50x128xf32, #tpu.memory_space<hbm>> -> memref<2x50x128xf32, #tpu.memory_space<hbm>>
      tpu.enqueue_dma source(%arg10 : memref<2x50x128xf32, #tpu.memory_space<vmem>>) target(%dma_start3A_371 : memref<2x50x128xf32, #tpu.memory_space<hbm>>) target_semaphore(%arg18 : memref<!tpu.dma_semaphore, #tpu.memory_space<semaphore_mem>>)
      %mul3A_372 = arith.constant 4 : i32
      %mul3A_373 = arith.muli %scan3A_286, %mul3A_372 : i32
      %add3A_374 = arith.constant 2 : i32
      %add3A_375 = arith.addi %add3A_374, %mul3A_373 : i32
      %add3A_376 = arith.constant 1 : i32
      %add3A_377 = arith.addi %add3A_375, %add3A_376 : i32
      %dma_wait3A_378 = arith.constant 0 : i32
      %dma_wait3A_379 = arith.constant 0 : i32
      %dma_wait3A_380 = arith.constant 0 : i32
      %dma_wait3A_381 = tpu.memref_slice %arg5[%dma_wait3A_378, %dma_wait3A_379, %dma_wait3A_380] : memref<4096x50x128xf32, #tpu.memory_space<hbm>> -> memref<2x50x128xf32, #tpu.memory_space<hbm>>
      %dma_wait3A_382 = arith.constant 0 : i32
      %dma_wait3A_383 = arith.constant 0 : i32
      %dma_wait3A_384 = arith.constant 0 : i32
      %dma_wait3A_385 = tpu.memref_slice %arg5[%dma_wait3A_382, %dma_wait3A_383, %dma_wait3A_384] : memref<4096x50x128xf32, #tpu.memory_space<hbm>> -> memref<2x50x128xf32, #tpu.memory_space<hbm>>
      tpu.wait_dma2 semaphore(%arg17 : memref<!tpu.dma_semaphore, #tpu.memory_space<semaphore_mem>>) src(%arg9 : memref<2x50x128xf32, #tpu.memory_space<vmem>>) dst(%dma_wait3A_385 : memref<2x50x128xf32, #tpu.memory_space<hbm>>)
      %add3A_386 = arith.constant 2 : i32
      %add3A_387 = arith.addi %add3A_377, %add3A_386 : i32
      %mul3A_388 = arith.constant 2 : i32
      %mul3A_389 = arith.muli %add3A_387, %mul3A_388 : i32
      %add3A_390 = arith.constant 0 : i32
      %add3A_391 = arith.addi %mul3A_389, %add3A_390 : i32
      %dma_start3A_392 = arith.constant 0 : i32
      %dma_start3A_393 = arith.constant 0 : i32
      %dma_start3A_394 = arith.constant 0 : i32
      %dma_start3A_395 = tpu.memref_slice %arg9[%dma_start3A_392, %dma_start3A_393, %dma_start3A_394] : memref<2x50x128xf32, #tpu.memory_space<vmem>> -> memref<1x50x128xf32, #tpu.memory_space<vmem>>
      %dma_start3A_396 = tpu.memref_squeeze %dma_start3A_395 : memref<1x50x128xf32, #tpu.memory_space<vmem>> -> memref<50x128xf32, #tpu.memory_space<vmem>>
      %dma_start3A_397 = arith.constant 0 : i32
      %dma_start3A_398 = tpu.memref_slice %arg6[%add3A_391, %dma_start3A_397] : memref<128x50xi32, #tpu.memory_space<vmem>> -> memref<1x50xi32, #tpu.memory_space<vmem>>
      %dma_start3A_399 = tpu.memref_squeeze %dma_start3A_398 : memref<1x50xi32, #tpu.memory_space<vmem>> -> memref<50xi32, #tpu.memory_space<vmem>>
      %dma_start3A_400 = arith.constant 0 : i32
      %dma_start3A_401 = arith.constant 0 : i32
      %dma_start3A_402 = tpu.memref_slice %arg3[%dma_start3A_400, %dma_start3A_401] : memref<100000x128xf32, #tpu.memory_space<hbm>> -> memref<100000x128xf32, #tpu.memory_space<hbm>>
      tpu.enqueue_indirect_dma source(%dma_start3A_402 : memref<100000x128xf32, #tpu.memory_space<hbm>>) target(%dma_start3A_396 : memref<50x128xf32, #tpu.memory_space<vmem>>) offsets(%dma_start3A_399 : memref<50xi32, #tpu.memory_space<vmem>>) semaphore(%arg13 : memref<!tpu.dma_semaphore, #tpu.memory_space<semaphore_mem>>)
      %mul3A_403 = arith.constant 2 : i32
      %mul3A_404 = arith.muli %add3A_387, %mul3A_403 : i32
      %add3A_405 = arith.constant 1 : i32
      %add3A_406 = arith.addi %mul3A_404, %add3A_405 : i32
      %dma_start3A_407 = arith.constant 1 : i32
      %dma_start3A_408 = arith.constant 0 : i32
      %dma_start3A_409 = arith.constant 0 : i32
      %dma_start3A_410 = tpu.memref_slice %arg9[%dma_start3A_407, %dma_start3A_408, %dma_start3A_409] : memref<2x50x128xf32, #tpu.memory_space<vmem>> -> memref<1x50x128xf32, #tpu.memory_space<vmem>>
      %dma_start3A_411 = tpu.memref_squeeze %dma_start3A_410 : memref<1x50x128xf32, #tpu.memory_space<vmem>> -> memref<50x128xf32, #tpu.memory_space<vmem>>
      %dma_start3A_412 = arith.constant 0 : i32
      %dma_start3A_413 = tpu.memref_slice %arg6[%add3A_406, %dma_start3A_412] : memref<128x50xi32, #tpu.memory_space<vmem>> -> memref<1x50xi32, #tpu.memory_space<vmem>>
      %dma_start3A_414 = tpu.memref_squeeze %dma_start3A_413 : memref<1x50xi32, #tpu.memory_space<vmem>> -> memref<50xi32, #tpu.memory_space<vmem>>
      %dma_start3A_415 = arith.constant 0 : i32
      %dma_start3A_416 = arith.constant 0 : i32
      %dma_start3A_417 = tpu.memref_slice %arg3[%dma_start3A_415, %dma_start3A_416] : memref<100000x128xf32, #tpu.memory_space<hbm>> -> memref<100000x128xf32, #tpu.memory_space<hbm>>
      tpu.enqueue_indirect_dma source(%dma_start3A_417 : memref<100000x128xf32, #tpu.memory_space<hbm>>) target(%dma_start3A_411 : memref<50x128xf32, #tpu.memory_space<vmem>>) offsets(%dma_start3A_414 : memref<50xi32, #tpu.memory_space<vmem>>) semaphore(%arg13 : memref<!tpu.dma_semaphore, #tpu.memory_space<semaphore_mem>>)
      %dma_wait3A_418 = arith.constant 0 : i32
      %dma_wait3A_419 = arith.constant 0 : i32
      %dma_wait3A_420 = arith.constant 0 : i32
      %dma_wait3A_421 = arith.constant 0 : i32
      %dma_wait3A_422 = tpu.memref_slice %arg11[%dma_wait3A_419, %dma_wait3A_420, %dma_wait3A_421] : memref<2x50x128xf32, #tpu.memory_space<vmem>> -> memref<1x50x128xf32, #tpu.memory_space<vmem>>
      %dma_wait3A_423 = tpu.memref_squeeze %dma_wait3A_422 : memref<1x50x128xf32, #tpu.memory_space<vmem>> -> memref<50x128xf32, #tpu.memory_space<vmem>>
      %dma_wait3A_424 = arith.constant 0 : i32
      %dma_wait3A_425 = tpu.memref_slice %arg6[%dma_wait3A_418, %dma_wait3A_424] : memref<128x50xi32, #tpu.memory_space<vmem>> -> memref<1x50xi32, #tpu.memory_space<vmem>>
      %dma_wait3A_426 = tpu.memref_squeeze %dma_wait3A_425 : memref<1x50xi32, #tpu.memory_space<vmem>> -> memref<50xi32, #tpu.memory_space<vmem>>
      %dma_wait3A_427 = arith.constant 0 : i32
      %dma_wait3A_428 = arith.constant 0 : i32
      %dma_wait3A_429 = tpu.memref_slice %arg3[%dma_wait3A_427, %dma_wait3A_428] : memref<100000x128xf32, #tpu.memory_space<hbm>> -> memref<100000x128xf32, #tpu.memory_space<hbm>>
      tpu.wait_indirect_dma semaphore(%arg15 : memref<!tpu.dma_semaphore, #tpu.memory_space<semaphore_mem>>) src(%dma_wait3A_429 : memref<100000x128xf32, #tpu.memory_space<hbm>>) dst(%dma_wait3A_423 : memref<50x128xf32, #tpu.memory_space<vmem>>)
      %dma_wait3A_430 = arith.constant 0 : i32
      %dma_wait3A_431 = arith.constant 0 : i32
      %dma_wait3A_432 = arith.constant 0 : i32
      %dma_wait3A_433 = arith.constant 0 : i32
      %dma_wait3A_434 = tpu.memref_slice %arg11[%dma_wait3A_431, %dma_wait3A_432, %dma_wait3A_433] : memref<2x50x128xf32, #tpu.memory_space<vmem>> -> memref<1x50x128xf32, #tpu.memory_space<vmem>>
      %dma_wait3A_435 = tpu.memref_squeeze %dma_wait3A_434 : memref<1x50x128xf32, #tpu.memory_space<vmem>> -> memref<50x128xf32, #tpu.memory_space<vmem>>
      %dma_wait3A_436 = arith.constant 0 : i32
      %dma_wait3A_437 = tpu.memref_slice %arg6[%dma_wait3A_430, %dma_wait3A_436] : memref<128x50xi32, #tpu.memory_space<vmem>> -> memref<1x50xi32, #tpu.memory_space<vmem>>
      %dma_wait3A_438 = tpu.memref_squeeze %dma_wait3A_437 : memref<1x50xi32, #tpu.memory_space<vmem>> -> memref<50xi32, #tpu.memory_space<vmem>>
      %dma_wait3A_439 = arith.constant 0 : i32
      %dma_wait3A_440 = arith.constant 0 : i32
      %dma_wait3A_441 = tpu.memref_slice %arg3[%dma_wait3A_439, %dma_wait3A_440] : memref<100000x128xf32, #tpu.memory_space<hbm>> -> memref<100000x128xf32, #tpu.memory_space<hbm>>
      tpu.wait_indirect_dma semaphore(%arg15 : memref<!tpu.dma_semaphore, #tpu.memory_space<semaphore_mem>>) src(%dma_wait3A_441 : memref<100000x128xf32, #tpu.memory_space<hbm>>) dst(%dma_wait3A_435 : memref<50x128xf32, #tpu.memory_space<vmem>>)
      %scan3A_442 = arith.constant 0 : i32
      %scan3A_443 = arith.constant 0 : i32
      %scan3A_444 = arith.constant 50 : i32
      %scan3A_445 = arith.addi %scan3A_443, %scan3A_444 : i32
      %scan3A_446 = arith.constant 1 : i32
      scf.for %scan3A_627 = %scan3A_443 to %scan3A_445 step %scan3A_446  : i32 {
        %get3A = arith.index_cast %scan3A_627 : i32 to index
        %get3A_628 = arith.constant 0 : index
        %get3A_629 = tpu.vector_load %arg7[%get3A, %get3A_628] {strides = array<i32>} : memref<50x128xf32, #tpu.memory_space<vmem>>, vector<1x16xf32>,
        %get3A_630 = vector.shape_cast %get3A_629 : vector<1x16xf32> to vector<16xf32>
        %get3A_631 = arith.constant 0 : i32
        %get3A_632 = arith.index_cast %get3A_631 : i32 to index
        %get3A_633 = arith.index_cast %scan3A_627 : i32 to index
        %get3A_634 = arith.constant 0 : index
        %get3A_635 = tpu.vector_load %arg11[%get3A_632, %get3A_633, %get3A_634] {strides = array<i32>} : memref<2x50x128xf32, #tpu.memory_space<vmem>>, vector<1x1x16xf32>,
        %get3A_636 = vector.shape_cast %get3A_635 : vector<1x1x16xf32> to vector<16xf32>
        %add3A_637 = arith.addf %get3A_636, %get3A_630 : vector<16xf32>
        %swap3A = arith.constant 0 : i32
        %swap3A_638 = arith.index_cast %swap3A : i32 to index
        %swap3A_639 = arith.index_cast %scan3A_627 : i32 to index
        %swap3A_640 = arith.constant 0 : index
        %swap3A_641 = tpu.vector_load %arg11[%swap3A_638, %swap3A_639, %swap3A_640] {strides = array<i32>} : memref<2x50x128xf32, #tpu.memory_space<vmem>>, vector<1x1x16xf32>,
        %swap3A_642 = vector.shape_cast %swap3A_641 : vector<1x1x16xf32> to vector<16xf32>
        %swap3A_643 = vector.shape_cast %add3A_637 : vector<16xf32> to vector<1x1x16xf32>
        tpu.vector_store %arg11[%swap3A_638, %swap3A_639, %swap3A_640], %swap3A_643 {strides = array<i32>} : memref<2x50x128xf32, #tpu.memory_space<vmem>>, vector<1x1x16xf32>,
        %get3A_644 = arith.constant 1 : i32
        %get3A_645 = arith.index_cast %get3A_644 : i32 to index
        %get3A_646 = arith.index_cast %scan3A_627 : i32 to index
        %get3A_647 = arith.constant 0 : index
        %get3A_648 = tpu.vector_load %arg11[%get3A_645, %get3A_646, %get3A_647] {strides = array<i32>} : memref<2x50x128xf32, #tpu.memory_space<vmem>>, vector<1x1x16xf32>,
        %get3A_649 = vector.shape_cast %get3A_648 : vector<1x1x16xf32> to vector<16xf32>
        %add3A_650 = arith.addf %get3A_649, %get3A_630 : vector<16xf32>
        %swap3A_651 = arith.constant 1 : i32
        %swap3A_652 = arith.index_cast %swap3A_651 : i32 to index
        %swap3A_653 = arith.index_cast %scan3A_627 : i32 to index
        %swap3A_654 = arith.constant 0 : index
        %swap3A_655 = tpu.vector_load %arg11[%swap3A_652, %swap3A_653, %swap3A_654] {strides = array<i32>} : memref<2x50x128xf32, #tpu.memory_space<vmem>>, vector<1x1x16xf32>,
        %swap3A_656 = vector.shape_cast %swap3A_655 : vector<1x1x16xf32> to vector<16xf32>
        %swap3A_657 = vector.shape_cast %add3A_650 : vector<16xf32> to vector<1x1x16xf32>
        tpu.vector_store %arg11[%swap3A_652, %swap3A_653, %swap3A_654], %swap3A_657 {strides = array<i32>} : memref<2x50x128xf32, #tpu.memory_space<vmem>>, vector<1x1x16xf32>,
        %get3A_658 = arith.index_cast %scan3A_627 : i32 to index
        %get3A_659 = arith.constant 16 : index
        %get3A_660 = tpu.vector_load %arg7[%get3A_658, %get3A_659] {strides = array<i32>} : memref<50x128xf32, #tpu.memory_space<vmem>>, vector<1x16xf32>,
        %get3A_661 = vector.shape_cast %get3A_660 : vector<1x16xf32> to vector<16xf32>
        %get3A_662 = arith.constant 0 : i32
        %get3A_663 = arith.index_cast %get3A_662 : i32 to index
        %get3A_664 = arith.index_cast %scan3A_627 : i32 to index
        %get3A_665 = arith.constant 16 : index
        %get3A_666 = tpu.vector_load %arg11[%get3A_663, %get3A_664, %get3A_665] {strides = array<i32>} : memref<2x50x128xf32, #tpu.memory_space<vmem>>, vector<1x1x16xf32>,
        %get3A_667 = vector.shape_cast %get3A_666 : vector<1x1x16xf32> to vector<16xf32>
        %add3A_668 = arith.addf %get3A_667, %get3A_661 : vector<16xf32>
        %swap3A_669 = arith.constant 0 : i32
        %swap3A_670 = arith.index_cast %swap3A_669 : i32 to index
        %swap3A_671 = arith.index_cast %scan3A_627 : i32 to index
        %swap3A_672 = arith.constant 16 : index
        %swap3A_673 = tpu.vector_load %arg11[%swap3A_670, %swap3A_671, %swap3A_672] {strides = array<i32>} : memref<2x50x128xf32, #tpu.memory_space<vmem>>, vector<1x1x16xf32>,
        %swap3A_674 = vector.shape_cast %swap3A_673 : vector<1x1x16xf32> to vector<16xf32>
        %swap3A_675 = vector.shape_cast %add3A_668 : vector<16xf32> to vector<1x1x16xf32>
        tpu.vector_store %arg11[%swap3A_670, %swap3A_671, %swap3A_672], %swap3A_675 {strides = array<i32>} : memref<2x50x128xf32, #tpu.memory_space<vmem>>, vector<1x1x16xf32>,
        %get3A_676 = arith.constant 1 : i32
        %get3A_677 = arith.index_cast %get3A_676 : i32 to index
        %get3A_678 = arith.index_cast %scan3A_627 : i32 to index
        %get3A_679 = arith.constant 16 : index
        %get3A_680 = tpu.vector_load %arg11[%get3A_677, %get3A_678, %get3A_679] {strides = array<i32>} : memref<2x50x128xf32, #tpu.memory_space<vmem>>, vector<1x1x16xf32>,
        %get3A_681 = vector.shape_cast %get3A_680 : vector<1x1x16xf32> to vector<16xf32>
        %add3A_682 = arith.addf %get3A_681, %get3A_661 : vector<16xf32>
        %swap3A_683 = arith.constant 1 : i32
        %swap3A_684 = arith.index_cast %swap3A_683 : i32 to index
        %swap3A_685 = arith.index_cast %scan3A_627 : i32 to index
        %swap3A_686 = arith.constant 16 : index
        %swap3A_687 = tpu.vector_load %arg11[%swap3A_684, %swap3A_685, %swap3A_686] {strides = array<i32>} : memref<2x50x128xf32, #tpu.memory_space<vmem>>, vector<1x1x16xf32>,
        %swap3A_688 = vector.shape_cast %swap3A_687 : vector<1x1x16xf32> to vector<16xf32>
        %swap3A_689 = vector.shape_cast %add3A_682 : vector<16xf32> to vector<1x1x16xf32>
        tpu.vector_store %arg11[%swap3A_684, %swap3A_685, %swap3A_686], %swap3A_689 {strides = array<i32>} : memref<2x50x128xf32, #tpu.memory_space<vmem>>, vector<1x1x16xf32>,
        %get3A_690 = arith.index_cast %scan3A_627 : i32 to index
        %get3A_691 = arith.constant 32 : index
        %get3A_692 = tpu.vector_load %arg7[%get3A_690, %get3A_691] {strides = array<i32>} : memref<50x128xf32, #tpu.memory_space<vmem>>, vector<1x16xf32>,
        %get3A_693 = vector.shape_cast %get3A_692 : vector<1x16xf32> to vector<16xf32>
        %get3A_694 = arith.constant 0 : i32
        %get3A_695 = arith.index_cast %get3A_694 : i32 to index
        %get3A_696 = arith.index_cast %scan3A_627 : i32 to index
        %get3A_697 = arith.constant 32 : index
        %get3A_698 = tpu.vector_load %arg11[%get3A_695, %get3A_696, %get3A_697] {strides = array<i32>} : memref<2x50x128xf32, #tpu.memory_space<vmem>>, vector<1x1x16xf32>,
        %get3A_699 = vector.shape_cast %get3A_698 : vector<1x1x16xf32> to vector<16xf32>
        %add3A_700 = arith.addf %get3A_699, %get3A_693 : vector<16xf32>
        %swap3A_701 = arith.constant 0 : i32
        %swap3A_702 = arith.index_cast %swap3A_701 : i32 to index
        %swap3A_703 = arith.index_cast %scan3A_627 : i32 to index
        %swap3A_704 = arith.constant 32 : index
        %swap3A_705 = tpu.vector_load %arg11[%swap3A_702, %swap3A_703, %swap3A_704] {strides = array<i32>} : memref<2x50x128xf32, #tpu.memory_space<vmem>>, vector<1x1x16xf32>,
        %swap3A_706 = vector.shape_cast %swap3A_705 : vector<1x1x16xf32> to vector<16xf32>
        %swap3A_707 = vector.shape_cast %add3A_700 : vector<16xf32> to vector<1x1x16xf32>
        tpu.vector_store %arg11[%swap3A_702, %swap3A_703, %swap3A_704], %swap3A_707 {strides = array<i32>} : memref<2x50x128xf32, #tpu.memory_space<vmem>>, vector<1x1x16xf32>,
        %get3A_708 = arith.constant 1 : i32
        %get3A_709 = arith.index_cast %get3A_708 : i32 to index
        %get3A_710 = arith.index_cast %scan3A_627 : i32 to index
        %get3A_711 = arith.constant 32 : index
        %get3A_712 = tpu.vector_load %arg11[%get3A_709, %get3A_710, %get3A_711] {strides = array<i32>} : memref<2x50x128xf32, #tpu.memory_space<vmem>>, vector<1x1x16xf32>,
        %get3A_713 = vector.shape_cast %get3A_712 : vector<1x1x16xf32> to vector<16xf32>
        %add3A_714 = arith.addf %get3A_713, %get3A_693 : vector<16xf32>
        %swap3A_715 = arith.constant 1 : i32
        %swap3A_716 = arith.index_cast %swap3A_715 : i32 to index
        %swap3A_717 = arith.index_cast %scan3A_627 : i32 to index
        %swap3A_718 = arith.constant 32 : index
        %swap3A_719 = tpu.vector_load %arg11[%swap3A_716, %swap3A_717, %swap3A_718] {strides = array<i32>} : memref<2x50x128xf32, #tpu.memory_space<vmem>>, vector<1x1x16xf32>,
        %swap3A_720 = vector.shape_cast %swap3A_719 : vector<1x1x16xf32> to vector<16xf32>
        %swap3A_721 = vector.shape_cast %add3A_714 : vector<16xf32> to vector<1x1x16xf32>
        tpu.vector_store %arg11[%swap3A_716, %swap3A_717, %swap3A_718], %swap3A_721 {strides = array<i32>} : memref<2x50x128xf32, #tpu.memory_space<vmem>>, vector<1x1x16xf32>,
        %get3A_722 = arith.index_cast %scan3A_627 : i32 to index
        %get3A_723 = arith.constant 48 : index
        %get3A_724 = tpu.vector_load %arg7[%get3A_722, %get3A_723] {strides = array<i32>} : memref<50x128xf32, #tpu.memory_space<vmem>>, vector<1x16xf32>,
        %get3A_725 = vector.shape_cast %get3A_724 : vector<1x16xf32> to vector<16xf32>
        %get3A_726 = arith.constant 0 : i32
        %get3A_727 = arith.index_cast %get3A_726 : i32 to index
        %get3A_728 = arith.index_cast %scan3A_627 : i32 to index
        %get3A_729 = arith.constant 48 : index
        %get3A_730 = tpu.vector_load %arg11[%get3A_727, %get3A_728, %get3A_729] {strides = array<i32>} : memref<2x50x128xf32, #tpu.memory_space<vmem>>, vector<1x1x16xf32>,
        %get3A_731 = vector.shape_cast %get3A_730 : vector<1x1x16xf32> to vector<16xf32>
        %add3A_732 = arith.addf %get3A_731, %get3A_725 : vector<16xf32>
        %swap3A_733 = arith.constant 0 : i32
        %swap3A_734 = arith.index_cast %swap3A_733 : i32 to index
        %swap3A_735 = arith.index_cast %scan3A_627 : i32 to index
        %swap3A_736 = arith.constant 48 : index
        %swap3A_737 = tpu.vector_load %arg11[%swap3A_734, %swap3A_735, %swap3A_736] {strides = array<i32>} : memref<2x50x128xf32, #tpu.memory_space<vmem>>, vector<1x1x16xf32>,
        %swap3A_738 = vector.shape_cast %swap3A_737 : vector<1x1x16xf32> to vector<16xf32>
        %swap3A_739 = vector.shape_cast %add3A_732 : vector<16xf32> to vector<1x1x16xf32>
        tpu.vector_store %arg11[%swap3A_734, %swap3A_735, %swap3A_736], %swap3A_739 {strides = array<i32>} : memref<2x50x128xf32, #tpu.memory_space<vmem>>, vector<1x1x16xf32>,
        %get3A_740 = arith.constant 1 : i32
        %get3A_741 = arith.index_cast %get3A_740 : i32 to index
        %get3A_742 = arith.index_cast %scan3A_627 : i32 to index
        %get3A_743 = arith.constant 48 : index
        %get3A_744 = tpu.vector_load %arg11[%get3A_741, %get3A_742, %get3A_743] {strides = array<i32>} : memref<2x50x128xf32, #tpu.memory_space<vmem>>, vector<1x1x16xf32>,
        %get3A_745 = vector.shape_cast %get3A_744 : vector<1x1x16xf32> to vector<16xf32>
        %add3A_746 = arith.addf %get3A_745, %get3A_725 : vector<16xf32>
        %swap3A_747 = arith.constant 1 : i32
        %swap3A_748 = arith.index_cast %swap3A_747 : i32 to index
        %swap3A_749 = arith.index_cast %scan3A_627 : i32 to index
        %swap3A_750 = arith.constant 48 : index
        %swap3A_751 = tpu.vector_load %arg11[%swap3A_748, %swap3A_749, %swap3A_750] {strides = array<i32>} : memref<2x50x128xf32, #tpu.memory_space<vmem>>, vector<1x1x16xf32>,
        %swap3A_752 = vector.shape_cast %swap3A_751 : vector<1x1x16xf32> to vector<16xf32>
        %swap3A_753 = vector.shape_cast %add3A_746 : vector<16xf32> to vector<1x1x16xf32>
        tpu.vector_store %arg11[%swap3A_748, %swap3A_749, %swap3A_750], %swap3A_753 {strides = array<i32>} : memref<2x50x128xf32, #tpu.memory_space<vmem>>, vector<1x1x16xf32>,
        %get3A_754 = arith.index_cast %scan3A_627 : i32 to index
        %get3A_755 = arith.constant 64 : index
        %get3A_756 = tpu.vector_load %arg7[%get3A_754, %get3A_755] {strides = array<i32>} : memref<50x128xf32, #tpu.memory_space<vmem>>, vector<1x16xf32>,
        %get3A_757 = vector.shape_cast %get3A_756 : vector<1x16xf32> to vector<16xf32>
        %get3A_758 = arith.constant 0 : i32
        %get3A_759 = arith.index_cast %get3A_758 : i32 to index
        %get3A_760 = arith.index_cast %scan3A_627 : i32 to index
        %get3A_761 = arith.constant 64 : index
        %get3A_762 = tpu.vector_load %arg11[%get3A_759, %get3A_760, %get3A_761] {strides = array<i32>} : memref<2x50x128xf32, #tpu.memory_space<vmem>>, vector<1x1x16xf32>,
        %get3A_763 = vector.shape_cast %get3A_762 : vector<1x1x16xf32> to vector<16xf32>
        %add3A_764 = arith.addf %get3A_763, %get3A_757 : vector<16xf32>
        %swap3A_765 = arith.constant 0 : i32
        %swap3A_766 = arith.index_cast %swap3A_765 : i32 to index
        %swap3A_767 = arith.index_cast %scan3A_627 : i32 to index
        %swap3A_768 = arith.constant 64 : index
        %swap3A_769 = tpu.vector_load %arg11[%swap3A_766, %swap3A_767, %swap3A_768] {strides = array<i32>} : memref<2x50x128xf32, #tpu.memory_space<vmem>>, vector<1x1x16xf32>,
        %swap3A_770 = vector.shape_cast %swap3A_769 : vector<1x1x16xf32> to vector<16xf32>
        %swap3A_771 = vector.shape_cast %add3A_764 : vector<16xf32> to vector<1x1x16xf32>
        tpu.vector_store %arg11[%swap3A_766, %swap3A_767, %swap3A_768], %swap3A_771 {strides = array<i32>} : memref<2x50x128xf32, #tpu.memory_space<vmem>>, vector<1x1x16xf32>,
        %get3A_772 = arith.constant 1 : i32
        %get3A_773 = arith.index_cast %get3A_772 : i32 to index
        %get3A_774 = arith.index_cast %scan3A_627 : i32 to index
        %get3A_775 = arith.constant 64 : index
        %get3A_776 = tpu.vector_load %arg11[%get3A_773, %get3A_774, %get3A_775] {strides = array<i32>} : memref<2x50x128xf32, #tpu.memory_space<vmem>>, vector<1x1x16xf32>,
        %get3A_777 = vector.shape_cast %get3A_776 : vector<1x1x16xf32> to vector<16xf32>
        %add3A_778 = arith.addf %get3A_777, %get3A_757 : vector<16xf32>
        %swap3A_779 = arith.constant 1 : i32
        %swap3A_780 = arith.index_cast %swap3A_779 : i32 to index
        %swap3A_781 = arith.index_cast %scan3A_627 : i32 to index
        %swap3A_782 = arith.constant 64 : index
        %swap3A_783 = tpu.vector_load %arg11[%swap3A_780, %swap3A_781, %swap3A_782] {strides = array<i32>} : memref<2x50x128xf32, #tpu.memory_space<vmem>>, vector<1x1x16xf32>,
        %swap3A_784 = vector.shape_cast %swap3A_783 : vector<1x1x16xf32> to vector<16xf32>
        %swap3A_785 = vector.shape_cast %add3A_778 : vector<16xf32> to vector<1x1x16xf32>
        tpu.vector_store %arg11[%swap3A_780, %swap3A_781, %swap3A_782], %swap3A_785 {strides = array<i32>} : memref<2x50x128xf32, #tpu.memory_space<vmem>>, vector<1x1x16xf32>,
        %get3A_786 = arith.index_cast %scan3A_627 : i32 to index
        %get3A_787 = arith.constant 80 : index
        %get3A_788 = tpu.vector_load %arg7[%get3A_786, %get3A_787] {strides = array<i32>} : memref<50x128xf32, #tpu.memory_space<vmem>>, vector<1x16xf32>,
        %get3A_789 = vector.shape_cast %get3A_788 : vector<1x16xf32> to vector<16xf32>
        %get3A_790 = arith.constant 0 : i32
        %get3A_791 = arith.index_cast %get3A_790 : i32 to index
        %get3A_792 = arith.index_cast %scan3A_627 : i32 to index
        %get3A_793 = arith.constant 80 : index
        %get3A_794 = tpu.vector_load %arg11[%get3A_791, %get3A_792, %get3A_793] {strides = array<i32>} : memref<2x50x128xf32, #tpu.memory_space<vmem>>, vector<1x1x16xf32>,
        %get3A_795 = vector.shape_cast %get3A_794 : vector<1x1x16xf32> to vector<16xf32>
        %add3A_796 = arith.addf %get3A_795, %get3A_789 : vector<16xf32>
        %swap3A_797 = arith.constant 0 : i32
        %swap3A_798 = arith.index_cast %swap3A_797 : i32 to index
        %swap3A_799 = arith.index_cast %scan3A_627 : i32 to index
        %swap3A_800 = arith.constant 80 : index
        %swap3A_801 = tpu.vector_load %arg11[%swap3A_798, %swap3A_799, %swap3A_800] {strides = array<i32>} : memref<2x50x128xf32, #tpu.memory_space<vmem>>, vector<1x1x16xf32>,
        %swap3A_802 = vector.shape_cast %swap3A_801 : vector<1x1x16xf32> to vector<16xf32>
        %swap3A_803 = vector.shape_cast %add3A_796 : vector<16xf32> to vector<1x1x16xf32>
        tpu.vector_store %arg11[%swap3A_798, %swap3A_799, %swap3A_800], %swap3A_803 {strides = array<i32>} : memref<2x50x128xf32, #tpu.memory_space<vmem>>, vector<1x1x16xf32>,
        %get3A_804 = arith.constant 1 : i32
        %get3A_805 = arith.index_cast %get3A_804 : i32 to index
        %get3A_806 = arith.index_cast %scan3A_627 : i32 to index
        %get3A_807 = arith.constant 80 : index
        %get3A_808 = tpu.vector_load %arg11[%get3A_805, %get3A_806, %get3A_807] {strides = array<i32>} : memref<2x50x128xf32, #tpu.memory_space<vmem>>, vector<1x1x16xf32>,
        %get3A_809 = vector.shape_cast %get3A_808 : vector<1x1x16xf32> to vector<16xf32>
        %add3A_810 = arith.addf %get3A_809, %get3A_789 : vector<16xf32>
        %swap3A_811 = arith.constant 1 : i32
        %swap3A_812 = arith.index_cast %swap3A_811 : i32 to index
        %swap3A_813 = arith.index_cast %scan3A_627 : i32 to index
        %swap3A_814 = arith.constant 80 : index
        %swap3A_815 = tpu.vector_load %arg11[%swap3A_812, %swap3A_813, %swap3A_814] {strides = array<i32>} : memref<2x50x128xf32, #tpu.memory_space<vmem>>, vector<1x1x16xf32>,
        %swap3A_816 = vector.shape_cast %swap3A_815 : vector<1x1x16xf32> to vector<16xf32>
        %swap3A_817 = vector.shape_cast %add3A_810 : vector<16xf32> to vector<1x1x16xf32>
        tpu.vector_store %arg11[%swap3A_812, %swap3A_813, %swap3A_814], %swap3A_817 {strides = array<i32>} : memref<2x50x128xf32, #tpu.memory_space<vmem>>, vector<1x1x16xf32>,
        %get3A_818 = arith.index_cast %scan3A_627 : i32 to index
        %get3A_819 = arith.constant 96 : index
        %get3A_820 = tpu.vector_load %arg7[%get3A_818, %get3A_819] {strides = array<i32>} : memref<50x128xf32, #tpu.memory_space<vmem>>, vector<1x16xf32>,
        %get3A_821 = vector.shape_cast %get3A_820 : vector<1x16xf32> to vector<16xf32>
        %get3A_822 = arith.constant 0 : i32
        %get3A_823 = arith.index_cast %get3A_822 : i32 to index
        %get3A_824 = arith.index_cast %scan3A_627 : i32 to index
        %get3A_825 = arith.constant 96 : index
        %get3A_826 = tpu.vector_load %arg11[%get3A_823, %get3A_824, %get3A_825] {strides = array<i32>} : memref<2x50x128xf32, #tpu.memory_space<vmem>>, vector<1x1x16xf32>,
        %get3A_827 = vector.shape_cast %get3A_826 : vector<1x1x16xf32> to vector<16xf32>
        %add3A_828 = arith.addf %get3A_827, %get3A_821 : vector<16xf32>
        %swap3A_829 = arith.constant 0 : i32
        %swap3A_830 = arith.index_cast %swap3A_829 : i32 to index
        %swap3A_831 = arith.index_cast %scan3A_627 : i32 to index
        %swap3A_832 = arith.constant 96 : index
        %swap3A_833 = tpu.vector_load %arg11[%swap3A_830, %swap3A_831, %swap3A_832] {strides = array<i32>} : memref<2x50x128xf32, #tpu.memory_space<vmem>>, vector<1x1x16xf32>,
        %swap3A_834 = vector.shape_cast %swap3A_833 : vector<1x1x16xf32> to vector<16xf32>
        %swap3A_835 = vector.shape_cast %add3A_828 : vector<16xf32> to vector<1x1x16xf32>
        tpu.vector_store %arg11[%swap3A_830, %swap3A_831, %swap3A_832], %swap3A_835 {strides = array<i32>} : memref<2x50x128xf32, #tpu.memory_space<vmem>>, vector<1x1x16xf32>,
        %get3A_836 = arith.constant 1 : i32
        %get3A_837 = arith.index_cast %get3A_836 : i32 to index
        %get3A_838 = arith.index_cast %scan3A_627 : i32 to index
        %get3A_839 = arith.constant 96 : index
        %get3A_840 = tpu.vector_load %arg11[%get3A_837, %get3A_838, %get3A_839] {strides = array<i32>} : memref<2x50x128xf32, #tpu.memory_space<vmem>>, vector<1x1x16xf32>,
        %get3A_841 = vector.shape_cast %get3A_840 : vector<1x1x16xf32> to vector<16xf32>
        %add3A_842 = arith.addf %get3A_841, %get3A_821 : vector<16xf32>
        %swap3A_843 = arith.constant 1 : i32
        %swap3A_844 = arith.index_cast %swap3A_843 : i32 to index
        %swap3A_845 = arith.index_cast %scan3A_627 : i32 to index
        %swap3A_846 = arith.constant 96 : index
        %swap3A_847 = tpu.vector_load %arg11[%swap3A_844, %swap3A_845, %swap3A_846] {strides = array<i32>} : memref<2x50x128xf32, #tpu.memory_space<vmem>>, vector<1x1x16xf32>,
        %swap3A_848 = vector.shape_cast %swap3A_847 : vector<1x1x16xf32> to vector<16xf32>
        %swap3A_849 = vector.shape_cast %add3A_842 : vector<16xf32> to vector<1x1x16xf32>
        tpu.vector_store %arg11[%swap3A_844, %swap3A_845, %swap3A_846], %swap3A_849 {strides = array<i32>} : memref<2x50x128xf32, #tpu.memory_space<vmem>>, vector<1x1x16xf32>,
        %get3A_850 = arith.index_cast %scan3A_627 : i32 to index
        %get3A_851 = arith.constant 112 : index
        %get3A_852 = tpu.vector_load %arg7[%get3A_850, %get3A_851] {strides = array<i32>} : memref<50x128xf32, #tpu.memory_space<vmem>>, vector<1x16xf32>,
        %get3A_853 = vector.shape_cast %get3A_852 : vector<1x16xf32> to vector<16xf32>
        %get3A_854 = arith.constant 0 : i32
        %get3A_855 = arith.index_cast %get3A_854 : i32 to index
        %get3A_856 = arith.index_cast %scan3A_627 : i32 to index
        %get3A_857 = arith.constant 112 : index
        %get3A_858 = tpu.vector_load %arg11[%get3A_855, %get3A_856, %get3A_857] {strides = array<i32>} : memref<2x50x128xf32, #tpu.memory_space<vmem>>, vector<1x1x16xf32>,
        %get3A_859 = vector.shape_cast %get3A_858 : vector<1x1x16xf32> to vector<16xf32>
        %add3A_860 = arith.addf %get3A_859, %get3A_853 : vector<16xf32>
        %swap3A_861 = arith.constant 0 : i32
        %swap3A_862 = arith.index_cast %swap3A_861 : i32 to index
        %swap3A_863 = arith.index_cast %scan3A_627 : i32 to index
        %swap3A_864 = arith.constant 112 : index
        %swap3A_865 = tpu.vector_load %arg11[%swap3A_862, %swap3A_863, %swap3A_864] {strides = array<i32>} : memref<2x50x128xf32, #tpu.memory_space<vmem>>, vector<1x1x16xf32>,
        %swap3A_866 = vector.shape_cast %swap3A_865 : vector<1x1x16xf32> to vector<16xf32>
        %swap3A_867 = vector.shape_cast %add3A_860 : vector<16xf32> to vector<1x1x16xf32>
        tpu.vector_store %arg11[%swap3A_862, %swap3A_863, %swap3A_864], %swap3A_867 {strides = array<i32>} : memref<2x50x128xf32, #tpu.memory_space<vmem>>, vector<1x1x16xf32>,
        %get3A_868 = arith.constant 1 : i32
        %get3A_869 = arith.index_cast %get3A_868 : i32 to index
        %get3A_870 = arith.index_cast %scan3A_627 : i32 to index
        %get3A_871 = arith.constant 112 : index
        %get3A_872 = tpu.vector_load %arg11[%get3A_869, %get3A_870, %get3A_871] {strides = array<i32>} : memref<2x50x128xf32, #tpu.memory_space<vmem>>, vector<1x1x16xf32>,
        %get3A_873 = vector.shape_cast %get3A_872 : vector<1x1x16xf32> to vector<16xf32>
        %add3A_874 = arith.addf %get3A_873, %get3A_853 : vector<16xf32>
        %swap3A_875 = arith.constant 1 : i32
        %swap3A_876 = arith.index_cast %swap3A_875 : i32 to index
        %swap3A_877 = arith.index_cast %scan3A_627 : i32 to index
        %swap3A_878 = arith.constant 112 : index
        %swap3A_879 = tpu.vector_load %arg11[%swap3A_876, %swap3A_877, %swap3A_878] {strides = array<i32>} : memref<2x50x128xf32, #tpu.memory_space<vmem>>, vector<1x1x16xf32>,
        %swap3A_880 = vector.shape_cast %swap3A_879 : vector<1x1x16xf32> to vector<16xf32>
        %swap3A_881 = vector.shape_cast %add3A_874 : vector<16xf32> to vector<1x1x16xf32>
        tpu.vector_store %arg11[%swap3A_876, %swap3A_877, %swap3A_878], %swap3A_881 {strides = array<i32>} : memref<2x50x128xf32, #tpu.memory_space<vmem>>, vector<1x1x16xf32>,
      }
      %scan3A_447 = arith.constant 50 : i32
      %mul3A_448 = arith.constant 2 : i32
      %mul3A_449 = arith.muli %add3A_377, %mul3A_448 : i32
      %add3A_450 = arith.addi %mul3A_2, %mul3A_449 : i32
      %dma_start3A_451 = arith.constant 0 : i32
      %dma_start3A_452 = arith.constant 0 : i32
      %dma_start3A_453 = tpu.memref_slice %arg5[%add3A_450, %dma_start3A_451, %dma_start3A_452] : memref<4096x50x128xf32, #tpu.memory_space<hbm>> -> memref<2x50x128xf32, #tpu.memory_space<hbm>>
      %dma_start3A_454 = arith.constant 0 : i32
      %dma_start3A_455 = arith.constant 0 : i32
      %dma_start3A_456 = tpu.memref_slice %arg5[%add3A_450, %dma_start3A_454, %dma_start3A_455] : memref<4096x50x128xf32, #tpu.memory_space<hbm>> -> memref<2x50x128xf32, #tpu.memory_space<hbm>>
      tpu.enqueue_dma source(%arg11 : memref<2x50x128xf32, #tpu.memory_space<vmem>>) target(%dma_start3A_456 : memref<2x50x128xf32, #tpu.memory_space<hbm>>) target_semaphore(%arg19 : memref<!tpu.dma_semaphore, #tpu.memory_space<semaphore_mem>>)
      %mul3A_457 = arith.constant 4 : i32
      %mul3A_458 = arith.muli %scan3A_286, %mul3A_457 : i32
      %add3A_459 = arith.constant 2 : i32
      %add3A_460 = arith.addi %add3A_459, %mul3A_458 : i32
      %add3A_461 = arith.constant 2 : i32
      %add3A_462 = arith.addi %add3A_460, %add3A_461 : i32
      %dma_wait3A_463 = arith.constant 0 : i32
      %dma_wait3A_464 = arith.constant 0 : i32
      %dma_wait3A_465 = arith.constant 0 : i32
      %dma_wait3A_466 = tpu.memref_slice %arg5[%dma_wait3A_463, %dma_wait3A_464, %dma_wait3A_465] : memref<4096x50x128xf32, #tpu.memory_space<hbm>> -> memref<2x50x128xf32, #tpu.memory_space<hbm>>
      %dma_wait3A_467 = arith.constant 0 : i32
      %dma_wait3A_468 = arith.constant 0 : i32
      %dma_wait3A_469 = arith.constant 0 : i32
      %dma_wait3A_470 = tpu.memref_slice %arg5[%dma_wait3A_467, %dma_wait3A_468, %dma_wait3A_469] : memref<4096x50x128xf32, #tpu.memory_space<hbm>> -> memref<2x50x128xf32, #tpu.memory_space<hbm>>
      tpu.wait_dma2 semaphore(%arg18 : memref<!tpu.dma_semaphore, #tpu.memory_space<semaphore_mem>>) src(%arg10 : memref<2x50x128xf32, #tpu.memory_space<vmem>>) dst(%dma_wait3A_470 : memref<2x50x128xf32, #tpu.memory_space<hbm>>)
      %add3A_471 = arith.constant 2 : i32
      %add3A_472 = arith.addi %add3A_462, %add3A_471 : i32
      %mul3A_473 = arith.constant 2 : i32
      %mul3A_474 = arith.muli %add3A_472, %mul3A_473 : i32
      %add3A_475 = arith.constant 0 : i32
      %add3A_476 = arith.addi %mul3A_474, %add3A_475 : i32
      %dma_start3A_477 = arith.constant 0 : i32
      %dma_start3A_478 = arith.constant 0 : i32
      %dma_start3A_479 = arith.constant 0 : i32
      %dma_start3A_480 = tpu.memref_slice %arg10[%dma_start3A_477, %dma_start3A_478, %dma_start3A_479] : memref<2x50x128xf32, #tpu.memory_space<vmem>> -> memref<1x50x128xf32, #tpu.memory_space<vmem>>
      %dma_start3A_481 = tpu.memref_squeeze %dma_start3A_480 : memref<1x50x128xf32, #tpu.memory_space<vmem>> -> memref<50x128xf32, #tpu.memory_space<vmem>>
      %dma_start3A_482 = arith.constant 0 : i32
      %dma_start3A_483 = tpu.memref_slice %arg6[%add3A_476, %dma_start3A_482] : memref<128x50xi32, #tpu.memory_space<vmem>> -> memref<1x50xi32, #tpu.memory_space<vmem>>
      %dma_start3A_484 = tpu.memref_squeeze %dma_start3A_483 : memref<1x50xi32, #tpu.memory_space<vmem>> -> memref<50xi32, #tpu.memory_space<vmem>>
      %dma_start3A_485 = arith.constant 0 : i32
      %dma_start3A_486 = arith.constant 0 : i32
      %dma_start3A_487 = tpu.memref_slice %arg3[%dma_start3A_485, %dma_start3A_486] : memref<100000x128xf32, #tpu.memory_space<hbm>> -> memref<100000x128xf32, #tpu.memory_space<hbm>>
      tpu.enqueue_indirect_dma source(%dma_start3A_487 : memref<100000x128xf32, #tpu.memory_space<hbm>>) target(%dma_start3A_481 : memref<50x128xf32, #tpu.memory_space<vmem>>) offsets(%dma_start3A_484 : memref<50xi32, #tpu.memory_space<vmem>>) semaphore(%arg14 : memref<!tpu.dma_semaphore, #tpu.memory_space<semaphore_mem>>)
      %mul3A_488 = arith.constant 2 : i32
      %mul3A_489 = arith.muli %add3A_472, %mul3A_488 : i32
      %add3A_490 = arith.constant 1 : i32
      %add3A_491 = arith.addi %mul3A_489, %add3A_490 : i32
      %dma_start3A_492 = arith.constant 1 : i32
      %dma_start3A_493 = arith.constant 0 : i32
      %dma_start3A_494 = arith.constant 0 : i32
      %dma_start3A_495 = tpu.memref_slice %arg10[%dma_start3A_492, %dma_start3A_493, %dma_start3A_494] : memref<2x50x128xf32, #tpu.memory_space<vmem>> -> memref<1x50x128xf32, #tpu.memory_space<vmem>>
      %dma_start3A_496 = tpu.memref_squeeze %dma_start3A_495 : memref<1x50x128xf32, #tpu.memory_space<vmem>> -> memref<50x128xf32, #tpu.memory_space<vmem>>
      %dma_start3A_497 = arith.constant 0 : i32
      %dma_start3A_498 = tpu.memref_slice %arg6[%add3A_491, %dma_start3A_497] : memref<128x50xi32, #tpu.memory_space<vmem>> -> memref<1x50xi32, #tpu.memory_space<vmem>>
      %dma_start3A_499 = tpu.memref_squeeze %dma_start3A_498 : memref<1x50xi32, #tpu.memory_space<vmem>> -> memref<50xi32, #tpu.memory_space<vmem>>
      %dma_start3A_500 = arith.constant 0 : i32
      %dma_start3A_501 = arith.constant 0 : i32
      %dma_start3A_502 = tpu.memref_slice %arg3[%dma_start3A_500, %dma_start3A_501] : memref<100000x128xf32, #tpu.memory_space<hbm>> -> memref<100000x128xf32, #tpu.memory_space<hbm>>
      tpu.enqueue_indirect_dma source(%dma_start3A_502 : memref<100000x128xf32, #tpu.memory_space<hbm>>) target(%dma_start3A_496 : memref<50x128xf32, #tpu.memory_space<vmem>>) offsets(%dma_start3A_499 : memref<50xi32, #tpu.memory_space<vmem>>) semaphore(%arg14 : memref<!tpu.dma_semaphore, #tpu.memory_space<semaphore_mem>>)
      %dma_wait3A_503 = arith.constant 0 : i32
      %dma_wait3A_504 = arith.constant 0 : i32
      %dma_wait3A_505 = arith.constant 0 : i32
      %dma_wait3A_506 = arith.constant 0 : i32
      %dma_wait3A_507 = tpu.memref_slice %arg8[%dma_wait3A_504, %dma_wait3A_505, %dma_wait3A_506] : memref<2x50x128xf32, #tpu.memory_space<vmem>> -> memref<1x50x128xf32, #tpu.memory_space<vmem>>
      %dma_wait3A_508 = tpu.memref_squeeze %dma_wait3A_507 : memref<1x50x128xf32, #tpu.memory_space<vmem>> -> memref<50x128xf32, #tpu.memory_space<vmem>>
      %dma_wait3A_509 = arith.constant 0 : i32
      %dma_wait3A_510 = tpu.memref_slice %arg6[%dma_wait3A_503, %dma_wait3A_509] : memref<128x50xi32, #tpu.memory_space<vmem>> -> memref<1x50xi32, #tpu.memory_space<vmem>>
      %dma_wait3A_511 = tpu.memref_squeeze %dma_wait3A_510 : memref<1x50xi32, #tpu.memory_space<vmem>> -> memref<50xi32, #tpu.memory_space<vmem>>
      %dma_wait3A_512 = arith.constant 0 : i32
      %dma_wait3A_513 = arith.constant 0 : i32
      %dma_wait3A_514 = tpu.memref_slice %arg3[%dma_wait3A_512, %dma_wait3A_513] : memref<100000x128xf32, #tpu.memory_space<hbm>> -> memref<100000x128xf32, #tpu.memory_space<hbm>>
      tpu.wait_indirect_dma semaphore(%arg12 : memref<!tpu.dma_semaphore, #tpu.memory_space<semaphore_mem>>) src(%dma_wait3A_514 : memref<100000x128xf32, #tpu.memory_space<hbm>>) dst(%dma_wait3A_508 : memref<50x128xf32, #tpu.memory_space<vmem>>)
      %dma_wait3A_515 = arith.constant 0 : i32
      %dma_wait3A_516 = arith.constant 0 : i32
      %dma_wait3A_517 = arith.constant 0 : i32
      %dma_wait3A_518 = arith.constant 0 : i32
      %dma_wait3A_519 = tpu.memref_slice %arg8[%dma_wait3A_516, %dma_wait3A_517, %dma_wait3A_518] : memref<2x50x128xf32, #tpu.memory_space<vmem>> -> memref<1x50x128xf32, #tpu.memory_space<vmem>>
      %dma_wait3A_520 = tpu.memref_squeeze %dma_wait3A_519 : memref<1x50x128xf32, #tpu.memory_space<vmem>> -> memref<50x128xf32, #tpu.memory_space<vmem>>
      %dma_wait3A_521 = arith.constant 0 : i32
      %dma_wait3A_522 = tpu.memref_slice %arg6[%dma_wait3A_515, %dma_wait3A_521] : memref<128x50xi32, #tpu.memory_space<vmem>> -> memref<1x50xi32, #tpu.memory_space<vmem>>
      %dma_wait3A_523 = tpu.memref_squeeze %dma_wait3A_522 : memref<1x50xi32, #tpu.memory_space<vmem>> -> memref<50xi32, #tpu.memory_space<vmem>>
      %dma_wait3A_524 = arith.constant 0 : i32
      %dma_wait3A_525 = arith.constant 0 : i32
      %dma_wait3A_526 = tpu.memref_slice %arg3[%dma_wait3A_524, %dma_wait3A_525] : memref<100000x128xf32, #tpu.memory_space<hbm>> -> memref<100000x128xf32, #tpu.memory_space<hbm>>
      tpu.wait_indirect_dma semaphore(%arg12 : memref<!tpu.dma_semaphore, #tpu.memory_space<semaphore_mem>>) src(%dma_wait3A_526 : memref<100000x128xf32, #tpu.memory_space<hbm>>) dst(%dma_wait3A_520 : memref<50x128xf32, #tpu.memory_space<vmem>>)
      %scan3A_527 = arith.constant 0 : i32
      %scan3A_528 = arith.constant 0 : i32
      %scan3A_529 = arith.constant 50 : i32
      %scan3A_530 = arith.addi %scan3A_528, %scan3A_529 : i32
      %scan3A_531 = arith.constant 1 : i32
      scf.for %scan3A_627 = %scan3A_528 to %scan3A_530 step %scan3A_531  : i32 {
        %get3A = arith.index_cast %scan3A_627 : i32 to index
        %get3A_628 = arith.constant 0 : index
        %get3A_629 = tpu.vector_load %arg7[%get3A, %get3A_628] {strides = array<i32>} : memref<50x128xf32, #tpu.memory_space<vmem>>, vector<1x16xf32>,
        %get3A_630 = vector.shape_cast %get3A_629 : vector<1x16xf32> to vector<16xf32>
        %get3A_631 = arith.constant 0 : i32
        %get3A_632 = arith.index_cast %get3A_631 : i32 to index
        %get3A_633 = arith.index_cast %scan3A_627 : i32 to index
        %get3A_634 = arith.constant 0 : index
        %get3A_635 = tpu.vector_load %arg8[%get3A_632, %get3A_633, %get3A_634] {strides = array<i32>} : memref<2x50x128xf32, #tpu.memory_space<vmem>>, vector<1x1x16xf32>,
        %get3A_636 = vector.shape_cast %get3A_635 : vector<1x1x16xf32> to vector<16xf32>
        %add3A_637 = arith.addf %get3A_636, %get3A_630 : vector<16xf32>
        %swap3A = arith.constant 0 : i32
        %swap3A_638 = arith.index_cast %swap3A : i32 to index
        %swap3A_639 = arith.index_cast %scan3A_627 : i32 to index
        %swap3A_640 = arith.constant 0 : index
        %swap3A_641 = tpu.vector_load %arg8[%swap3A_638, %swap3A_639, %swap3A_640] {strides = array<i32>} : memref<2x50x128xf32, #tpu.memory_space<vmem>>, vector<1x1x16xf32>,
        %swap3A_642 = vector.shape_cast %swap3A_641 : vector<1x1x16xf32> to vector<16xf32>
        %swap3A_643 = vector.shape_cast %add3A_637 : vector<16xf32> to vector<1x1x16xf32>
        tpu.vector_store %arg8[%swap3A_638, %swap3A_639, %swap3A_640], %swap3A_643 {strides = array<i32>} : memref<2x50x128xf32, #tpu.memory_space<vmem>>, vector<1x1x16xf32>,
        %get3A_644 = arith.constant 1 : i32
        %get3A_645 = arith.index_cast %get3A_644 : i32 to index
        %get3A_646 = arith.index_cast %scan3A_627 : i32 to index
        %get3A_647 = arith.constant 0 : index
        %get3A_648 = tpu.vector_load %arg8[%get3A_645, %get3A_646, %get3A_647] {strides = array<i32>} : memref<2x50x128xf32, #tpu.memory_space<vmem>>, vector<1x1x16xf32>,
        %get3A_649 = vector.shape_cast %get3A_648 : vector<1x1x16xf32> to vector<16xf32>
        %add3A_650 = arith.addf %get3A_649, %get3A_630 : vector<16xf32>
        %swap3A_651 = arith.constant 1 : i32
        %swap3A_652 = arith.index_cast %swap3A_651 : i32 to index
        %swap3A_653 = arith.index_cast %scan3A_627 : i32 to index
        %swap3A_654 = arith.constant 0 : index
        %swap3A_655 = tpu.vector_load %arg8[%swap3A_652, %swap3A_653, %swap3A_654] {strides = array<i32>} : memref<2x50x128xf32, #tpu.memory_space<vmem>>, vector<1x1x16xf32>,
        %swap3A_656 = vector.shape_cast %swap3A_655 : vector<1x1x16xf32> to vector<16xf32>
        %swap3A_657 = vector.shape_cast %add3A_650 : vector<16xf32> to vector<1x1x16xf32>
        tpu.vector_store %arg8[%swap3A_652, %swap3A_653, %swap3A_654], %swap3A_657 {strides = array<i32>} : memref<2x50x128xf32, #tpu.memory_space<vmem>>, vector<1x1x16xf32>,
        %get3A_658 = arith.index_cast %scan3A_627 : i32 to index
        %get3A_659 = arith.constant 16 : index
        %get3A_660 = tpu.vector_load %arg7[%get3A_658, %get3A_659] {strides = array<i32>} : memref<50x128xf32, #tpu.memory_space<vmem>>, vector<1x16xf32>,
        %get3A_661 = vector.shape_cast %get3A_660 : vector<1x16xf32> to vector<16xf32>
        %get3A_662 = arith.constant 0 : i32
        %get3A_663 = arith.index_cast %get3A_662 : i32 to index
        %get3A_664 = arith.index_cast %scan3A_627 : i32 to index
        %get3A_665 = arith.constant 16 : index
        %get3A_666 = tpu.vector_load %arg8[%get3A_663, %get3A_664, %get3A_665] {strides = array<i32>} : memref<2x50x128xf32, #tpu.memory_space<vmem>>, vector<1x1x16xf32>,
        %get3A_667 = vector.shape_cast %get3A_666 : vector<1x1x16xf32> to vector<16xf32>
        %add3A_668 = arith.addf %get3A_667, %get3A_661 : vector<16xf32>
        %swap3A_669 = arith.constant 0 : i32
        %swap3A_670 = arith.index_cast %swap3A_669 : i32 to index
        %swap3A_671 = arith.index_cast %scan3A_627 : i32 to index
        %swap3A_672 = arith.constant 16 : index
        %swap3A_673 = tpu.vector_load %arg8[%swap3A_670, %swap3A_671, %swap3A_672] {strides = array<i32>} : memref<2x50x128xf32, #tpu.memory_space<vmem>>, vector<1x1x16xf32>,
        %swap3A_674 = vector.shape_cast %swap3A_673 : vector<1x1x16xf32> to vector<16xf32>
        %swap3A_675 = vector.shape_cast %add3A_668 : vector<16xf32> to vector<1x1x16xf32>
        tpu.vector_store %arg8[%swap3A_670, %swap3A_671, %swap3A_672], %swap3A_675 {strides = array<i32>} : memref<2x50x128xf32, #tpu.memory_space<vmem>>, vector<1x1x16xf32>,
        %get3A_676 = arith.constant 1 : i32
        %get3A_677 = arith.index_cast %get3A_676 : i32 to index
        %get3A_678 = arith.index_cast %scan3A_627 : i32 to index
        %get3A_679 = arith.constant 16 : index
        %get3A_680 = tpu.vector_load %arg8[%get3A_677, %get3A_678, %get3A_679] {strides = array<i32>} : memref<2x50x128xf32, #tpu.memory_space<vmem>>, vector<1x1x16xf32>,
        %get3A_681 = vector.shape_cast %get3A_680 : vector<1x1x16xf32> to vector<16xf32>
        %add3A_682 = arith.addf %get3A_681, %get3A_661 : vector<16xf32>
        %swap3A_683 = arith.constant 1 : i32
        %swap3A_684 = arith.index_cast %swap3A_683 : i32 to index
        %swap3A_685 = arith.index_cast %scan3A_627 : i32 to index
        %swap3A_686 = arith.constant 16 : index
        %swap3A_687 = tpu.vector_load %arg8[%swap3A_684, %swap3A_685, %swap3A_686] {strides = array<i32>} : memref<2x50x128xf32, #tpu.memory_space<vmem>>, vector<1x1x16xf32>,
        %swap3A_688 = vector.shape_cast %swap3A_687 : vector<1x1x16xf32> to vector<16xf32>
        %swap3A_689 = vector.shape_cast %add3A_682 : vector<16xf32> to vector<1x1x16xf32>
        tpu.vector_store %arg8[%swap3A_684, %swap3A_685, %swap3A_686], %swap3A_689 {strides = array<i32>} : memref<2x50x128xf32, #tpu.memory_space<vmem>>, vector<1x1x16xf32>,
        %get3A_690 = arith.index_cast %scan3A_627 : i32 to index
        %get3A_691 = arith.constant 32 : index
        %get3A_692 = tpu.vector_load %arg7[%get3A_690, %get3A_691] {strides = array<i32>} : memref<50x128xf32, #tpu.memory_space<vmem>>, vector<1x16xf32>,
        %get3A_693 = vector.shape_cast %get3A_692 : vector<1x16xf32> to vector<16xf32>
        %get3A_694 = arith.constant 0 : i32
        %get3A_695 = arith.index_cast %get3A_694 : i32 to index
        %get3A_696 = arith.index_cast %scan3A_627 : i32 to index
        %get3A_697 = arith.constant 32 : index
        %get3A_698 = tpu.vector_load %arg8[%get3A_695, %get3A_696, %get3A_697] {strides = array<i32>} : memref<2x50x128xf32, #tpu.memory_space<vmem>>, vector<1x1x16xf32>,
        %get3A_699 = vector.shape_cast %get3A_698 : vector<1x1x16xf32> to vector<16xf32>
        %add3A_700 = arith.addf %get3A_699, %get3A_693 : vector<16xf32>
        %swap3A_701 = arith.constant 0 : i32
        %swap3A_702 = arith.index_cast %swap3A_701 : i32 to index
        %swap3A_703 = arith.index_cast %scan3A_627 : i32 to index
        %swap3A_704 = arith.constant 32 : index
        %swap3A_705 = tpu.vector_load %arg8[%swap3A_702, %swap3A_703, %swap3A_704] {strides = array<i32>} : memref<2x50x128xf32, #tpu.memory_space<vmem>>, vector<1x1x16xf32>,
        %swap3A_706 = vector.shape_cast %swap3A_705 : vector<1x1x16xf32> to vector<16xf32>
        %swap3A_707 = vector.shape_cast %add3A_700 : vector<16xf32> to vector<1x1x16xf32>
        tpu.vector_store %arg8[%swap3A_702, %swap3A_703, %swap3A_704], %swap3A_707 {strides = array<i32>} : memref<2x50x128xf32, #tpu.memory_space<vmem>>, vector<1x1x16xf32>,
        %get3A_708 = arith.constant 1 : i32
        %get3A_709 = arith.index_cast %get3A_708 : i32 to index
        %get3A_710 = arith.index_cast %scan3A_627 : i32 to index
        %get3A_711 = arith.constant 32 : index
        %get3A_712 = tpu.vector_load %arg8[%get3A_709, %get3A_710, %get3A_711] {strides = array<i32>} : memref<2x50x128xf32, #tpu.memory_space<vmem>>, vector<1x1x16xf32>,
        %get3A_713 = vector.shape_cast %get3A_712 : vector<1x1x16xf32> to vector<16xf32>
        %add3A_714 = arith.addf %get3A_713, %get3A_693 : vector<16xf32>
        %swap3A_715 = arith.constant 1 : i32
        %swap3A_716 = arith.index_cast %swap3A_715 : i32 to index
        %swap3A_717 = arith.index_cast %scan3A_627 : i32 to index
        %swap3A_718 = arith.constant 32 : index
        %swap3A_719 = tpu.vector_load %arg8[%swap3A_716, %swap3A_717, %swap3A_718] {strides = array<i32>} : memref<2x50x128xf32, #tpu.memory_space<vmem>>, vector<1x1x16xf32>,
        %swap3A_720 = vector.shape_cast %swap3A_719 : vector<1x1x16xf32> to vector<16xf32>
        %swap3A_721 = vector.shape_cast %add3A_714 : vector<16xf32> to vector<1x1x16xf32>
        tpu.vector_store %arg8[%swap3A_716, %swap3A_717, %swap3A_718], %swap3A_721 {strides = array<i32>} : memref<2x50x128xf32, #tpu.memory_space<vmem>>, vector<1x1x16xf32>,
        %get3A_722 = arith.index_cast %scan3A_627 : i32 to index
        %get3A_723 = arith.constant 48 : index
        %get3A_724 = tpu.vector_load %arg7[%get3A_722, %get3A_723] {strides = array<i32>} : memref<50x128xf32, #tpu.memory_space<vmem>>, vector<1x16xf32>,
        %get3A_725 = vector.shape_cast %get3A_724 : vector<1x16xf32> to vector<16xf32>
        %get3A_726 = arith.constant 0 : i32
        %get3A_727 = arith.index_cast %get3A_726 : i32 to index
        %get3A_728 = arith.index_cast %scan3A_627 : i32 to index
        %get3A_729 = arith.constant 48 : index
        %get3A_730 = tpu.vector_load %arg8[%get3A_727, %get3A_728, %get3A_729] {strides = array<i32>} : memref<2x50x128xf32, #tpu.memory_space<vmem>>, vector<1x1x16xf32>,
        %get3A_731 = vector.shape_cast %get3A_730 : vector<1x1x16xf32> to vector<16xf32>
        %add3A_732 = arith.addf %get3A_731, %get3A_725 : vector<16xf32>
        %swap3A_733 = arith.constant 0 : i32
        %swap3A_734 = arith.index_cast %swap3A_733 : i32 to index
        %swap3A_735 = arith.index_cast %scan3A_627 : i32 to index
        %swap3A_736 = arith.constant 48 : index
        %swap3A_737 = tpu.vector_load %arg8[%swap3A_734, %swap3A_735, %swap3A_736] {strides = array<i32>} : memref<2x50x128xf32, #tpu.memory_space<vmem>>, vector<1x1x16xf32>,
        %swap3A_738 = vector.shape_cast %swap3A_737 : vector<1x1x16xf32> to vector<16xf32>
        %swap3A_739 = vector.shape_cast %add3A_732 : vector<16xf32> to vector<1x1x16xf32>
        tpu.vector_store %arg8[%swap3A_734, %swap3A_735, %swap3A_736], %swap3A_739 {strides = array<i32>} : memref<2x50x128xf32, #tpu.memory_space<vmem>>, vector<1x1x16xf32>,
        %get3A_740 = arith.constant 1 : i32
        %get3A_741 = arith.index_cast %get3A_740 : i32 to index
        %get3A_742 = arith.index_cast %scan3A_627 : i32 to index
        %get3A_743 = arith.constant 48 : index
        %get3A_744 = tpu.vector_load %arg8[%get3A_741, %get3A_742, %get3A_743] {strides = array<i32>} : memref<2x50x128xf32, #tpu.memory_space<vmem>>, vector<1x1x16xf32>,
        %get3A_745 = vector.shape_cast %get3A_744 : vector<1x1x16xf32> to vector<16xf32>
        %add3A_746 = arith.addf %get3A_745, %get3A_725 : vector<16xf32>
        %swap3A_747 = arith.constant 1 : i32
        %swap3A_748 = arith.index_cast %swap3A_747 : i32 to index
        %swap3A_749 = arith.index_cast %scan3A_627 : i32 to index
        %swap3A_750 = arith.constant 48 : index
        %swap3A_751 = tpu.vector_load %arg8[%swap3A_748, %swap3A_749, %swap3A_750] {strides = array<i32>} : memref<2x50x128xf32, #tpu.memory_space<vmem>>, vector<1x1x16xf32>,
        %swap3A_752 = vector.shape_cast %swap3A_751 : vector<1x1x16xf32> to vector<16xf32>
        %swap3A_753 = vector.shape_cast %add3A_746 : vector<16xf32> to vector<1x1x16xf32>
        tpu.vector_store %arg8[%swap3A_748, %swap3A_749, %swap3A_750], %swap3A_753 {strides = array<i32>} : memref<2x50x128xf32, #tpu.memory_space<vmem>>, vector<1x1x16xf32>,
        %get3A_754 = arith.index_cast %scan3A_627 : i32 to index
        %get3A_755 = arith.constant 64 : index
        %get3A_756 = tpu.vector_load %arg7[%get3A_754, %get3A_755] {strides = array<i32>} : memref<50x128xf32, #tpu.memory_space<vmem>>, vector<1x16xf32>,
        %get3A_757 = vector.shape_cast %get3A_756 : vector<1x16xf32> to vector<16xf32>
        %get3A_758 = arith.constant 0 : i32
        %get3A_759 = arith.index_cast %get3A_758 : i32 to index
        %get3A_760 = arith.index_cast %scan3A_627 : i32 to index
        %get3A_761 = arith.constant 64 : index
        %get3A_762 = tpu.vector_load %arg8[%get3A_759, %get3A_760, %get3A_761] {strides = array<i32>} : memref<2x50x128xf32, #tpu.memory_space<vmem>>, vector<1x1x16xf32>,
        %get3A_763 = vector.shape_cast %get3A_762 : vector<1x1x16xf32> to vector<16xf32>
        %add3A_764 = arith.addf %get3A_763, %get3A_757 : vector<16xf32>
        %swap3A_765 = arith.constant 0 : i32
        %swap3A_766 = arith.index_cast %swap3A_765 : i32 to index
        %swap3A_767 = arith.index_cast %scan3A_627 : i32 to index
        %swap3A_768 = arith.constant 64 : index
        %swap3A_769 = tpu.vector_load %arg8[%swap3A_766, %swap3A_767, %swap3A_768] {strides = array<i32>} : memref<2x50x128xf32, #tpu.memory_space<vmem>>, vector<1x1x16xf32>,
        %swap3A_770 = vector.shape_cast %swap3A_769 : vector<1x1x16xf32> to vector<16xf32>
        %swap3A_771 = vector.shape_cast %add3A_764 : vector<16xf32> to vector<1x1x16xf32>
        tpu.vector_store %arg8[%swap3A_766, %swap3A_767, %swap3A_768], %swap3A_771 {strides = array<i32>} : memref<2x50x128xf32, #tpu.memory_space<vmem>>, vector<1x1x16xf32>,
        %get3A_772 = arith.constant 1 : i32
        %get3A_773 = arith.index_cast %get3A_772 : i32 to index
        %get3A_774 = arith.index_cast %scan3A_627 : i32 to index
        %get3A_775 = arith.constant 64 : index
        %get3A_776 = tpu.vector_load %arg8[%get3A_773, %get3A_774, %get3A_775] {strides = array<i32>} : memref<2x50x128xf32, #tpu.memory_space<vmem>>, vector<1x1x16xf32>,
        %get3A_777 = vector.shape_cast %get3A_776 : vector<1x1x16xf32> to vector<16xf32>
        %add3A_778 = arith.addf %get3A_777, %get3A_757 : vector<16xf32>
        %swap3A_779 = arith.constant 1 : i32
        %swap3A_780 = arith.index_cast %swap3A_779 : i32 to index
        %swap3A_781 = arith.index_cast %scan3A_627 : i32 to index
        %swap3A_782 = arith.constant 64 : index
        %swap3A_783 = tpu.vector_load %arg8[%swap3A_780, %swap3A_781, %swap3A_782] {strides = array<i32>} : memref<2x50x128xf32, #tpu.memory_space<vmem>>, vector<1x1x16xf32>,
        %swap3A_784 = vector.shape_cast %swap3A_783 : vector<1x1x16xf32> to vector<16xf32>
        %swap3A_785 = vector.shape_cast %add3A_778 : vector<16xf32> to vector<1x1x16xf32>
        tpu.vector_store %arg8[%swap3A_780, %swap3A_781, %swap3A_782], %swap3A_785 {strides = array<i32>} : memref<2x50x128xf32, #tpu.memory_space<vmem>>, vector<1x1x16xf32>,
        %get3A_786 = arith.index_cast %scan3A_627 : i32 to index
        %get3A_787 = arith.constant 80 : index
        %get3A_788 = tpu.vector_load %arg7[%get3A_786, %get3A_787] {strides = array<i32>} : memref<50x128xf32, #tpu.memory_space<vmem>>, vector<1x16xf32>,
        %get3A_789 = vector.shape_cast %get3A_788 : vector<1x16xf32> to vector<16xf32>
        %get3A_790 = arith.constant 0 : i32
        %get3A_791 = arith.index_cast %get3A_790 : i32 to index
        %get3A_792 = arith.index_cast %scan3A_627 : i32 to index
        %get3A_793 = arith.constant 80 : index
        %get3A_794 = tpu.vector_load %arg8[%get3A_791, %get3A_792, %get3A_793] {strides = array<i32>} : memref<2x50x128xf32, #tpu.memory_space<vmem>>, vector<1x1x16xf32>,
        %get3A_795 = vector.shape_cast %get3A_794 : vector<1x1x16xf32> to vector<16xf32>
        %add3A_796 = arith.addf %get3A_795, %get3A_789 : vector<16xf32>
        %swap3A_797 = arith.constant 0 : i32
        %swap3A_798 = arith.index_cast %swap3A_797 : i32 to index
        %swap3A_799 = arith.index_cast %scan3A_627 : i32 to index
        %swap3A_800 = arith.constant 80 : index
        %swap3A_801 = tpu.vector_load %arg8[%swap3A_798, %swap3A_799, %swap3A_800] {strides = array<i32>} : memref<2x50x128xf32, #tpu.memory_space<vmem>>, vector<1x1x16xf32>,
        %swap3A_802 = vector.shape_cast %swap3A_801 : vector<1x1x16xf32> to vector<16xf32>
        %swap3A_803 = vector.shape_cast %add3A_796 : vector<16xf32> to vector<1x1x16xf32>
        tpu.vector_store %arg8[%swap3A_798, %swap3A_799, %swap3A_800], %swap3A_803 {strides = array<i32>} : memref<2x50x128xf32, #tpu.memory_space<vmem>>, vector<1x1x16xf32>,
        %get3A_804 = arith.constant 1 : i32
        %get3A_805 = arith.index_cast %get3A_804 : i32 to index
        %get3A_806 = arith.index_cast %scan3A_627 : i32 to index
        %get3A_807 = arith.constant 80 : index
        %get3A_808 = tpu.vector_load %arg8[%get3A_805, %get3A_806, %get3A_807] {strides = array<i32>} : memref<2x50x128xf32, #tpu.memory_space<vmem>>, vector<1x1x16xf32>,
        %get3A_809 = vector.shape_cast %get3A_808 : vector<1x1x16xf32> to vector<16xf32>
        %add3A_810 = arith.addf %get3A_809, %get3A_789 : vector<16xf32>
        %swap3A_811 = arith.constant 1 : i32
        %swap3A_812 = arith.index_cast %swap3A_811 : i32 to index
        %swap3A_813 = arith.index_cast %scan3A_627 : i32 to index
        %swap3A_814 = arith.constant 80 : index
        %swap3A_815 = tpu.vector_load %arg8[%swap3A_812, %swap3A_813, %swap3A_814] {strides = array<i32>} : memref<2x50x128xf32, #tpu.memory_space<vmem>>, vector<1x1x16xf32>,
        %swap3A_816 = vector.shape_cast %swap3A_815 : vector<1x1x16xf32> to vector<16xf32>
        %swap3A_817 = vector.shape_cast %add3A_810 : vector<16xf32> to vector<1x1x16xf32>
        tpu.vector_store %arg8[%swap3A_812, %swap3A_813, %swap3A_814], %swap3A_817 {strides = array<i32>} : memref<2x50x128xf32, #tpu.memory_space<vmem>>, vector<1x1x16xf32>,
        %get3A_818 = arith.index_cast %scan3A_627 : i32 to index
        %get3A_819 = arith.constant 96 : index
        %get3A_820 = tpu.vector_load %arg7[%get3A_818, %get3A_819] {strides = array<i32>} : memref<50x128xf32, #tpu.memory_space<vmem>>, vector<1x16xf32>,
        %get3A_821 = vector.shape_cast %get3A_820 : vector<1x16xf32> to vector<16xf32>
        %get3A_822 = arith.constant 0 : i32
        %get3A_823 = arith.index_cast %get3A_822 : i32 to index
        %get3A_824 = arith.index_cast %scan3A_627 : i32 to index
        %get3A_825 = arith.constant 96 : index
        %get3A_826 = tpu.vector_load %arg8[%get3A_823, %get3A_824, %get3A_825] {strides = array<i32>} : memref<2x50x128xf32, #tpu.memory_space<vmem>>, vector<1x1x16xf32>,
        %get3A_827 = vector.shape_cast %get3A_826 : vector<1x1x16xf32> to vector<16xf32>
        %add3A_828 = arith.addf %get3A_827, %get3A_821 : vector<16xf32>
        %swap3A_829 = arith.constant 0 : i32
        %swap3A_830 = arith.index_cast %swap3A_829 : i32 to index
        %swap3A_831 = arith.index_cast %scan3A_627 : i32 to index
        %swap3A_832 = arith.constant 96 : index
        %swap3A_833 = tpu.vector_load %arg8[%swap3A_830, %swap3A_831, %swap3A_832] {strides = array<i32>} : memref<2x50x128xf32, #tpu.memory_space<vmem>>, vector<1x1x16xf32>,
        %swap3A_834 = vector.shape_cast %swap3A_833 : vector<1x1x16xf32> to vector<16xf32>
        %swap3A_835 = vector.shape_cast %add3A_828 : vector<16xf32> to vector<1x1x16xf32>
        tpu.vector_store %arg8[%swap3A_830, %swap3A_831, %swap3A_832], %swap3A_835 {strides = array<i32>} : memref<2x50x128xf32, #tpu.memory_space<vmem>>, vector<1x1x16xf32>,
        %get3A_836 = arith.constant 1 : i32
        %get3A_837 = arith.index_cast %get3A_836 : i32 to index
        %get3A_838 = arith.index_cast %scan3A_627 : i32 to index
        %get3A_839 = arith.constant 96 : index
        %get3A_840 = tpu.vector_load %arg8[%get3A_837, %get3A_838, %get3A_839] {strides = array<i32>} : memref<2x50x128xf32, #tpu.memory_space<vmem>>, vector<1x1x16xf32>,
        %get3A_841 = vector.shape_cast %get3A_840 : vector<1x1x16xf32> to vector<16xf32>
        %add3A_842 = arith.addf %get3A_841, %get3A_821 : vector<16xf32>
        %swap3A_843 = arith.constant 1 : i32
        %swap3A_844 = arith.index_cast %swap3A_843 : i32 to index
        %swap3A_845 = arith.index_cast %scan3A_627 : i32 to index
        %swap3A_846 = arith.constant 96 : index
        %swap3A_847 = tpu.vector_load %arg8[%swap3A_844, %swap3A_845, %swap3A_846] {strides = array<i32>} : memref<2x50x128xf32, #tpu.memory_space<vmem>>, vector<1x1x16xf32>,
        %swap3A_848 = vector.shape_cast %swap3A_847 : vector<1x1x16xf32> to vector<16xf32>
        %swap3A_849 = vector.shape_cast %add3A_842 : vector<16xf32> to vector<1x1x16xf32>
        tpu.vector_store %arg8[%swap3A_844, %swap3A_845, %swap3A_846], %swap3A_849 {strides = array<i32>} : memref<2x50x128xf32, #tpu.memory_space<vmem>>, vector<1x1x16xf32>,
        %get3A_850 = arith.index_cast %scan3A_627 : i32 to index
        %get3A_851 = arith.constant 112 : index
        %get3A_852 = tpu.vector_load %arg7[%get3A_850, %get3A_851] {strides = array<i32>} : memref<50x128xf32, #tpu.memory_space<vmem>>, vector<1x16xf32>,
        %get3A_853 = vector.shape_cast %get3A_852 : vector<1x16xf32> to vector<16xf32>
        %get3A_854 = arith.constant 0 : i32
        %get3A_855 = arith.index_cast %get3A_854 : i32 to index
        %get3A_856 = arith.index_cast %scan3A_627 : i32 to index
        %get3A_857 = arith.constant 112 : index
        %get3A_858 = tpu.vector_load %arg8[%get3A_855, %get3A_856, %get3A_857] {strides = array<i32>} : memref<2x50x128xf32, #tpu.memory_space<vmem>>, vector<1x1x16xf32>,
        %get3A_859 = vector.shape_cast %get3A_858 : vector<1x1x16xf32> to vector<16xf32>
        %add3A_860 = arith.addf %get3A_859, %get3A_853 : vector<16xf32>
        %swap3A_861 = arith.constant 0 : i32
        %swap3A_862 = arith.index_cast %swap3A_861 : i32 to index
        %swap3A_863 = arith.index_cast %scan3A_627 : i32 to index
        %swap3A_864 = arith.constant 112 : index
        %swap3A_865 = tpu.vector_load %arg8[%swap3A_862, %swap3A_863, %swap3A_864] {strides = array<i32>} : memref<2x50x128xf32, #tpu.memory_space<vmem>>, vector<1x1x16xf32>,
        %swap3A_866 = vector.shape_cast %swap3A_865 : vector<1x1x16xf32> to vector<16xf32>
        %swap3A_867 = vector.shape_cast %add3A_860 : vector<16xf32> to vector<1x1x16xf32>
        tpu.vector_store %arg8[%swap3A_862, %swap3A_863, %swap3A_864], %swap3A_867 {strides = array<i32>} : memref<2x50x128xf32, #tpu.memory_space<vmem>>, vector<1x1x16xf32>,
        %get3A_868 = arith.constant 1 : i32
        %get3A_869 = arith.index_cast %get3A_868 : i32 to index
        %get3A_870 = arith.index_cast %scan3A_627 : i32 to index
        %get3A_871 = arith.constant 112 : index
        %get3A_872 = tpu.vector_load %arg8[%get3A_869, %get3A_870, %get3A_871] {strides = array<i32>} : memref<2x50x128xf32, #tpu.memory_space<vmem>>, vector<1x1x16xf32>,
        %get3A_873 = vector.shape_cast %get3A_872 : vector<1x1x16xf32> to vector<16xf32>
        %add3A_874 = arith.addf %get3A_873, %get3A_853 : vector<16xf32>
        %swap3A_875 = arith.constant 1 : i32
        %swap3A_876 = arith.index_cast %swap3A_875 : i32 to index
        %swap3A_877 = arith.index_cast %scan3A_627 : i32 to index
        %swap3A_878 = arith.constant 112 : index
        %swap3A_879 = tpu.vector_load %arg8[%swap3A_876, %swap3A_877, %swap3A_878] {strides = array<i32>} : memref<2x50x128xf32, #tpu.memory_space<vmem>>, vector<1x1x16xf32>,
        %swap3A_880 = vector.shape_cast %swap3A_879 : vector<1x1x16xf32> to vector<16xf32>
        %swap3A_881 = vector.shape_cast %add3A_874 : vector<16xf32> to vector<1x1x16xf32>
        tpu.vector_store %arg8[%swap3A_876, %swap3A_877, %swap3A_878], %swap3A_881 {strides = array<i32>} : memref<2x50x128xf32, #tpu.memory_space<vmem>>, vector<1x1x16xf32>,
      }
      %scan3A_532 = arith.constant 50 : i32
      %mul3A_533 = arith.constant 2 : i32
      %mul3A_534 = arith.muli %add3A_462, %mul3A_533 : i32
      %add3A_535 = arith.addi %mul3A_2, %mul3A_534 : i32
      %dma_start3A_536 = arith.constant 0 : i32
      %dma_start3A_537 = arith.constant 0 : i32
      %dma_start3A_538 = tpu.memref_slice %arg5[%add3A_535, %dma_start3A_536, %dma_start3A_537] : memref<4096x50x128xf32, #tpu.memory_space<hbm>> -> memref<2x50x128xf32, #tpu.memory_space<hbm>>
      %dma_start3A_539 = arith.constant 0 : i32
      %dma_start3A_540 = arith.constant 0 : i32
      %dma_start3A_541 = tpu.memref_slice %arg5[%add3A_535, %dma_start3A_539, %dma_start3A_540] : memref<4096x50x128xf32, #tpu.memory_space<hbm>> -> memref<2x50x128xf32, #tpu.memory_space<hbm>>
      tpu.enqueue_dma source(%arg8 : memref<2x50x128xf32, #tpu.memory_space<vmem>>) target(%dma_start3A_541 : memref<2x50x128xf32, #tpu.memory_space<hbm>>) target_semaphore(%arg16 : memref<!tpu.dma_semaphore, #tpu.memory_space<semaphore_mem>>)
      %mul3A_542 = arith.constant 4 : i32
      %mul3A_543 = arith.muli %scan3A_286, %mul3A_542 : i32
      %add3A_544 = arith.constant 2 : i32
      %add3A_545 = arith.addi %add3A_544, %mul3A_543 : i32
      %add3A_546 = arith.constant 3 : i32
      %add3A_547 = arith.addi %add3A_545, %add3A_546 : i32
      %dma_wait3A_548 = arith.constant 0 : i32
      %dma_wait3A_549 = arith.constant 0 : i32
      %dma_wait3A_550 = arith.constant 0 : i32
      %dma_wait3A_551 = tpu.memref_slice %arg5[%dma_wait3A_548, %dma_wait3A_549, %dma_wait3A_550] : memref<4096x50x128xf32, #tpu.memory_space<hbm>> -> memref<2x50x128xf32, #tpu.memory_space<hbm>>
      %dma_wait3A_552 = arith.constant 0 : i32
      %dma_wait3A_553 = arith.constant 0 : i32
      %dma_wait3A_554 = arith.constant 0 : i32
      %dma_wait3A_555 = tpu.memref_slice %arg5[%dma_wait3A_552, %dma_wait3A_553, %dma_wait3A_554] : memref<4096x50x128xf32, #tpu.memory_space<hbm>> -> memref<2x50x128xf32, #tpu.memory_space<hbm>>
      tpu.wait_dma2 semaphore(%arg19 : memref<!tpu.dma_semaphore, #tpu.memory_space<semaphore_mem>>) src(%arg11 : memref<2x50x128xf32, #tpu.memory_space<vmem>>) dst(%dma_wait3A_555 : memref<2x50x128xf32, #tpu.memory_space<hbm>>)
      %add3A_556 = arith.constant 2 : i32
      %add3A_557 = arith.addi %add3A_547, %add3A_556 : i32
      %mul3A_558 = arith.constant 2 : i32
      %mul3A_559 = arith.muli %add3A_557, %mul3A_558 : i32
      %add3A_560 = arith.constant 0 : i32
      %add3A_561 = arith.addi %mul3A_559, %add3A_560 : i32
      %dma_start3A_562 = arith.constant 0 : i32
      %dma_start3A_563 = arith.constant 0 : i32
      %dma_start3A_564 = arith.constant 0 : i32
      %dma_start3A_565 = tpu.memref_slice %arg11[%dma_start3A_562, %dma_start3A_563, %dma_start3A_564] : memref<2x50x128xf32, #tpu.memory_space<vmem>> -> memref<1x50x128xf32, #tpu.memory_space<vmem>>
      %dma_start3A_566 = tpu.memref_squeeze %dma_start3A_565 : memref<1x50x128xf32, #tpu.memory_space<vmem>> -> memref<50x128xf32, #tpu.memory_space<vmem>>
      %dma_start3A_567 = arith.constant 0 : i32
      %dma_start3A_568 = tpu.memref_slice %arg6[%add3A_561, %dma_start3A_567] : memref<128x50xi32, #tpu.memory_space<vmem>> -> memref<1x50xi32, #tpu.memory_space<vmem>>
      %dma_start3A_569 = tpu.memref_squeeze %dma_start3A_568 : memref<1x50xi32, #tpu.memory_space<vmem>> -> memref<50xi32, #tpu.memory_space<vmem>>
      %dma_start3A_570 = arith.constant 0 : i32
      %dma_start3A_571 = arith.constant 0 : i32
      %dma_start3A_572 = tpu.memref_slice %arg3[%dma_start3A_570, %dma_start3A_571] : memref<100000x128xf32, #tpu.memory_space<hbm>> -> memref<100000x128xf32, #tpu.memory_space<hbm>>
      tpu.enqueue_indirect_dma source(%dma_start3A_572 : memref<100000x128xf32, #tpu.memory_space<hbm>>) target(%dma_start3A_566 : memref<50x128xf32, #tpu.memory_space<vmem>>) offsets(%dma_start3A_569 : memref<50xi32, #tpu.memory_space<vmem>>) semaphore(%arg15 : memref<!tpu.dma_semaphore, #tpu.memory_space<semaphore_mem>>)
      %mul3A_573 = arith.constant 2 : i32
      %mul3A_574 = arith.muli %add3A_557, %mul3A_573 : i32
      %add3A_575 = arith.constant 1 : i32
      %add3A_576 = arith.addi %mul3A_574, %add3A_575 : i32
      %dma_start3A_577 = arith.constant 1 : i32
      %dma_start3A_578 = arith.constant 0 : i32
      %dma_start3A_579 = arith.constant 0 : i32
      %dma_start3A_580 = tpu.memref_slice %arg11[%dma_start3A_577, %dma_start3A_578, %dma_start3A_579] : memref<2x50x128xf32, #tpu.memory_space<vmem>> -> memref<1x50x128xf32, #tpu.memory_space<vmem>>
      %dma_start3A_581 = tpu.memref_squeeze %dma_start3A_580 : memref<1x50x128xf32, #tpu.memory_space<vmem>> -> memref<50x128xf32, #tpu.memory_space<vmem>>
      %dma_start3A_582 = arith.constant 0 : i32
      %dma_start3A_583 = tpu.memref_slice %arg6[%add3A_576, %dma_start3A_582] : memref<128x50xi32, #tpu.memory_space<vmem>> -> memref<1x50xi32, #tpu.memory_space<vmem>>
      %dma_start3A_584 = tpu.memref_squeeze %dma_start3A_583 : memref<1x50xi32, #tpu.memory_space<vmem>> -> memref<50xi32, #tpu.memory_space<vmem>>
      %dma_start3A_585 = arith.constant 0 : i32
      %dma_start3A_586 = arith.constant 0 : i32
      %dma_start3A_587 = tpu.memref_slice %arg3[%dma_start3A_585, %dma_start3A_586] : memref<100000x128xf32, #tpu.memory_space<hbm>> -> memref<100000x128xf32, #tpu.memory_space<hbm>>
      tpu.enqueue_indirect_dma source(%dma_start3A_587 : memref<100000x128xf32, #tpu.memory_space<hbm>>) target(%dma_start3A_581 : memref<50x128xf32, #tpu.memory_space<vmem>>) offsets(%dma_start3A_584 : memref<50xi32, #tpu.memory_space<vmem>>) semaphore(%arg15 : memref<!tpu.dma_semaphore, #tpu.memory_space<semaphore_mem>>)
      %dma_wait3A_588 = arith.constant 0 : i32
      %dma_wait3A_589 = arith.constant 0 : i32
      %dma_wait3A_590 = arith.constant 0 : i32
      %dma_wait3A_591 = arith.constant 0 : i32
      %dma_wait3A_592 = tpu.memref_slice %arg9[%dma_wait3A_589, %dma_wait3A_590, %dma_wait3A_591] : memref<2x50x128xf32, #tpu.memory_space<vmem>> -> memref<1x50x128xf32, #tpu.memory_space<vmem>>
      %dma_wait3A_593 = tpu.memref_squeeze %dma_wait3A_592 : memref<1x50x128xf32, #tpu.memory_space<vmem>> -> memref<50x128xf32, #tpu.memory_space<vmem>>
      %dma_wait3A_594 = arith.constant 0 : i32
      %dma_wait3A_595 = tpu.memref_slice %arg6[%dma_wait3A_588, %dma_wait3A_594] : memref<128x50xi32, #tpu.memory_space<vmem>> -> memref<1x50xi32, #tpu.memory_space<vmem>>
      %dma_wait3A_596 = tpu.memref_squeeze %dma_wait3A_595 : memref<1x50xi32, #tpu.memory_space<vmem>> -> memref<50xi32, #tpu.memory_space<vmem>>
      %dma_wait3A_597 = arith.constant 0 : i32
      %dma_wait3A_598 = arith.constant 0 : i32
      %dma_wait3A_599 = tpu.memref_slice %arg3[%dma_wait3A_597, %dma_wait3A_598] : memref<100000x128xf32, #tpu.memory_space<hbm>> -> memref<100000x128xf32, #tpu.memory_space<hbm>>
      tpu.wait_indirect_dma semaphore(%arg13 : memref<!tpu.dma_semaphore, #tpu.memory_space<semaphore_mem>>) src(%dma_wait3A_599 : memref<100000x128xf32, #tpu.memory_space<hbm>>) dst(%dma_wait3A_593 : memref<50x128xf32, #tpu.memory_space<vmem>>)
      %dma_wait3A_600 = arith.constant 0 : i32
      %dma_wait3A_601 = arith.constant 0 : i32
      %dma_wait3A_602 = arith.constant 0 : i32
      %dma_wait3A_603 = arith.constant 0 : i32
      %dma_wait3A_604 = tpu.memref_slice %arg9[%dma_wait3A_601, %dma_wait3A_602, %dma_wait3A_603] : memref<2x50x128xf32, #tpu.memory_space<vmem>> -> memref<1x50x128xf32, #tpu.memory_space<vmem>>
      %dma_wait3A_605 = tpu.memref_squeeze %dma_wait3A_604 : memref<1x50x128xf32, #tpu.memory_space<vmem>> -> memref<50x128xf32, #tpu.memory_space<vmem>>
      %dma_wait3A_606 = arith.constant 0 : i32
      %dma_wait3A_607 = tpu.memref_slice %arg6[%dma_wait3A_600, %dma_wait3A_606] : memref<128x50xi32, #tpu.memory_space<vmem>> -> memref<1x50xi32, #tpu.memory_space<vmem>>
      %dma_wait3A_608 = tpu.memref_squeeze %dma_wait3A_607 : memref<1x50xi32, #tpu.memory_space<vmem>> -> memref<50xi32, #tpu.memory_space<vmem>>
      %dma_wait3A_609 = arith.constant 0 : i32
      %dma_wait3A_610 = arith.constant 0 : i32
      %dma_wait3A_611 = tpu.memref_slice %arg3[%dma_wait3A_609, %dma_wait3A_610] : memref<100000x128xf32, #tpu.memory_space<hbm>> -> memref<100000x128xf32, #tpu.memory_space<hbm>>
      tpu.wait_indirect_dma semaphore(%arg13 : memref<!tpu.dma_semaphore, #tpu.memory_space<semaphore_mem>>) src(%dma_wait3A_611 : memref<100000x128xf32, #tpu.memory_space<hbm>>) dst(%dma_wait3A_605 : memref<50x128xf32, #tpu.memory_space<vmem>>)
      %scan3A_612 = arith.constant 0 : i32
      %scan3A_613 = arith.constant 0 : i32
      %scan3A_614 = arith.constant 50 : i32
      %scan3A_615 = arith.addi %scan3A_613, %scan3A_614 : i32
      %scan3A_616 = arith.constant 1 : i32
      scf.for %scan3A_627 = %scan3A_613 to %scan3A_615 step %scan3A_616  : i32 {
        %get3A = arith.index_cast %scan3A_627 : i32 to index
        %get3A_628 = arith.constant 0 : index
        %get3A_629 = tpu.vector_load %arg7[%get3A, %get3A_628] {strides = array<i32>} : memref<50x128xf32, #tpu.memory_space<vmem>>, vector<1x16xf32>,
        %get3A_630 = vector.shape_cast %get3A_629 : vector<1x16xf32> to vector<16xf32>
        %get3A_631 = arith.constant 0 : i32
        %get3A_632 = arith.index_cast %get3A_631 : i32 to index
        %get3A_633 = arith.index_cast %scan3A_627 : i32 to index
        %get3A_634 = arith.constant 0 : index
        %get3A_635 = tpu.vector_load %arg9[%get3A_632, %get3A_633, %get3A_634] {strides = array<i32>} : memref<2x50x128xf32, #tpu.memory_space<vmem>>, vector<1x1x16xf32>,
        %get3A_636 = vector.shape_cast %get3A_635 : vector<1x1x16xf32> to vector<16xf32>
        %add3A_637 = arith.addf %get3A_636, %get3A_630 : vector<16xf32>
        %swap3A = arith.constant 0 : i32
        %swap3A_638 = arith.index_cast %swap3A : i32 to index
        %swap3A_639 = arith.index_cast %scan3A_627 : i32 to index
        %swap3A_640 = arith.constant 0 : index
        %swap3A_641 = tpu.vector_load %arg9[%swap3A_638, %swap3A_639, %swap3A_640] {strides = array<i32>} : memref<2x50x128xf32, #tpu.memory_space<vmem>>, vector<1x1x16xf32>,
        %swap3A_642 = vector.shape_cast %swap3A_641 : vector<1x1x16xf32> to vector<16xf32>
        %swap3A_643 = vector.shape_cast %add3A_637 : vector<16xf32> to vector<1x1x16xf32>
        tpu.vector_store %arg9[%swap3A_638, %swap3A_639, %swap3A_640], %swap3A_643 {strides = array<i32>} : memref<2x50x128xf32, #tpu.memory_space<vmem>>, vector<1x1x16xf32>,
        %get3A_644 = arith.constant 1 : i32
        %get3A_645 = arith.index_cast %get3A_644 : i32 to index
        %get3A_646 = arith.index_cast %scan3A_627 : i32 to index
        %get3A_647 = arith.constant 0 : index
        %get3A_648 = tpu.vector_load %arg9[%get3A_645, %get3A_646, %get3A_647] {strides = array<i32>} : memref<2x50x128xf32, #tpu.memory_space<vmem>>, vector<1x1x16xf32>,
        %get3A_649 = vector.shape_cast %get3A_648 : vector<1x1x16xf32> to vector<16xf32>
        %add3A_650 = arith.addf %get3A_649, %get3A_630 : vector<16xf32>
        %swap3A_651 = arith.constant 1 : i32
        %swap3A_652 = arith.index_cast %swap3A_651 : i32 to index
        %swap3A_653 = arith.index_cast %scan3A_627 : i32 to index
        %swap3A_654 = arith.constant 0 : index
        %swap3A_655 = tpu.vector_load %arg9[%swap3A_652, %swap3A_653, %swap3A_654] {strides = array<i32>} : memref<2x50x128xf32, #tpu.memory_space<vmem>>, vector<1x1x16xf32>,
        %swap3A_656 = vector.shape_cast %swap3A_655 : vector<1x1x16xf32> to vector<16xf32>
        %swap3A_657 = vector.shape_cast %add3A_650 : vector<16xf32> to vector<1x1x16xf32>
        tpu.vector_store %arg9[%swap3A_652, %swap3A_653, %swap3A_654], %swap3A_657 {strides = array<i32>} : memref<2x50x128xf32, #tpu.memory_space<vmem>>, vector<1x1x16xf32>,
        %get3A_658 = arith.index_cast %scan3A_627 : i32 to index
        %get3A_659 = arith.constant 16 : index
        %get3A_660 = tpu.vector_load %arg7[%get3A_658, %get3A_659] {strides = array<i32>} : memref<50x128xf32, #tpu.memory_space<vmem>>, vector<1x16xf32>,
        %get3A_661 = vector.shape_cast %get3A_660 : vector<1x16xf32> to vector<16xf32>
        %get3A_662 = arith.constant 0 : i32
        %get3A_663 = arith.index_cast %get3A_662 : i32 to index
        %get3A_664 = arith.index_cast %scan3A_627 : i32 to index
        %get3A_665 = arith.constant 16 : index
        %get3A_666 = tpu.vector_load %arg9[%get3A_663, %get3A_664, %get3A_665] {strides = array<i32>} : memref<2x50x128xf32, #tpu.memory_space<vmem>>, vector<1x1x16xf32>,
        %get3A_667 = vector.shape_cast %get3A_666 : vector<1x1x16xf32> to vector<16xf32>
        %add3A_668 = arith.addf %get3A_667, %get3A_661 : vector<16xf32>
        %swap3A_669 = arith.constant 0 : i32
        %swap3A_670 = arith.index_cast %swap3A_669 : i32 to index
        %swap3A_671 = arith.index_cast %scan3A_627 : i32 to index
        %swap3A_672 = arith.constant 16 : index
        %swap3A_673 = tpu.vector_load %arg9[%swap3A_670, %swap3A_671, %swap3A_672] {strides = array<i32>} : memref<2x50x128xf32, #tpu.memory_space<vmem>>, vector<1x1x16xf32>,
        %swap3A_674 = vector.shape_cast %swap3A_673 : vector<1x1x16xf32> to vector<16xf32>
        %swap3A_675 = vector.shape_cast %add3A_668 : vector<16xf32> to vector<1x1x16xf32>
        tpu.vector_store %arg9[%swap3A_670, %swap3A_671, %swap3A_672], %swap3A_675 {strides = array<i32>} : memref<2x50x128xf32, #tpu.memory_space<vmem>>, vector<1x1x16xf32>,
        %get3A_676 = arith.constant 1 : i32
        %get3A_677 = arith.index_cast %get3A_676 : i32 to index
        %get3A_678 = arith.index_cast %scan3A_627 : i32 to index
        %get3A_679 = arith.constant 16 : index
        %get3A_680 = tpu.vector_load %arg9[%get3A_677, %get3A_678, %get3A_679] {strides = array<i32>} : memref<2x50x128xf32, #tpu.memory_space<vmem>>, vector<1x1x16xf32>,
        %get3A_681 = vector.shape_cast %get3A_680 : vector<1x1x16xf32> to vector<16xf32>
        %add3A_682 = arith.addf %get3A_681, %get3A_661 : vector<16xf32>
        %swap3A_683 = arith.constant 1 : i32
        %swap3A_684 = arith.index_cast %swap3A_683 : i32 to index
        %swap3A_685 = arith.index_cast %scan3A_627 : i32 to index
        %swap3A_686 = arith.constant 16 : index
        %swap3A_687 = tpu.vector_load %arg9[%swap3A_684, %swap3A_685, %swap3A_686] {strides = array<i32>} : memref<2x50x128xf32, #tpu.memory_space<vmem>>, vector<1x1x16xf32>,
        %swap3A_688 = vector.shape_cast %swap3A_687 : vector<1x1x16xf32> to vector<16xf32>
        %swap3A_689 = vector.shape_cast %add3A_682 : vector<16xf32> to vector<1x1x16xf32>
        tpu.vector_store %arg9[%swap3A_684, %swap3A_685, %swap3A_686], %swap3A_689 {strides = array<i32>} : memref<2x50x128xf32, #tpu.memory_space<vmem>>, vector<1x1x16xf32>,
        %get3A_690 = arith.index_cast %scan3A_627 : i32 to index
        %get3A_691 = arith.constant 32 : index
        %get3A_692 = tpu.vector_load %arg7[%get3A_690, %get3A_691] {strides = array<i32>} : memref<50x128xf32, #tpu.memory_space<vmem>>, vector<1x16xf32>,
        %get3A_693 = vector.shape_cast %get3A_692 : vector<1x16xf32> to vector<16xf32>
        %get3A_694 = arith.constant 0 : i32
        %get3A_695 = arith.index_cast %get3A_694 : i32 to index
        %get3A_696 = arith.index_cast %scan3A_627 : i32 to index
        %get3A_697 = arith.constant 32 : index
        %get3A_698 = tpu.vector_load %arg9[%get3A_695, %get3A_696, %get3A_697] {strides = array<i32>} : memref<2x50x128xf32, #tpu.memory_space<vmem>>, vector<1x1x16xf32>,
        %get3A_699 = vector.shape_cast %get3A_698 : vector<1x1x16xf32> to vector<16xf32>
        %add3A_700 = arith.addf %get3A_699, %get3A_693 : vector<16xf32>
        %swap3A_701 = arith.constant 0 : i32
        %swap3A_702 = arith.index_cast %swap3A_701 : i32 to index
        %swap3A_703 = arith.index_cast %scan3A_627 : i32 to index
        %swap3A_704 = arith.constant 32 : index
        %swap3A_705 = tpu.vector_load %arg9[%swap3A_702, %swap3A_703, %swap3A_704] {strides = array<i32>} : memref<2x50x128xf32, #tpu.memory_space<vmem>>, vector<1x1x16xf32>,
        %swap3A_706 = vector.shape_cast %swap3A_705 : vector<1x1x16xf32> to vector<16xf32>
        %swap3A_707 = vector.shape_cast %add3A_700 : vector<16xf32> to vector<1x1x16xf32>
        tpu.vector_store %arg9[%swap3A_702, %swap3A_703, %swap3A_704], %swap3A_707 {strides = array<i32>} : memref<2x50x128xf32, #tpu.memory_space<vmem>>, vector<1x1x16xf32>,
        %get3A_708 = arith.constant 1 : i32
        %get3A_709 = arith.index_cast %get3A_708 : i32 to index
        %get3A_710 = arith.index_cast %scan3A_627 : i32 to index
        %get3A_711 = arith.constant 32 : index
        %get3A_712 = tpu.vector_load %arg9[%get3A_709, %get3A_710, %get3A_711] {strides = array<i32>} : memref<2x50x128xf32, #tpu.memory_space<vmem>>, vector<1x1x16xf32>,
        %get3A_713 = vector.shape_cast %get3A_712 : vector<1x1x16xf32> to vector<16xf32>
        %add3A_714 = arith.addf %get3A_713, %get3A_693 : vector<16xf32>
        %swap3A_715 = arith.constant 1 : i32
        %swap3A_716 = arith.index_cast %swap3A_715 : i32 to index
        %swap3A_717 = arith.index_cast %scan3A_627 : i32 to index
        %swap3A_718 = arith.constant 32 : index
        %swap3A_719 = tpu.vector_load %arg9[%swap3A_716, %swap3A_717, %swap3A_718] {strides = array<i32>} : memref<2x50x128xf32, #tpu.memory_space<vmem>>, vector<1x1x16xf32>,
        %swap3A_720 = vector.shape_cast %swap3A_719 : vector<1x1x16xf32> to vector<16xf32>
        %swap3A_721 = vector.shape_cast %add3A_714 : vector<16xf32> to vector<1x1x16xf32>
        tpu.vector_store %arg9[%swap3A_716, %swap3A_717, %swap3A_718], %swap3A_721 {strides = array<i32>} : memref<2x50x128xf32, #tpu.memory_space<vmem>>, vector<1x1x16xf32>,
        %get3A_722 = arith.index_cast %scan3A_627 : i32 to index
        %get3A_723 = arith.constant 48 : index
        %get3A_724 = tpu.vector_load %arg7[%get3A_722, %get3A_723] {strides = array<i32>} : memref<50x128xf32, #tpu.memory_space<vmem>>, vector<1x16xf32>,
        %get3A_725 = vector.shape_cast %get3A_724 : vector<1x16xf32> to vector<16xf32>
        %get3A_726 = arith.constant 0 : i32
        %get3A_727 = arith.index_cast %get3A_726 : i32 to index
        %get3A_728 = arith.index_cast %scan3A_627 : i32 to index
        %get3A_729 = arith.constant 48 : index
        %get3A_730 = tpu.vector_load %arg9[%get3A_727, %get3A_728, %get3A_729] {strides = array<i32>} : memref<2x50x128xf32, #tpu.memory_space<vmem>>, vector<1x1x16xf32>,
        %get3A_731 = vector.shape_cast %get3A_730 : vector<1x1x16xf32> to vector<16xf32>
        %add3A_732 = arith.addf %get3A_731, %get3A_725 : vector<16xf32>
        %swap3A_733 = arith.constant 0 : i32
        %swap3A_734 = arith.index_cast %swap3A_733 : i32 to index
        %swap3A_735 = arith.index_cast %scan3A_627 : i32 to index
        %swap3A_736 = arith.constant 48 : index
        %swap3A_737 = tpu.vector_load %arg9[%swap3A_734, %swap3A_735, %swap3A_736] {strides = array<i32>} : memref<2x50x128xf32, #tpu.memory_space<vmem>>, vector<1x1x16xf32>,
        %swap3A_738 = vector.shape_cast %swap3A_737 : vector<1x1x16xf32> to vector<16xf32>
        %swap3A_739 = vector.shape_cast %add3A_732 : vector<16xf32> to vector<1x1x16xf32>
        tpu.vector_store %arg9[%swap3A_734, %swap3A_735, %swap3A_736], %swap3A_739 {strides = array<i32>} : memref<2x50x128xf32, #tpu.memory_space<vmem>>, vector<1x1x16xf32>,
        %get3A_740 = arith.constant 1 : i32
        %get3A_741 = arith.index_cast %get3A_740 : i32 to index
        %get3A_742 = arith.index_cast %scan3A_627 : i32 to index
        %get3A_743 = arith.constant 48 : index
        %get3A_744 = tpu.vector_load %arg9[%get3A_741, %get3A_742, %get3A_743] {strides = array<i32>} : memref<2x50x128xf32, #tpu.memory_space<vmem>>, vector<1x1x16xf32>,
        %get3A_745 = vector.shape_cast %get3A_744 : vector<1x1x16xf32> to vector<16xf32>
        %add3A_746 = arith.addf %get3A_745, %get3A_725 : vector<16xf32>
        %swap3A_747 = arith.constant 1 : i32
        %swap3A_748 = arith.index_cast %swap3A_747 : i32 to index
        %swap3A_749 = arith.index_cast %scan3A_627 : i32 to index
        %swap3A_750 = arith.constant 48 : index
        %swap3A_751 = tpu.vector_load %arg9[%swap3A_748, %swap3A_749, %swap3A_750] {strides = array<i32>} : memref<2x50x128xf32, #tpu.memory_space<vmem>>, vector<1x1x16xf32>,
        %swap3A_752 = vector.shape_cast %swap3A_751 : vector<1x1x16xf32> to vector<16xf32>
        %swap3A_753 = vector.shape_cast %add3A_746 : vector<16xf32> to vector<1x1x16xf32>
        tpu.vector_store %arg9[%swap3A_748, %swap3A_749, %swap3A_750], %swap3A_753 {strides = array<i32>} : memref<2x50x128xf32, #tpu.memory_space<vmem>>, vector<1x1x16xf32>,
        %get3A_754 = arith.index_cast %scan3A_627 : i32 to index
        %get3A_755 = arith.constant 64 : index
        %get3A_756 = tpu.vector_load %arg7[%get3A_754, %get3A_755] {strides = array<i32>} : memref<50x128xf32, #tpu.memory_space<vmem>>, vector<1x16xf32>,
        %get3A_757 = vector.shape_cast %get3A_756 : vector<1x16xf32> to vector<16xf32>
        %get3A_758 = arith.constant 0 : i32
        %get3A_759 = arith.index_cast %get3A_758 : i32 to index
        %get3A_760 = arith.index_cast %scan3A_627 : i32 to index
        %get3A_761 = arith.constant 64 : index
        %get3A_762 = tpu.vector_load %arg9[%get3A_759, %get3A_760, %get3A_761] {strides = array<i32>} : memref<2x50x128xf32, #tpu.memory_space<vmem>>, vector<1x1x16xf32>,
        %get3A_763 = vector.shape_cast %get3A_762 : vector<1x1x16xf32> to vector<16xf32>
        %add3A_764 = arith.addf %get3A_763, %get3A_757 : vector<16xf32>
        %swap3A_765 = arith.constant 0 : i32
        %swap3A_766 = arith.index_cast %swap3A_765 : i32 to index
        %swap3A_767 = arith.index_cast %scan3A_627 : i32 to index
        %swap3A_768 = arith.constant 64 : index
        %swap3A_769 = tpu.vector_load %arg9[%swap3A_766, %swap3A_767, %swap3A_768] {strides = array<i32>} : memref<2x50x128xf32, #tpu.memory_space<vmem>>, vector<1x1x16xf32>,
        %swap3A_770 = vector.shape_cast %swap3A_769 : vector<1x1x16xf32> to vector<16xf32>
        %swap3A_771 = vector.shape_cast %add3A_764 : vector<16xf32> to vector<1x1x16xf32>
        tpu.vector_store %arg9[%swap3A_766, %swap3A_767, %swap3A_768], %swap3A_771 {strides = array<i32>} : memref<2x50x128xf32, #tpu.memory_space<vmem>>, vector<1x1x16xf32>,
        %get3A_772 = arith.constant 1 : i32
        %get3A_773 = arith.index_cast %get3A_772 : i32 to index
        %get3A_774 = arith.index_cast %scan3A_627 : i32 to index
        %get3A_775 = arith.constant 64 : index
        %get3A_776 = tpu.vector_load %arg9[%get3A_773, %get3A_774, %get3A_775] {strides = array<i32>} : memref<2x50x128xf32, #tpu.memory_space<vmem>>, vector<1x1x16xf32>,
        %get3A_777 = vector.shape_cast %get3A_776 : vector<1x1x16xf32> to vector<16xf32>
        %add3A_778 = arith.addf %get3A_777, %get3A_757 : vector<16xf32>
        %swap3A_779 = arith.constant 1 : i32
        %swap3A_780 = arith.index_cast %swap3A_779 : i32 to index
        %swap3A_781 = arith.index_cast %scan3A_627 : i32 to index
        %swap3A_782 = arith.constant 64 : index
        %swap3A_783 = tpu.vector_load %arg9[%swap3A_780, %swap3A_781, %swap3A_782] {strides = array<i32>} : memref<2x50x128xf32, #tpu.memory_space<vmem>>, vector<1x1x16xf32>,
        %swap3A_784 = vector.shape_cast %swap3A_783 : vector<1x1x16xf32> to vector<16xf32>
        %swap3A_785 = vector.shape_cast %add3A_778 : vector<16xf32> to vector<1x1x16xf32>
        tpu.vector_store %arg9[%swap3A_780, %swap3A_781, %swap3A_782], %swap3A_785 {strides = array<i32>} : memref<2x50x128xf32, #tpu.memory_space<vmem>>, vector<1x1x16xf32>,
        %get3A_786 = arith.index_cast %scan3A_627 : i32 to index
        %get3A_787 = arith.constant 80 : index
        %get3A_788 = tpu.vector_load %arg7[%get3A_786, %get3A_787] {strides = array<i32>} : memref<50x128xf32, #tpu.memory_space<vmem>>, vector<1x16xf32>,
        %get3A_789 = vector.shape_cast %get3A_788 : vector<1x16xf32> to vector<16xf32>
        %get3A_790 = arith.constant 0 : i32
        %get3A_791 = arith.index_cast %get3A_790 : i32 to index
        %get3A_792 = arith.index_cast %scan3A_627 : i32 to index
        %get3A_793 = arith.constant 80 : index
        %get3A_794 = tpu.vector_load %arg9[%get3A_791, %get3A_792, %get3A_793] {strides = array<i32>} : memref<2x50x128xf32, #tpu.memory_space<vmem>>, vector<1x1x16xf32>,
        %get3A_795 = vector.shape_cast %get3A_794 : vector<1x1x16xf32> to vector<16xf32>
        %add3A_796 = arith.addf %get3A_795, %get3A_789 : vector<16xf32>
        %swap3A_797 = arith.constant 0 : i32
        %swap3A_798 = arith.index_cast %swap3A_797 : i32 to index
        %swap3A_799 = arith.index_cast %scan3A_627 : i32 to index
        %swap3A_800 = arith.constant 80 : index
        %swap3A_801 = tpu.vector_load %arg9[%swap3A_798, %swap3A_799, %swap3A_800] {strides = array<i32>} : memref<2x50x128xf32, #tpu.memory_space<vmem>>, vector<1x1x16xf32>,
        %swap3A_802 = vector.shape_cast %swap3A_801 : vector<1x1x16xf32> to vector<16xf32>
        %swap3A_803 = vector.shape_cast %add3A_796 : vector<16xf32> to vector<1x1x16xf32>
        tpu.vector_store %arg9[%swap3A_798, %swap3A_799, %swap3A_800], %swap3A_803 {strides = array<i32>} : memref<2x50x128xf32, #tpu.memory_space<vmem>>, vector<1x1x16xf32>,
        %get3A_804 = arith.constant 1 : i32
        %get3A_805 = arith.index_cast %get3A_804 : i32 to index
        %get3A_806 = arith.index_cast %scan3A_627 : i32 to index
        %get3A_807 = arith.constant 80 : index
        %get3A_808 = tpu.vector_load %arg9[%get3A_805, %get3A_806, %get3A_807] {strides = array<i32>} : memref<2x50x128xf32, #tpu.memory_space<vmem>>, vector<1x1x16xf32>,
        %get3A_809 = vector.shape_cast %get3A_808 : vector<1x1x16xf32> to vector<16xf32>
        %add3A_810 = arith.addf %get3A_809, %get3A_789 : vector<16xf32>
        %swap3A_811 = arith.constant 1 : i32
        %swap3A_812 = arith.index_cast %swap3A_811 : i32 to index
        %swap3A_813 = arith.index_cast %scan3A_627 : i32 to index
        %swap3A_814 = arith.constant 80 : index
        %swap3A_815 = tpu.vector_load %arg9[%swap3A_812, %swap3A_813, %swap3A_814] {strides = array<i32>} : memref<2x50x128xf32, #tpu.memory_space<vmem>>, vector<1x1x16xf32>,
        %swap3A_816 = vector.shape_cast %swap3A_815 : vector<1x1x16xf32> to vector<16xf32>
        %swap3A_817 = vector.shape_cast %add3A_810 : vector<16xf32> to vector<1x1x16xf32>
        tpu.vector_store %arg9[%swap3A_812, %swap3A_813, %swap3A_814], %swap3A_817 {strides = array<i32>} : memref<2x50x128xf32, #tpu.memory_space<vmem>>, vector<1x1x16xf32>,
        %get3A_818 = arith.index_cast %scan3A_627 : i32 to index
        %get3A_819 = arith.constant 96 : index
        %get3A_820 = tpu.vector_load %arg7[%get3A_818, %get3A_819] {strides = array<i32>} : memref<50x128xf32, #tpu.memory_space<vmem>>, vector<1x16xf32>,
        %get3A_821 = vector.shape_cast %get3A_820 : vector<1x16xf32> to vector<16xf32>
        %get3A_822 = arith.constant 0 : i32
        %get3A_823 = arith.index_cast %get3A_822 : i32 to index
        %get3A_824 = arith.index_cast %scan3A_627 : i32 to index
        %get3A_825 = arith.constant 96 : index
        %get3A_826 = tpu.vector_load %arg9[%get3A_823, %get3A_824, %get3A_825] {strides = array<i32>} : memref<2x50x128xf32, #tpu.memory_space<vmem>>, vector<1x1x16xf32>,
        %get3A_827 = vector.shape_cast %get3A_826 : vector<1x1x16xf32> to vector<16xf32>
        %add3A_828 = arith.addf %get3A_827, %get3A_821 : vector<16xf32>
        %swap3A_829 = arith.constant 0 : i32
        %swap3A_830 = arith.index_cast %swap3A_829 : i32 to index
        %swap3A_831 = arith.index_cast %scan3A_627 : i32 to index
        %swap3A_832 = arith.constant 96 : index
        %swap3A_833 = tpu.vector_load %arg9[%swap3A_830, %swap3A_831, %swap3A_832] {strides = array<i32>} : memref<2x50x128xf32, #tpu.memory_space<vmem>>, vector<1x1x16xf32>,
        %swap3A_834 = vector.shape_cast %swap3A_833 : vector<1x1x16xf32> to vector<16xf32>
        %swap3A_835 = vector.shape_cast %add3A_828 : vector<16xf32> to vector<1x1x16xf32>
        tpu.vector_store %arg9[%swap3A_830, %swap3A_831, %swap3A_832], %swap3A_835 {strides = array<i32>} : memref<2x50x128xf32, #tpu.memory_space<vmem>>, vector<1x1x16xf32>,
        %get3A_836 = arith.constant 1 : i32
        %get3A_837 = arith.index_cast %get3A_836 : i32 to index
        %get3A_838 = arith.index_cast %scan3A_627 : i32 to index
        %get3A_839 = arith.constant 96 : index
        %get3A_840 = tpu.vector_load %arg9[%get3A_837, %get3A_838, %get3A_839] {strides = array<i32>} : memref<2x50x128xf32, #tpu.memory_space<vmem>>, vector<1x1x16xf32>,
        %get3A_841 = vector.shape_cast %get3A_840 : vector<1x1x16xf32> to vector<16xf32>
        %add3A_842 = arith.addf %get3A_841, %get3A_821 : vector<16xf32>
        %swap3A_843 = arith.constant 1 : i32
        %swap3A_844 = arith.index_cast %swap3A_843 : i32 to index
        %swap3A_845 = arith.index_cast %scan3A_627 : i32 to index
        %swap3A_846 = arith.constant 96 : index
        %swap3A_847 = tpu.vector_load %arg9[%swap3A_844, %swap3A_845, %swap3A_846] {strides = array<i32>} : memref<2x50x128xf32, #tpu.memory_space<vmem>>, vector<1x1x16xf32>,
        %swap3A_848 = vector.shape_cast %swap3A_847 : vector<1x1x16xf32> to vector<16xf32>
        %swap3A_849 = vector.shape_cast %add3A_842 : vector<16xf32> to vector<1x1x16xf32>
        tpu.vector_store %arg9[%swap3A_844, %swap3A_845, %swap3A_846], %swap3A_849 {strides = array<i32>} : memref<2x50x128xf32, #tpu.memory_space<vmem>>, vector<1x1x16xf32>,
        %get3A_850 = arith.index_cast %scan3A_627 : i32 to index
        %get3A_851 = arith.constant 112 : index
        %get3A_852 = tpu.vector_load %arg7[%get3A_850, %get3A_851] {strides = array<i32>} : memref<50x128xf32, #tpu.memory_space<vmem>>, vector<1x16xf32>,
        %get3A_853 = vector.shape_cast %get3A_852 : vector<1x16xf32> to vector<16xf32>
        %get3A_854 = arith.constant 0 : i32
        %get3A_855 = arith.index_cast %get3A_854 : i32 to index
        %get3A_856 = arith.index_cast %scan3A_627 : i32 to index
        %get3A_857 = arith.constant 112 : index
        %get3A_858 = tpu.vector_load %arg9[%get3A_855, %get3A_856, %get3A_857] {strides = array<i32>} : memref<2x50x128xf32, #tpu.memory_space<vmem>>, vector<1x1x16xf32>,
        %get3A_859 = vector.shape_cast %get3A_858 : vector<1x1x16xf32> to vector<16xf32>
        %add3A_860 = arith.addf %get3A_859, %get3A_853 : vector<16xf32>
        %swap3A_861 = arith.constant 0 : i32
        %swap3A_862 = arith.index_cast %swap3A_861 : i32 to index
        %swap3A_863 = arith.index_cast %scan3A_627 : i32 to index
        %swap3A_864 = arith.constant 112 : index
        %swap3A_865 = tpu.vector_load %arg9[%swap3A_862, %swap3A_863, %swap3A_864] {strides = array<i32>} : memref<2x50x128xf32, #tpu.memory_space<vmem>>, vector<1x1x16xf32>,
        %swap3A_866 = vector.shape_cast %swap3A_865 : vector<1x1x16xf32> to vector<16xf32>
        %swap3A_867 = vector.shape_cast %add3A_860 : vector<16xf32> to vector<1x1x16xf32>
        tpu.vector_store %arg9[%swap3A_862, %swap3A_863, %swap3A_864], %swap3A_867 {strides = array<i32>} : memref<2x50x128xf32, #tpu.memory_space<vmem>>, vector<1x1x16xf32>,
        %get3A_868 = arith.constant 1 : i32
        %get3A_869 = arith.index_cast %get3A_868 : i32 to index
        %get3A_870 = arith.index_cast %scan3A_627 : i32 to index
        %get3A_871 = arith.constant 112 : index
        %get3A_872 = tpu.vector_load %arg9[%get3A_869, %get3A_870, %get3A_871] {strides = array<i32>} : memref<2x50x128xf32, #tpu.memory_space<vmem>>, vector<1x1x16xf32>,
        %get3A_873 = vector.shape_cast %get3A_872 : vector<1x1x16xf32> to vector<16xf32>
        %add3A_874 = arith.addf %get3A_873, %get3A_853 : vector<16xf32>
        %swap3A_875 = arith.constant 1 : i32
        %swap3A_876 = arith.index_cast %swap3A_875 : i32 to index
        %swap3A_877 = arith.index_cast %scan3A_627 : i32 to index
        %swap3A_878 = arith.constant 112 : index
        %swap3A_879 = tpu.vector_load %arg9[%swap3A_876, %swap3A_877, %swap3A_878] {strides = array<i32>} : memref<2x50x128xf32, #tpu.memory_space<vmem>>, vector<1x1x16xf32>,
        %swap3A_880 = vector.shape_cast %swap3A_879 : vector<1x1x16xf32> to vector<16xf32>
        %swap3A_881 = vector.shape_cast %add3A_874 : vector<16xf32> to vector<1x1x16xf32>
        tpu.vector_store %arg9[%swap3A_876, %swap3A_877, %swap3A_878], %swap3A_881 {strides = array<i32>} : memref<2x50x128xf32, #tpu.memory_space<vmem>>, vector<1x1x16xf32>,
      }
      %scan3A_617 = arith.constant 50 : i32
      %mul3A_618 = arith.constant 2 : i32
      %mul3A_619 = arith.muli %add3A_547, %mul3A_618 : i32
      %add3A_620 = arith.addi %mul3A_2, %mul3A_619 : i32
      %dma_start3A_621 = arith.constant 0 : i32
      %dma_start3A_622 = arith.constant 0 : i32
      %dma_start3A_623 = tpu.memref_slice %arg5[%add3A_620, %dma_start3A_621, %dma_start3A_622] : memref<4096x50x128xf32, #tpu.memory_space<hbm>> -> memref<2x50x128xf32, #tpu.memory_space<hbm>>
      %dma_start3A_624 = arith.constant 0 : i32
      %dma_start3A_625 = arith.constant 0 : i32
      %dma_start3A_626 = tpu.memref_slice %arg5[%add3A_620, %dma_start3A_624, %dma_start3A_625] : memref<4096x50x128xf32, #tpu.memory_space<hbm>> -> memref<2x50x128xf32, #tpu.memory_space<hbm>>
      tpu.enqueue_dma source(%arg9 : memref<2x50x128xf32, #tpu.memory_space<vmem>>) target(%dma_start3A_626 : memref<2x50x128xf32, #tpu.memory_space<hbm>>) target_semaphore(%arg17 : memref<!tpu.dma_semaphore, #tpu.memory_space<semaphore_mem>>)
    }
    %scan3A_177 = arith.constant 15 : i32
    %dma_wait3A_178 = arith.constant 0 : i32
    %dma_wait3A_179 = arith.constant 0 : i32
    %dma_wait3A_180 = arith.constant 0 : i32
    %dma_wait3A_181 = arith.constant 0 : i32
    %dma_wait3A_182 = tpu.memref_slice %arg10[%dma_wait3A_179, %dma_wait3A_180, %dma_wait3A_181] : memref<2x50x128xf32, #tpu.memory_space<vmem>> -> memref<1x50x128xf32, #tpu.memory_space<vmem>>
    %dma_wait3A_183 = tpu.memref_squeeze %dma_wait3A_182 : memref<1x50x128xf32, #tpu.memory_space<vmem>> -> memref<50x128xf32, #tpu.memory_space<vmem>>
    %dma_wait3A_184 = arith.constant 0 : i32
    %dma_wait3A_185 = tpu.memref_slice %arg6[%dma_wait3A_178, %dma_wait3A_184] : memref<128x50xi32, #tpu.memory_space<vmem>> -> memref<1x50xi32, #tpu.memory_space<vmem>>
    %dma_wait3A_186 = tpu.memref_squeeze %dma_wait3A_185 : memref<1x50xi32, #tpu.memory_space<vmem>> -> memref<50xi32, #tpu.memory_space<vmem>>
    %dma_wait3A_187 = arith.constant 0 : i32
    %dma_wait3A_188 = arith.constant 0 : i32
    %dma_wait3A_189 = tpu.memref_slice %arg3[%dma_wait3A_187, %dma_wait3A_188] : memref<100000x128xf32, #tpu.memory_space<hbm>> -> memref<100000x128xf32, #tpu.memory_space<hbm>>
    tpu.wait_indirect_dma semaphore(%arg14 : memref<!tpu.dma_semaphore, #tpu.memory_space<semaphore_mem>>) src(%dma_wait3A_189 : memref<100000x128xf32, #tpu.memory_space<hbm>>) dst(%dma_wait3A_183 : memref<50x128xf32, #tpu.memory_space<vmem>>)
    %dma_wait3A_190 = arith.constant 0 : i32
    %dma_wait3A_191 = arith.constant 0 : i32
    %dma_wait3A_192 = arith.constant 0 : i32
    %dma_wait3A_193 = arith.constant 0 : i32
    %dma_wait3A_194 = tpu.memref_slice %arg10[%dma_wait3A_191, %dma_wait3A_192, %dma_wait3A_193] : memref<2x50x128xf32, #tpu.memory_space<vmem>> -> memref<1x50x128xf32, #tpu.memory_space<vmem>>
    %dma_wait3A_195 = tpu.memref_squeeze %dma_wait3A_194 : memref<1x50x128xf32, #tpu.memory_space<vmem>> -> memref<50x128xf32, #tpu.memory_space<vmem>>
    %dma_wait3A_196 = arith.constant 0 : i32
    %dma_wait3A_197 = tpu.memref_slice %arg6[%dma_wait3A_190, %dma_wait3A_196] : memref<128x50xi32, #tpu.memory_space<vmem>> -> memref<1x50xi32, #tpu.memory_space<vmem>>
    %dma_wait3A_198 = tpu.memref_squeeze %dma_wait3A_197 : memref<1x50xi32, #tpu.memory_space<vmem>> -> memref<50xi32, #tpu.memory_space<vmem>>
    %dma_wait3A_199 = arith.constant 0 : i32
    %dma_wait3A_200 = arith.constant 0 : i32
    %dma_wait3A_201 = tpu.memref_slice %arg3[%dma_wait3A_199, %dma_wait3A_200] : memref<100000x128xf32, #tpu.memory_space<hbm>> -> memref<100000x128xf32, #tpu.memory_space<hbm>>
    tpu.wait_indirect_dma semaphore(%arg14 : memref<!tpu.dma_semaphore, #tpu.memory_space<semaphore_mem>>) src(%dma_wait3A_201 : memref<100000x128xf32, #tpu.memory_space<hbm>>) dst(%dma_wait3A_195 : memref<50x128xf32, #tpu.memory_space<vmem>>)
    %scan3A_202 = arith.constant 0 : i32
    %scan3A_203 = arith.constant 0 : i32
    %scan3A_204 = arith.constant 50 : i32
    %scan3A_205 = arith.addi %scan3A_203, %scan3A_204 : i32
    %scan3A_206 = arith.constant 1 : i32
    scf.for %scan3A_286 = %scan3A_203 to %scan3A_205 step %scan3A_206  : i32 {
      %get3A = arith.index_cast %scan3A_286 : i32 to index
      %get3A_287 = arith.constant 0 : index
      %get3A_288 = tpu.vector_load %arg7[%get3A, %get3A_287] {strides = array<i32>} : memref<50x128xf32, #tpu.memory_space<vmem>>, vector<1x16xf32>,
      %get3A_289 = vector.shape_cast %get3A_288 : vector<1x16xf32> to vector<16xf32>
      %get3A_290 = arith.constant 0 : i32
      %get3A_291 = arith.index_cast %get3A_290 : i32 to index
      %get3A_292 = arith.index_cast %scan3A_286 : i32 to index
      %get3A_293 = arith.constant 0 : index
      %get3A_294 = tpu.vector_load %arg10[%get3A_291, %get3A_292, %get3A_293] {strides = array<i32>} : memref<2x50x128xf32, #tpu.memory_space<vmem>>, vector<1x1x16xf32>,
      %get3A_295 = vector.shape_cast %get3A_294 : vector<1x1x16xf32> to vector<16xf32>
      %add3A_296 = arith.addf %get3A_295, %get3A_289 : vector<16xf32>
      %swap3A = arith.constant 0 : i32
      %swap3A_297 = arith.index_cast %swap3A : i32 to index
      %swap3A_298 = arith.index_cast %scan3A_286 : i32 to index
      %swap3A_299 = arith.constant 0 : index
      %swap3A_300 = tpu.vector_load %arg10[%swap3A_297, %swap3A_298, %swap3A_299] {strides = array<i32>} : memref<2x50x128xf32, #tpu.memory_space<vmem>>, vector<1x1x16xf32>,
      %swap3A_301 = vector.shape_cast %swap3A_300 : vector<1x1x16xf32> to vector<16xf32>
      %swap3A_302 = vector.shape_cast %add3A_296 : vector<16xf32> to vector<1x1x16xf32>
      tpu.vector_store %arg10[%swap3A_297, %swap3A_298, %swap3A_299], %swap3A_302 {strides = array<i32>} : memref<2x50x128xf32, #tpu.memory_space<vmem>>, vector<1x1x16xf32>,
      %get3A_303 = arith.constant 1 : i32
      %get3A_304 = arith.index_cast %get3A_303 : i32 to index
      %get3A_305 = arith.index_cast %scan3A_286 : i32 to index
      %get3A_306 = arith.constant 0 : index
      %get3A_307 = tpu.vector_load %arg10[%get3A_304, %get3A_305, %get3A_306] {strides = array<i32>} : memref<2x50x128xf32, #tpu.memory_space<vmem>>, vector<1x1x16xf32>,
      %get3A_308 = vector.shape_cast %get3A_307 : vector<1x1x16xf32> to vector<16xf32>
      %add3A_309 = arith.addf %get3A_308, %get3A_289 : vector<16xf32>
      %swap3A_310 = arith.constant 1 : i32
      %swap3A_311 = arith.index_cast %swap3A_310 : i32 to index
      %swap3A_312 = arith.index_cast %scan3A_286 : i32 to index
      %swap3A_313 = arith.constant 0 : index
      %swap3A_314 = tpu.vector_load %arg10[%swap3A_311, %swap3A_312, %swap3A_313] {strides = array<i32>} : memref<2x50x128xf32, #tpu.memory_space<vmem>>, vector<1x1x16xf32>,
      %swap3A_315 = vector.shape_cast %swap3A_314 : vector<1x1x16xf32> to vector<16xf32>
      %swap3A_316 = vector.shape_cast %add3A_309 : vector<16xf32> to vector<1x1x16xf32>
      tpu.vector_store %arg10[%swap3A_311, %swap3A_312, %swap3A_313], %swap3A_316 {strides = array<i32>} : memref<2x50x128xf32, #tpu.memory_space<vmem>>, vector<1x1x16xf32>,
      %get3A_317 = arith.index_cast %scan3A_286 : i32 to index
      %get3A_318 = arith.constant 16 : index
      %get3A_319 = tpu.vector_load %arg7[%get3A_317, %get3A_318] {strides = array<i32>} : memref<50x128xf32, #tpu.memory_space<vmem>>, vector<1x16xf32>,
      %get3A_320 = vector.shape_cast %get3A_319 : vector<1x16xf32> to vector<16xf32>
      %get3A_321 = arith.constant 0 : i32
      %get3A_322 = arith.index_cast %get3A_321 : i32 to index
      %get3A_323 = arith.index_cast %scan3A_286 : i32 to index
      %get3A_324 = arith.constant 16 : index
      %get3A_325 = tpu.vector_load %arg10[%get3A_322, %get3A_323, %get3A_324] {strides = array<i32>} : memref<2x50x128xf32, #tpu.memory_space<vmem>>, vector<1x1x16xf32>,
      %get3A_326 = vector.shape_cast %get3A_325 : vector<1x1x16xf32> to vector<16xf32>
      %add3A_327 = arith.addf %get3A_326, %get3A_320 : vector<16xf32>
      %swap3A_328 = arith.constant 0 : i32
      %swap3A_329 = arith.index_cast %swap3A_328 : i32 to index
      %swap3A_330 = arith.index_cast %scan3A_286 : i32 to index
      %swap3A_331 = arith.constant 16 : index
      %swap3A_332 = tpu.vector_load %arg10[%swap3A_329, %swap3A_330, %swap3A_331] {strides = array<i32>} : memref<2x50x128xf32, #tpu.memory_space<vmem>>, vector<1x1x16xf32>,
      %swap3A_333 = vector.shape_cast %swap3A_332 : vector<1x1x16xf32> to vector<16xf32>
      %swap3A_334 = vector.shape_cast %add3A_327 : vector<16xf32> to vector<1x1x16xf32>
      tpu.vector_store %arg10[%swap3A_329, %swap3A_330, %swap3A_331], %swap3A_334 {strides = array<i32>} : memref<2x50x128xf32, #tpu.memory_space<vmem>>, vector<1x1x16xf32>,
      %get3A_335 = arith.constant 1 : i32
      %get3A_336 = arith.index_cast %get3A_335 : i32 to index
      %get3A_337 = arith.index_cast %scan3A_286 : i32 to index
      %get3A_338 = arith.constant 16 : index
      %get3A_339 = tpu.vector_load %arg10[%get3A_336, %get3A_337, %get3A_338] {strides = array<i32>} : memref<2x50x128xf32, #tpu.memory_space<vmem>>, vector<1x1x16xf32>,
      %get3A_340 = vector.shape_cast %get3A_339 : vector<1x1x16xf32> to vector<16xf32>
      %add3A_341 = arith.addf %get3A_340, %get3A_320 : vector<16xf32>
      %swap3A_342 = arith.constant 1 : i32
      %swap3A_343 = arith.index_cast %swap3A_342 : i32 to index
      %swap3A_344 = arith.index_cast %scan3A_286 : i32 to index
      %swap3A_345 = arith.constant 16 : index
      %swap3A_346 = tpu.vector_load %arg10[%swap3A_343, %swap3A_344, %swap3A_345] {strides = array<i32>} : memref<2x50x128xf32, #tpu.memory_space<vmem>>, vector<1x1x16xf32>,
      %swap3A_347 = vector.shape_cast %swap3A_346 : vector<1x1x16xf32> to vector<16xf32>
      %swap3A_348 = vector.shape_cast %add3A_341 : vector<16xf32> to vector<1x1x16xf32>
      tpu.vector_store %arg10[%swap3A_343, %swap3A_344, %swap3A_345], %swap3A_348 {strides = array<i32>} : memref<2x50x128xf32, #tpu.memory_space<vmem>>, vector<1x1x16xf32>,
      %get3A_349 = arith.index_cast %scan3A_286 : i32 to index
      %get3A_350 = arith.constant 32 : index
      %get3A_351 = tpu.vector_load %arg7[%get3A_349, %get3A_350] {strides = array<i32>} : memref<50x128xf32, #tpu.memory_space<vmem>>, vector<1x16xf32>,
      %get3A_352 = vector.shape_cast %get3A_351 : vector<1x16xf32> to vector<16xf32>
      %get3A_353 = arith.constant 0 : i32
      %get3A_354 = arith.index_cast %get3A_353 : i32 to index
      %get3A_355 = arith.index_cast %scan3A_286 : i32 to index
      %get3A_356 = arith.constant 32 : index
      %get3A_357 = tpu.vector_load %arg10[%get3A_354, %get3A_355, %get3A_356] {strides = array<i32>} : memref<2x50x128xf32, #tpu.memory_space<vmem>>, vector<1x1x16xf32>,
      %get3A_358 = vector.shape_cast %get3A_357 : vector<1x1x16xf32> to vector<16xf32>
      %add3A_359 = arith.addf %get3A_358, %get3A_352 : vector<16xf32>
      %swap3A_360 = arith.constant 0 : i32
      %swap3A_361 = arith.index_cast %swap3A_360 : i32 to index
      %swap3A_362 = arith.index_cast %scan3A_286 : i32 to index
      %swap3A_363 = arith.constant 32 : index
      %swap3A_364 = tpu.vector_load %arg10[%swap3A_361, %swap3A_362, %swap3A_363] {strides = array<i32>} : memref<2x50x128xf32, #tpu.memory_space<vmem>>, vector<1x1x16xf32>,
      %swap3A_365 = vector.shape_cast %swap3A_364 : vector<1x1x16xf32> to vector<16xf32>
      %swap3A_366 = vector.shape_cast %add3A_359 : vector<16xf32> to vector<1x1x16xf32>
      tpu.vector_store %arg10[%swap3A_361, %swap3A_362, %swap3A_363], %swap3A_366 {strides = array<i32>} : memref<2x50x128xf32, #tpu.memory_space<vmem>>, vector<1x1x16xf32>,
      %get3A_367 = arith.constant 1 : i32
      %get3A_368 = arith.index_cast %get3A_367 : i32 to index
      %get3A_369 = arith.index_cast %scan3A_286 : i32 to index
      %get3A_370 = arith.constant 32 : index
      %get3A_371 = tpu.vector_load %arg10[%get3A_368, %get3A_369, %get3A_370] {strides = array<i32>} : memref<2x50x128xf32, #tpu.memory_space<vmem>>, vector<1x1x16xf32>,
      %get3A_372 = vector.shape_cast %get3A_371 : vector<1x1x16xf32> to vector<16xf32>
      %add3A_373 = arith.addf %get3A_372, %get3A_352 : vector<16xf32>
      %swap3A_374 = arith.constant 1 : i32
      %swap3A_375 = arith.index_cast %swap3A_374 : i32 to index
      %swap3A_376 = arith.index_cast %scan3A_286 : i32 to index
      %swap3A_377 = arith.constant 32 : index
      %swap3A_378 = tpu.vector_load %arg10[%swap3A_375, %swap3A_376, %swap3A_377] {strides = array<i32>} : memref<2x50x128xf32, #tpu.memory_space<vmem>>, vector<1x1x16xf32>,
      %swap3A_379 = vector.shape_cast %swap3A_378 : vector<1x1x16xf32> to vector<16xf32>
      %swap3A_380 = vector.shape_cast %add3A_373 : vector<16xf32> to vector<1x1x16xf32>
      tpu.vector_store %arg10[%swap3A_375, %swap3A_376, %swap3A_377], %swap3A_380 {strides = array<i32>} : memref<2x50x128xf32, #tpu.memory_space<vmem>>, vector<1x1x16xf32>,
      %get3A_381 = arith.index_cast %scan3A_286 : i32 to index
      %get3A_382 = arith.constant 48 : index
      %get3A_383 = tpu.vector_load %arg7[%get3A_381, %get3A_382] {strides = array<i32>} : memref<50x128xf32, #tpu.memory_space<vmem>>, vector<1x16xf32>,
      %get3A_384 = vector.shape_cast %get3A_383 : vector<1x16xf32> to vector<16xf32>
      %get3A_385 = arith.constant 0 : i32
      %get3A_386 = arith.index_cast %get3A_385 : i32 to index
      %get3A_387 = arith.index_cast %scan3A_286 : i32 to index
      %get3A_388 = arith.constant 48 : index
      %get3A_389 = tpu.vector_load %arg10[%get3A_386, %get3A_387, %get3A_388] {strides = array<i32>} : memref<2x50x128xf32, #tpu.memory_space<vmem>>, vector<1x1x16xf32>,
      %get3A_390 = vector.shape_cast %get3A_389 : vector<1x1x16xf32> to vector<16xf32>
      %add3A_391 = arith.addf %get3A_390, %get3A_384 : vector<16xf32>
      %swap3A_392 = arith.constant 0 : i32
      %swap3A_393 = arith.index_cast %swap3A_392 : i32 to index
      %swap3A_394 = arith.index_cast %scan3A_286 : i32 to index
      %swap3A_395 = arith.constant 48 : index
      %swap3A_396 = tpu.vector_load %arg10[%swap3A_393, %swap3A_394, %swap3A_395] {strides = array<i32>} : memref<2x50x128xf32, #tpu.memory_space<vmem>>, vector<1x1x16xf32>,
      %swap3A_397 = vector.shape_cast %swap3A_396 : vector<1x1x16xf32> to vector<16xf32>
      %swap3A_398 = vector.shape_cast %add3A_391 : vector<16xf32> to vector<1x1x16xf32>
      tpu.vector_store %arg10[%swap3A_393, %swap3A_394, %swap3A_395], %swap3A_398 {strides = array<i32>} : memref<2x50x128xf32, #tpu.memory_space<vmem>>, vector<1x1x16xf32>,
      %get3A_399 = arith.constant 1 : i32
      %get3A_400 = arith.index_cast %get3A_399 : i32 to index
      %get3A_401 = arith.index_cast %scan3A_286 : i32 to index
      %get3A_402 = arith.constant 48 : index
      %get3A_403 = tpu.vector_load %arg10[%get3A_400, %get3A_401, %get3A_402] {strides = array<i32>} : memref<2x50x128xf32, #tpu.memory_space<vmem>>, vector<1x1x16xf32>,
      %get3A_404 = vector.shape_cast %get3A_403 : vector<1x1x16xf32> to vector<16xf32>
      %add3A_405 = arith.addf %get3A_404, %get3A_384 : vector<16xf32>
      %swap3A_406 = arith.constant 1 : i32
      %swap3A_407 = arith.index_cast %swap3A_406 : i32 to index
      %swap3A_408 = arith.index_cast %scan3A_286 : i32 to index
      %swap3A_409 = arith.constant 48 : index
      %swap3A_410 = tpu.vector_load %arg10[%swap3A_407, %swap3A_408, %swap3A_409] {strides = array<i32>} : memref<2x50x128xf32, #tpu.memory_space<vmem>>, vector<1x1x16xf32>,
      %swap3A_411 = vector.shape_cast %swap3A_410 : vector<1x1x16xf32> to vector<16xf32>
      %swap3A_412 = vector.shape_cast %add3A_405 : vector<16xf32> to vector<1x1x16xf32>
      tpu.vector_store %arg10[%swap3A_407, %swap3A_408, %swap3A_409], %swap3A_412 {strides = array<i32>} : memref<2x50x128xf32, #tpu.memory_space<vmem>>, vector<1x1x16xf32>,
      %get3A_413 = arith.index_cast %scan3A_286 : i32 to index
      %get3A_414 = arith.constant 64 : index
      %get3A_415 = tpu.vector_load %arg7[%get3A_413, %get3A_414] {strides = array<i32>} : memref<50x128xf32, #tpu.memory_space<vmem>>, vector<1x16xf32>,
      %get3A_416 = vector.shape_cast %get3A_415 : vector<1x16xf32> to vector<16xf32>
      %get3A_417 = arith.constant 0 : i32
      %get3A_418 = arith.index_cast %get3A_417 : i32 to index
      %get3A_419 = arith.index_cast %scan3A_286 : i32 to index
      %get3A_420 = arith.constant 64 : index
      %get3A_421 = tpu.vector_load %arg10[%get3A_418, %get3A_419, %get3A_420] {strides = array<i32>} : memref<2x50x128xf32, #tpu.memory_space<vmem>>, vector<1x1x16xf32>,
      %get3A_422 = vector.shape_cast %get3A_421 : vector<1x1x16xf32> to vector<16xf32>
      %add3A_423 = arith.addf %get3A_422, %get3A_416 : vector<16xf32>
      %swap3A_424 = arith.constant 0 : i32
      %swap3A_425 = arith.index_cast %swap3A_424 : i32 to index
      %swap3A_426 = arith.index_cast %scan3A_286 : i32 to index
      %swap3A_427 = arith.constant 64 : index
      %swap3A_428 = tpu.vector_load %arg10[%swap3A_425, %swap3A_426, %swap3A_427] {strides = array<i32>} : memref<2x50x128xf32, #tpu.memory_space<vmem>>, vector<1x1x16xf32>,
      %swap3A_429 = vector.shape_cast %swap3A_428 : vector<1x1x16xf32> to vector<16xf32>
      %swap3A_430 = vector.shape_cast %add3A_423 : vector<16xf32> to vector<1x1x16xf32>
      tpu.vector_store %arg10[%swap3A_425, %swap3A_426, %swap3A_427], %swap3A_430 {strides = array<i32>} : memref<2x50x128xf32, #tpu.memory_space<vmem>>, vector<1x1x16xf32>,
      %get3A_431 = arith.constant 1 : i32
      %get3A_432 = arith.index_cast %get3A_431 : i32 to index
      %get3A_433 = arith.index_cast %scan3A_286 : i32 to index
      %get3A_434 = arith.constant 64 : index
      %get3A_435 = tpu.vector_load %arg10[%get3A_432, %get3A_433, %get3A_434] {strides = array<i32>} : memref<2x50x128xf32, #tpu.memory_space<vmem>>, vector<1x1x16xf32>,
      %get3A_436 = vector.shape_cast %get3A_435 : vector<1x1x16xf32> to vector<16xf32>
      %add3A_437 = arith.addf %get3A_436, %get3A_416 : vector<16xf32>
      %swap3A_438 = arith.constant 1 : i32
      %swap3A_439 = arith.index_cast %swap3A_438 : i32 to index
      %swap3A_440 = arith.index_cast %scan3A_286 : i32 to index
      %swap3A_441 = arith.constant 64 : index
      %swap3A_442 = tpu.vector_load %arg10[%swap3A_439, %swap3A_440, %swap3A_441] {strides = array<i32>} : memref<2x50x128xf32, #tpu.memory_space<vmem>>, vector<1x1x16xf32>,
      %swap3A_443 = vector.shape_cast %swap3A_442 : vector<1x1x16xf32> to vector<16xf32>
      %swap3A_444 = vector.shape_cast %add3A_437 : vector<16xf32> to vector<1x1x16xf32>
      tpu.vector_store %arg10[%swap3A_439, %swap3A_440, %swap3A_441], %swap3A_444 {strides = array<i32>} : memref<2x50x128xf32, #tpu.memory_space<vmem>>, vector<1x1x16xf32>,
      %get3A_445 = arith.index_cast %scan3A_286 : i32 to index
      %get3A_446 = arith.constant 80 : index
      %get3A_447 = tpu.vector_load %arg7[%get3A_445, %get3A_446] {strides = array<i32>} : memref<50x128xf32, #tpu.memory_space<vmem>>, vector<1x16xf32>,
      %get3A_448 = vector.shape_cast %get3A_447 : vector<1x16xf32> to vector<16xf32>
      %get3A_449 = arith.constant 0 : i32
      %get3A_450 = arith.index_cast %get3A_449 : i32 to index
      %get3A_451 = arith.index_cast %scan3A_286 : i32 to index
      %get3A_452 = arith.constant 80 : index
      %get3A_453 = tpu.vector_load %arg10[%get3A_450, %get3A_451, %get3A_452] {strides = array<i32>} : memref<2x50x128xf32, #tpu.memory_space<vmem>>, vector<1x1x16xf32>,
      %get3A_454 = vector.shape_cast %get3A_453 : vector<1x1x16xf32> to vector<16xf32>
      %add3A_455 = arith.addf %get3A_454, %get3A_448 : vector<16xf32>
      %swap3A_456 = arith.constant 0 : i32
      %swap3A_457 = arith.index_cast %swap3A_456 : i32 to index
      %swap3A_458 = arith.index_cast %scan3A_286 : i32 to index
      %swap3A_459 = arith.constant 80 : index
      %swap3A_460 = tpu.vector_load %arg10[%swap3A_457, %swap3A_458, %swap3A_459] {strides = array<i32>} : memref<2x50x128xf32, #tpu.memory_space<vmem>>, vector<1x1x16xf32>,
      %swap3A_461 = vector.shape_cast %swap3A_460 : vector<1x1x16xf32> to vector<16xf32>
      %swap3A_462 = vector.shape_cast %add3A_455 : vector<16xf32> to vector<1x1x16xf32>
      tpu.vector_store %arg10[%swap3A_457, %swap3A_458, %swap3A_459], %swap3A_462 {strides = array<i32>} : memref<2x50x128xf32, #tpu.memory_space<vmem>>, vector<1x1x16xf32>,
      %get3A_463 = arith.constant 1 : i32
      %get3A_464 = arith.index_cast %get3A_463 : i32 to index
      %get3A_465 = arith.index_cast %scan3A_286 : i32 to index
      %get3A_466 = arith.constant 80 : index
      %get3A_467 = tpu.vector_load %arg10[%get3A_464, %get3A_465, %get3A_466] {strides = array<i32>} : memref<2x50x128xf32, #tpu.memory_space<vmem>>, vector<1x1x16xf32>,
      %get3A_468 = vector.shape_cast %get3A_467 : vector<1x1x16xf32> to vector<16xf32>
      %add3A_469 = arith.addf %get3A_468, %get3A_448 : vector<16xf32>
      %swap3A_470 = arith.constant 1 : i32
      %swap3A_471 = arith.index_cast %swap3A_470 : i32 to index
      %swap3A_472 = arith.index_cast %scan3A_286 : i32 to index
      %swap3A_473 = arith.constant 80 : index
      %swap3A_474 = tpu.vector_load %arg10[%swap3A_471, %swap3A_472, %swap3A_473] {strides = array<i32>} : memref<2x50x128xf32, #tpu.memory_space<vmem>>, vector<1x1x16xf32>,
      %swap3A_475 = vector.shape_cast %swap3A_474 : vector<1x1x16xf32> to vector<16xf32>
      %swap3A_476 = vector.shape_cast %add3A_469 : vector<16xf32> to vector<1x1x16xf32>
      tpu.vector_store %arg10[%swap3A_471, %swap3A_472, %swap3A_473], %swap3A_476 {strides = array<i32>} : memref<2x50x128xf32, #tpu.memory_space<vmem>>, vector<1x1x16xf32>,
      %get3A_477 = arith.index_cast %scan3A_286 : i32 to index
      %get3A_478 = arith.constant 96 : index
      %get3A_479 = tpu.vector_load %arg7[%get3A_477, %get3A_478] {strides = array<i32>} : memref<50x128xf32, #tpu.memory_space<vmem>>, vector<1x16xf32>,
      %get3A_480 = vector.shape_cast %get3A_479 : vector<1x16xf32> to vector<16xf32>
      %get3A_481 = arith.constant 0 : i32
      %get3A_482 = arith.index_cast %get3A_481 : i32 to index
      %get3A_483 = arith.index_cast %scan3A_286 : i32 to index
      %get3A_484 = arith.constant 96 : index
      %get3A_485 = tpu.vector_load %arg10[%get3A_482, %get3A_483, %get3A_484] {strides = array<i32>} : memref<2x50x128xf32, #tpu.memory_space<vmem>>, vector<1x1x16xf32>,
      %get3A_486 = vector.shape_cast %get3A_485 : vector<1x1x16xf32> to vector<16xf32>
      %add3A_487 = arith.addf %get3A_486, %get3A_480 : vector<16xf32>
      %swap3A_488 = arith.constant 0 : i32
      %swap3A_489 = arith.index_cast %swap3A_488 : i32 to index
      %swap3A_490 = arith.index_cast %scan3A_286 : i32 to index
      %swap3A_491 = arith.constant 96 : index
      %swap3A_492 = tpu.vector_load %arg10[%swap3A_489, %swap3A_490, %swap3A_491] {strides = array<i32>} : memref<2x50x128xf32, #tpu.memory_space<vmem>>, vector<1x1x16xf32>,
      %swap3A_493 = vector.shape_cast %swap3A_492 : vector<1x1x16xf32> to vector<16xf32>
      %swap3A_494 = vector.shape_cast %add3A_487 : vector<16xf32> to vector<1x1x16xf32>
      tpu.vector_store %arg10[%swap3A_489, %swap3A_490, %swap3A_491], %swap3A_494 {strides = array<i32>} : memref<2x50x128xf32, #tpu.memory_space<vmem>>, vector<1x1x16xf32>,
      %get3A_495 = arith.constant 1 : i32
      %get3A_496 = arith.index_cast %get3A_495 : i32 to index
      %get3A_497 = arith.index_cast %scan3A_286 : i32 to index
      %get3A_498 = arith.constant 96 : index
      %get3A_499 = tpu.vector_load %arg10[%get3A_496, %get3A_497, %get3A_498] {strides = array<i32>} : memref<2x50x128xf32, #tpu.memory_space<vmem>>, vector<1x1x16xf32>,
      %get3A_500 = vector.shape_cast %get3A_499 : vector<1x1x16xf32> to vector<16xf32>
      %add3A_501 = arith.addf %get3A_500, %get3A_480 : vector<16xf32>
      %swap3A_502 = arith.constant 1 : i32
      %swap3A_503 = arith.index_cast %swap3A_502 : i32 to index
      %swap3A_504 = arith.index_cast %scan3A_286 : i32 to index
      %swap3A_505 = arith.constant 96 : index
      %swap3A_506 = tpu.vector_load %arg10[%swap3A_503, %swap3A_504, %swap3A_505] {strides = array<i32>} : memref<2x50x128xf32, #tpu.memory_space<vmem>>, vector<1x1x16xf32>,
      %swap3A_507 = vector.shape_cast %swap3A_506 : vector<1x1x16xf32> to vector<16xf32>
      %swap3A_508 = vector.shape_cast %add3A_501 : vector<16xf32> to vector<1x1x16xf32>
      tpu.vector_store %arg10[%swap3A_503, %swap3A_504, %swap3A_505], %swap3A_508 {strides = array<i32>} : memref<2x50x128xf32, #tpu.memory_space<vmem>>, vector<1x1x16xf32>,
      %get3A_509 = arith.index_cast %scan3A_286 : i32 to index
      %get3A_510 = arith.constant 112 : index
      %get3A_511 = tpu.vector_load %arg7[%get3A_509, %get3A_510] {strides = array<i32>} : memref<50x128xf32, #tpu.memory_space<vmem>>, vector<1x16xf32>,
      %get3A_512 = vector.shape_cast %get3A_511 : vector<1x16xf32> to vector<16xf32>
      %get3A_513 = arith.constant 0 : i32
      %get3A_514 = arith.index_cast %get3A_513 : i32 to index
      %get3A_515 = arith.index_cast %scan3A_286 : i32 to index
      %get3A_516 = arith.constant 112 : index
      %get3A_517 = tpu.vector_load %arg10[%get3A_514, %get3A_515, %get3A_516] {strides = array<i32>} : memref<2x50x128xf32, #tpu.memory_space<vmem>>, vector<1x1x16xf32>,
      %get3A_518 = vector.shape_cast %get3A_517 : vector<1x1x16xf32> to vector<16xf32>
      %add3A_519 = arith.addf %get3A_518, %get3A_512 : vector<16xf32>
      %swap3A_520 = arith.constant 0 : i32
      %swap3A_521 = arith.index_cast %swap3A_520 : i32 to index
      %swap3A_522 = arith.index_cast %scan3A_286 : i32 to index
      %swap3A_523 = arith.constant 112 : index
      %swap3A_524 = tpu.vector_load %arg10[%swap3A_521, %swap3A_522, %swap3A_523] {strides = array<i32>} : memref<2x50x128xf32, #tpu.memory_space<vmem>>, vector<1x1x16xf32>,
      %swap3A_525 = vector.shape_cast %swap3A_524 : vector<1x1x16xf32> to vector<16xf32>
      %swap3A_526 = vector.shape_cast %add3A_519 : vector<16xf32> to vector<1x1x16xf32>
      tpu.vector_store %arg10[%swap3A_521, %swap3A_522, %swap3A_523], %swap3A_526 {strides = array<i32>} : memref<2x50x128xf32, #tpu.memory_space<vmem>>, vector<1x1x16xf32>,
      %get3A_527 = arith.constant 1 : i32
      %get3A_528 = arith.index_cast %get3A_527 : i32 to index
      %get3A_529 = arith.index_cast %scan3A_286 : i32 to index
      %get3A_530 = arith.constant 112 : index
      %get3A_531 = tpu.vector_load %arg10[%get3A_528, %get3A_529, %get3A_530] {strides = array<i32>} : memref<2x50x128xf32, #tpu.memory_space<vmem>>, vector<1x1x16xf32>,
      %get3A_532 = vector.shape_cast %get3A_531 : vector<1x1x16xf32> to vector<16xf32>
      %add3A_533 = arith.addf %get3A_532, %get3A_512 : vector<16xf32>
      %swap3A_534 = arith.constant 1 : i32
      %swap3A_535 = arith.index_cast %swap3A_534 : i32 to index
      %swap3A_536 = arith.index_cast %scan3A_286 : i32 to index
      %swap3A_537 = arith.constant 112 : index
      %swap3A_538 = tpu.vector_load %arg10[%swap3A_535, %swap3A_536, %swap3A_537] {strides = array<i32>} : memref<2x50x128xf32, #tpu.memory_space<vmem>>, vector<1x1x16xf32>,
      %swap3A_539 = vector.shape_cast %swap3A_538 : vector<1x1x16xf32> to vector<16xf32>
      %swap3A_540 = vector.shape_cast %add3A_533 : vector<16xf32> to vector<1x1x16xf32>
      tpu.vector_store %arg10[%swap3A_535, %swap3A_536, %swap3A_537], %swap3A_540 {strides = array<i32>} : memref<2x50x128xf32, #tpu.memory_space<vmem>>, vector<1x1x16xf32>,
    }
    %scan3A_207 = arith.constant 50 : i32
    %add3A_208 = arith.constant 124 : i32
    %add3A_209 = arith.addi %mul3A_2, %add3A_208 : i32
    %dma_start3A_210 = arith.constant 0 : i32
    %dma_start3A_211 = arith.constant 0 : i32
    %dma_start3A_212 = tpu.memref_slice %arg5[%add3A_209, %dma_start3A_210, %dma_start3A_211] : memref<4096x50x128xf32, #tpu.memory_space<hbm>> -> memref<2x50x128xf32, #tpu.memory_space<hbm>>
    %dma_start3A_213 = arith.constant 0 : i32
    %dma_start3A_214 = arith.constant 0 : i32
    %dma_start3A_215 = tpu.memref_slice %arg5[%add3A_209, %dma_start3A_213, %dma_start3A_214] : memref<4096x50x128xf32, #tpu.memory_space<hbm>> -> memref<2x50x128xf32, #tpu.memory_space<hbm>>
    tpu.enqueue_dma source(%arg10 : memref<2x50x128xf32, #tpu.memory_space<vmem>>) target(%dma_start3A_215 : memref<2x50x128xf32, #tpu.memory_space<hbm>>) target_semaphore(%arg18 : memref<!tpu.dma_semaphore, #tpu.memory_space<semaphore_mem>>)
    %dma_wait3A_216 = arith.constant 0 : i32
    %dma_wait3A_217 = arith.constant 0 : i32
    %dma_wait3A_218 = arith.constant 0 : i32
    %dma_wait3A_219 = arith.constant 0 : i32
    %dma_wait3A_220 = tpu.memref_slice %arg11[%dma_wait3A_217, %dma_wait3A_218, %dma_wait3A_219] : memref<2x50x128xf32, #tpu.memory_space<vmem>> -> memref<1x50x128xf32, #tpu.memory_space<vmem>>
    %dma_wait3A_221 = tpu.memref_squeeze %dma_wait3A_220 : memref<1x50x128xf32, #tpu.memory_space<vmem>> -> memref<50x128xf32, #tpu.memory_space<vmem>>
    %dma_wait3A_222 = arith.constant 0 : i32
    %dma_wait3A_223 = tpu.memref_slice %arg6[%dma_wait3A_216, %dma_wait3A_222] : memref<128x50xi32, #tpu.memory_space<vmem>> -> memref<1x50xi32, #tpu.memory_space<vmem>>
    %dma_wait3A_224 = tpu.memref_squeeze %dma_wait3A_223 : memref<1x50xi32, #tpu.memory_space<vmem>> -> memref<50xi32, #tpu.memory_space<vmem>>
    %dma_wait3A_225 = arith.constant 0 : i32
    %dma_wait3A_226 = arith.constant 0 : i32
    %dma_wait3A_227 = tpu.memref_slice %arg3[%dma_wait3A_225, %dma_wait3A_226] : memref<100000x128xf32, #tpu.memory_space<hbm>> -> memref<100000x128xf32, #tpu.memory_space<hbm>>
    tpu.wait_indirect_dma semaphore(%arg15 : memref<!tpu.dma_semaphore, #tpu.memory_space<semaphore_mem>>) src(%dma_wait3A_227 : memref<100000x128xf32, #tpu.memory_space<hbm>>) dst(%dma_wait3A_221 : memref<50x128xf32, #tpu.memory_space<vmem>>)
    %dma_wait3A_228 = arith.constant 0 : i32
    %dma_wait3A_229 = arith.constant 0 : i32
    %dma_wait3A_230 = arith.constant 0 : i32
    %dma_wait3A_231 = arith.constant 0 : i32
    %dma_wait3A_232 = tpu.memref_slice %arg11[%dma_wait3A_229, %dma_wait3A_230, %dma_wait3A_231] : memref<2x50x128xf32, #tpu.memory_space<vmem>> -> memref<1x50x128xf32, #tpu.memory_space<vmem>>
    %dma_wait3A_233 = tpu.memref_squeeze %dma_wait3A_232 : memref<1x50x128xf32, #tpu.memory_space<vmem>> -> memref<50x128xf32, #tpu.memory_space<vmem>>
    %dma_wait3A_234 = arith.constant 0 : i32
    %dma_wait3A_235 = tpu.memref_slice %arg6[%dma_wait3A_228, %dma_wait3A_234] : memref<128x50xi32, #tpu.memory_space<vmem>> -> memref<1x50xi32, #tpu.memory_space<vmem>>
    %dma_wait3A_236 = tpu.memref_squeeze %dma_wait3A_235 : memref<1x50xi32, #tpu.memory_space<vmem>> -> memref<50xi32, #tpu.memory_space<vmem>>
    %dma_wait3A_237 = arith.constant 0 : i32
    %dma_wait3A_238 = arith.constant 0 : i32
    %dma_wait3A_239 = tpu.memref_slice %arg3[%dma_wait3A_237, %dma_wait3A_238] : memref<100000x128xf32, #tpu.memory_space<hbm>> -> memref<100000x128xf32, #tpu.memory_space<hbm>>
    tpu.wait_indirect_dma semaphore(%arg15 : memref<!tpu.dma_semaphore, #tpu.memory_space<semaphore_mem>>) src(%dma_wait3A_239 : memref<100000x128xf32, #tpu.memory_space<hbm>>) dst(%dma_wait3A_233 : memref<50x128xf32, #tpu.memory_space<vmem>>)
    %scan3A_240 = arith.constant 0 : i32
    %scan3A_241 = arith.constant 0 : i32
    %scan3A_242 = arith.constant 50 : i32
    %scan3A_243 = arith.addi %scan3A_241, %scan3A_242 : i32
    %scan3A_244 = arith.constant 1 : i32
    scf.for %scan3A_286 = %scan3A_241 to %scan3A_243 step %scan3A_244  : i32 {
      %get3A = arith.index_cast %scan3A_286 : i32 to index
      %get3A_287 = arith.constant 0 : index
      %get3A_288 = tpu.vector_load %arg7[%get3A, %get3A_287] {strides = array<i32>} : memref<50x128xf32, #tpu.memory_space<vmem>>, vector<1x16xf32>,
      %get3A_289 = vector.shape_cast %get3A_288 : vector<1x16xf32> to vector<16xf32>
      %get3A_290 = arith.constant 0 : i32
      %get3A_291 = arith.index_cast %get3A_290 : i32 to index
      %get3A_292 = arith.index_cast %scan3A_286 : i32 to index
      %get3A_293 = arith.constant 0 : index
      %get3A_294 = tpu.vector_load %arg11[%get3A_291, %get3A_292, %get3A_293] {strides = array<i32>} : memref<2x50x128xf32, #tpu.memory_space<vmem>>, vector<1x1x16xf32>,
      %get3A_295 = vector.shape_cast %get3A_294 : vector<1x1x16xf32> to vector<16xf32>
      %add3A_296 = arith.addf %get3A_295, %get3A_289 : vector<16xf32>
      %swap3A = arith.constant 0 : i32
      %swap3A_297 = arith.index_cast %swap3A : i32 to index
      %swap3A_298 = arith.index_cast %scan3A_286 : i32 to index
      %swap3A_299 = arith.constant 0 : index
      %swap3A_300 = tpu.vector_load %arg11[%swap3A_297, %swap3A_298, %swap3A_299] {strides = array<i32>} : memref<2x50x128xf32, #tpu.memory_space<vmem>>, vector<1x1x16xf32>,
      %swap3A_301 = vector.shape_cast %swap3A_300 : vector<1x1x16xf32> to vector<16xf32>
      %swap3A_302 = vector.shape_cast %add3A_296 : vector<16xf32> to vector<1x1x16xf32>
      tpu.vector_store %arg11[%swap3A_297, %swap3A_298, %swap3A_299], %swap3A_302 {strides = array<i32>} : memref<2x50x128xf32, #tpu.memory_space<vmem>>, vector<1x1x16xf32>,
      %get3A_303 = arith.constant 1 : i32
      %get3A_304 = arith.index_cast %get3A_303 : i32 to index
      %get3A_305 = arith.index_cast %scan3A_286 : i32 to index
      %get3A_306 = arith.constant 0 : index
      %get3A_307 = tpu.vector_load %arg11[%get3A_304, %get3A_305, %get3A_306] {strides = array<i32>} : memref<2x50x128xf32, #tpu.memory_space<vmem>>, vector<1x1x16xf32>,
      %get3A_308 = vector.shape_cast %get3A_307 : vector<1x1x16xf32> to vector<16xf32>
      %add3A_309 = arith.addf %get3A_308, %get3A_289 : vector<16xf32>
      %swap3A_310 = arith.constant 1 : i32
      %swap3A_311 = arith.index_cast %swap3A_310 : i32 to index
      %swap3A_312 = arith.index_cast %scan3A_286 : i32 to index
      %swap3A_313 = arith.constant 0 : index
      %swap3A_314 = tpu.vector_load %arg11[%swap3A_311, %swap3A_312, %swap3A_313] {strides = array<i32>} : memref<2x50x128xf32, #tpu.memory_space<vmem>>, vector<1x1x16xf32>,
      %swap3A_315 = vector.shape_cast %swap3A_314 : vector<1x1x16xf32> to vector<16xf32>
      %swap3A_316 = vector.shape_cast %add3A_309 : vector<16xf32> to vector<1x1x16xf32>
      tpu.vector_store %arg11[%swap3A_311, %swap3A_312, %swap3A_313], %swap3A_316 {strides = array<i32>} : memref<2x50x128xf32, #tpu.memory_space<vmem>>, vector<1x1x16xf32>,
      %get3A_317 = arith.index_cast %scan3A_286 : i32 to index
      %get3A_318 = arith.constant 16 : index
      %get3A_319 = tpu.vector_load %arg7[%get3A_317, %get3A_318] {strides = array<i32>} : memref<50x128xf32, #tpu.memory_space<vmem>>, vector<1x16xf32>,
      %get3A_320 = vector.shape_cast %get3A_319 : vector<1x16xf32> to vector<16xf32>
      %get3A_321 = arith.constant 0 : i32
      %get3A_322 = arith.index_cast %get3A_321 : i32 to index
      %get3A_323 = arith.index_cast %scan3A_286 : i32 to index
      %get3A_324 = arith.constant 16 : index
      %get3A_325 = tpu.vector_load %arg11[%get3A_322, %get3A_323, %get3A_324] {strides = array<i32>} : memref<2x50x128xf32, #tpu.memory_space<vmem>>, vector<1x1x16xf32>,
      %get3A_326 = vector.shape_cast %get3A_325 : vector<1x1x16xf32> to vector<16xf32>
      %add3A_327 = arith.addf %get3A_326, %get3A_320 : vector<16xf32>
      %swap3A_328 = arith.constant 0 : i32
      %swap3A_329 = arith.index_cast %swap3A_328 : i32 to index
      %swap3A_330 = arith.index_cast %scan3A_286 : i32 to index
      %swap3A_331 = arith.constant 16 : index
      %swap3A_332 = tpu.vector_load %arg11[%swap3A_329, %swap3A_330, %swap3A_331] {strides = array<i32>} : memref<2x50x128xf32, #tpu.memory_space<vmem>>, vector<1x1x16xf32>,
      %swap3A_333 = vector.shape_cast %swap3A_332 : vector<1x1x16xf32> to vector<16xf32>
      %swap3A_334 = vector.shape_cast %add3A_327 : vector<16xf32> to vector<1x1x16xf32>
      tpu.vector_store %arg11[%swap3A_329, %swap3A_330, %swap3A_331], %swap3A_334 {strides = array<i32>} : memref<2x50x128xf32, #tpu.memory_space<vmem>>, vector<1x1x16xf32>,
      %get3A_335 = arith.constant 1 : i32
      %get3A_336 = arith.index_cast %get3A_335 : i32 to index
      %get3A_337 = arith.index_cast %scan3A_286 : i32 to index
      %get3A_338 = arith.constant 16 : index
      %get3A_339 = tpu.vector_load %arg11[%get3A_336, %get3A_337, %get3A_338] {strides = array<i32>} : memref<2x50x128xf32, #tpu.memory_space<vmem>>, vector<1x1x16xf32>,
      %get3A_340 = vector.shape_cast %get3A_339 : vector<1x1x16xf32> to vector<16xf32>
      %add3A_341 = arith.addf %get3A_340, %get3A_320 : vector<16xf32>
      %swap3A_342 = arith.constant 1 : i32
      %swap3A_343 = arith.index_cast %swap3A_342 : i32 to index
      %swap3A_344 = arith.index_cast %scan3A_286 : i32 to index
      %swap3A_345 = arith.constant 16 : index
      %swap3A_346 = tpu.vector_load %arg11[%swap3A_343, %swap3A_344, %swap3A_345] {strides = array<i32>} : memref<2x50x128xf32, #tpu.memory_space<vmem>>, vector<1x1x16xf32>,
      %swap3A_347 = vector.shape_cast %swap3A_346 : vector<1x1x16xf32> to vector<16xf32>
      %swap3A_348 = vector.shape_cast %add3A_341 : vector<16xf32> to vector<1x1x16xf32>
      tpu.vector_store %arg11[%swap3A_343, %swap3A_344, %swap3A_345], %swap3A_348 {strides = array<i32>} : memref<2x50x128xf32, #tpu.memory_space<vmem>>, vector<1x1x16xf32>,
      %get3A_349 = arith.index_cast %scan3A_286 : i32 to index
      %get3A_350 = arith.constant 32 : index
      %get3A_351 = tpu.vector_load %arg7[%get3A_349, %get3A_350] {strides = array<i32>} : memref<50x128xf32, #tpu.memory_space<vmem>>, vector<1x16xf32>,
      %get3A_352 = vector.shape_cast %get3A_351 : vector<1x16xf32> to vector<16xf32>
      %get3A_353 = arith.constant 0 : i32
      %get3A_354 = arith.index_cast %get3A_353 : i32 to index
      %get3A_355 = arith.index_cast %scan3A_286 : i32 to index
      %get3A_356 = arith.constant 32 : index
      %get3A_357 = tpu.vector_load %arg11[%get3A_354, %get3A_355, %get3A_356] {strides = array<i32>} : memref<2x50x128xf32, #tpu.memory_space<vmem>>, vector<1x1x16xf32>,
      %get3A_358 = vector.shape_cast %get3A_357 : vector<1x1x16xf32> to vector<16xf32>
      %add3A_359 = arith.addf %get3A_358, %get3A_352 : vector<16xf32>
      %swap3A_360 = arith.constant 0 : i32
      %swap3A_361 = arith.index_cast %swap3A_360 : i32 to index
      %swap3A_362 = arith.index_cast %scan3A_286 : i32 to index
      %swap3A_363 = arith.constant 32 : index
      %swap3A_364 = tpu.vector_load %arg11[%swap3A_361, %swap3A_362, %swap3A_363] {strides = array<i32>} : memref<2x50x128xf32, #tpu.memory_space<vmem>>, vector<1x1x16xf32>,
      %swap3A_365 = vector.shape_cast %swap3A_364 : vector<1x1x16xf32> to vector<16xf32>
      %swap3A_366 = vector.shape_cast %add3A_359 : vector<16xf32> to vector<1x1x16xf32>
      tpu.vector_store %arg11[%swap3A_361, %swap3A_362, %swap3A_363], %swap3A_366 {strides = array<i32>} : memref<2x50x128xf32, #tpu.memory_space<vmem>>, vector<1x1x16xf32>,
      %get3A_367 = arith.constant 1 : i32
      %get3A_368 = arith.index_cast %get3A_367 : i32 to index
      %get3A_369 = arith.index_cast %scan3A_286 : i32 to index
      %get3A_370 = arith.constant 32 : index
      %get3A_371 = tpu.vector_load %arg11[%get3A_368, %get3A_369, %get3A_370] {strides = array<i32>} : memref<2x50x128xf32, #tpu.memory_space<vmem>>, vector<1x1x16xf32>,
      %get3A_372 = vector.shape_cast %get3A_371 : vector<1x1x16xf32> to vector<16xf32>
      %add3A_373 = arith.addf %get3A_372, %get3A_352 : vector<16xf32>
      %swap3A_374 = arith.constant 1 : i32
      %swap3A_375 = arith.index_cast %swap3A_374 : i32 to index
      %swap3A_376 = arith.index_cast %scan3A_286 : i32 to index
      %swap3A_377 = arith.constant 32 : index
      %swap3A_378 = tpu.vector_load %arg11[%swap3A_375, %swap3A_376, %swap3A_377] {strides = array<i32>} : memref<2x50x128xf32, #tpu.memory_space<vmem>>, vector<1x1x16xf32>,
      %swap3A_379 = vector.shape_cast %swap3A_378 : vector<1x1x16xf32> to vector<16xf32>
      %swap3A_380 = vector.shape_cast %add3A_373 : vector<16xf32> to vector<1x1x16xf32>
      tpu.vector_store %arg11[%swap3A_375, %swap3A_376, %swap3A_377], %swap3A_380 {strides = array<i32>} : memref<2x50x128xf32, #tpu.memory_space<vmem>>, vector<1x1x16xf32>,
      %get3A_381 = arith.index_cast %scan3A_286 : i32 to index
      %get3A_382 = arith.constant 48 : index
      %get3A_383 = tpu.vector_load %arg7[%get3A_381, %get3A_382] {strides = array<i32>} : memref<50x128xf32, #tpu.memory_space<vmem>>, vector<1x16xf32>,
      %get3A_384 = vector.shape_cast %get3A_383 : vector<1x16xf32> to vector<16xf32>
      %get3A_385 = arith.constant 0 : i32
      %get3A_386 = arith.index_cast %get3A_385 : i32 to index
      %get3A_387 = arith.index_cast %scan3A_286 : i32 to index
      %get3A_388 = arith.constant 48 : index
      %get3A_389 = tpu.vector_load %arg11[%get3A_386, %get3A_387, %get3A_388] {strides = array<i32>} : memref<2x50x128xf32, #tpu.memory_space<vmem>>, vector<1x1x16xf32>,
      %get3A_390 = vector.shape_cast %get3A_389 : vector<1x1x16xf32> to vector<16xf32>
      %add3A_391 = arith.addf %get3A_390, %get3A_384 : vector<16xf32>
      %swap3A_392 = arith.constant 0 : i32
      %swap3A_393 = arith.index_cast %swap3A_392 : i32 to index
      %swap3A_394 = arith.index_cast %scan3A_286 : i32 to index
      %swap3A_395 = arith.constant 48 : index
      %swap3A_396 = tpu.vector_load %arg11[%swap3A_393, %swap3A_394, %swap3A_395] {strides = array<i32>} : memref<2x50x128xf32, #tpu.memory_space<vmem>>, vector<1x1x16xf32>,
      %swap3A_397 = vector.shape_cast %swap3A_396 : vector<1x1x16xf32> to vector<16xf32>
      %swap3A_398 = vector.shape_cast %add3A_391 : vector<16xf32> to vector<1x1x16xf32>
      tpu.vector_store %arg11[%swap3A_393, %swap3A_394, %swap3A_395], %swap3A_398 {strides = array<i32>} : memref<2x50x128xf32, #tpu.memory_space<vmem>>, vector<1x1x16xf32>,
      %get3A_399 = arith.constant 1 : i32
      %get3A_400 = arith.index_cast %get3A_399 : i32 to index
      %get3A_401 = arith.index_cast %scan3A_286 : i32 to index
      %get3A_402 = arith.constant 48 : index
      %get3A_403 = tpu.vector_load %arg11[%get3A_400, %get3A_401, %get3A_402] {strides = array<i32>} : memref<2x50x128xf32, #tpu.memory_space<vmem>>, vector<1x1x16xf32>,
      %get3A_404 = vector.shape_cast %get3A_403 : vector<1x1x16xf32> to vector<16xf32>
      %add3A_405 = arith.addf %get3A_404, %get3A_384 : vector<16xf32>
      %swap3A_406 = arith.constant 1 : i32
      %swap3A_407 = arith.index_cast %swap3A_406 : i32 to index
      %swap3A_408 = arith.index_cast %scan3A_286 : i32 to index
      %swap3A_409 = arith.constant 48 : index
      %swap3A_410 = tpu.vector_load %arg11[%swap3A_407, %swap3A_408, %swap3A_409] {strides = array<i32>} : memref<2x50x128xf32, #tpu.memory_space<vmem>>, vector<1x1x16xf32>,
      %swap3A_411 = vector.shape_cast %swap3A_410 : vector<1x1x16xf32> to vector<16xf32>
      %swap3A_412 = vector.shape_cast %add3A_405 : vector<16xf32> to vector<1x1x16xf32>
      tpu.vector_store %arg11[%swap3A_407, %swap3A_408, %swap3A_409], %swap3A_412 {strides = array<i32>} : memref<2x50x128xf32, #tpu.memory_space<vmem>>, vector<1x1x16xf32>,
      %get3A_413 = arith.index_cast %scan3A_286 : i32 to index
      %get3A_414 = arith.constant 64 : index
      %get3A_415 = tpu.vector_load %arg7[%get3A_413, %get3A_414] {strides = array<i32>} : memref<50x128xf32, #tpu.memory_space<vmem>>, vector<1x16xf32>,
      %get3A_416 = vector.shape_cast %get3A_415 : vector<1x16xf32> to vector<16xf32>
      %get3A_417 = arith.constant 0 : i32
      %get3A_418 = arith.index_cast %get3A_417 : i32 to index
      %get3A_419 = arith.index_cast %scan3A_286 : i32 to index
      %get3A_420 = arith.constant 64 : index
      %get3A_421 = tpu.vector_load %arg11[%get3A_418, %get3A_419, %get3A_420] {strides = array<i32>} : memref<2x50x128xf32, #tpu.memory_space<vmem>>, vector<1x1x16xf32>,
      %get3A_422 = vector.shape_cast %get3A_421 : vector<1x1x16xf32> to vector<16xf32>
      %add3A_423 = arith.addf %get3A_422, %get3A_416 : vector<16xf32>
      %swap3A_424 = arith.constant 0 : i32
      %swap3A_425 = arith.index_cast %swap3A_424 : i32 to index
      %swap3A_426 = arith.index_cast %scan3A_286 : i32 to index
      %swap3A_427 = arith.constant 64 : index
      %swap3A_428 = tpu.vector_load %arg11[%swap3A_425, %swap3A_426, %swap3A_427] {strides = array<i32>} : memref<2x50x128xf32, #tpu.memory_space<vmem>>, vector<1x1x16xf32>,
      %swap3A_429 = vector.shape_cast %swap3A_428 : vector<1x1x16xf32> to vector<16xf32>
      %swap3A_430 = vector.shape_cast %add3A_423 : vector<16xf32> to vector<1x1x16xf32>
      tpu.vector_store %arg11[%swap3A_425, %swap3A_426, %swap3A_427], %swap3A_430 {strides = array<i32>} : memref<2x50x128xf32, #tpu.memory_space<vmem>>, vector<1x1x16xf32>,
      %get3A_431 = arith.constant 1 : i32
      %get3A_432 = arith.index_cast %get3A_431 : i32 to index
      %get3A_433 = arith.index_cast %scan3A_286 : i32 to index
      %get3A_434 = arith.constant 64 : index
      %get3A_435 = tpu.vector_load %arg11[%get3A_432, %get3A_433, %get3A_434] {strides = array<i32>} : memref<2x50x128xf32, #tpu.memory_space<vmem>>, vector<1x1x16xf32>,
      %get3A_436 = vector.shape_cast %get3A_435 : vector<1x1x16xf32> to vector<16xf32>
      %add3A_437 = arith.addf %get3A_436, %get3A_416 : vector<16xf32>
      %swap3A_438 = arith.constant 1 : i32
      %swap3A_439 = arith.index_cast %swap3A_438 : i32 to index
      %swap3A_440 = arith.index_cast %scan3A_286 : i32 to index
      %swap3A_441 = arith.constant 64 : index
      %swap3A_442 = tpu.vector_load %arg11[%swap3A_439, %swap3A_440, %swap3A_441] {strides = array<i32>} : memref<2x50x128xf32, #tpu.memory_space<vmem>>, vector<1x1x16xf32>,
      %swap3A_443 = vector.shape_cast %swap3A_442 : vector<1x1x16xf32> to vector<16xf32>
      %swap3A_444 = vector.shape_cast %add3A_437 : vector<16xf32> to vector<1x1x16xf32>
      tpu.vector_store %arg11[%swap3A_439, %swap3A_440, %swap3A_441], %swap3A_444 {strides = array<i32>} : memref<2x50x128xf32, #tpu.memory_space<vmem>>, vector<1x1x16xf32>,
      %get3A_445 = arith.index_cast %scan3A_286 : i32 to index
      %get3A_446 = arith.constant 80 : index
      %get3A_447 = tpu.vector_load %arg7[%get3A_445, %get3A_446] {strides = array<i32>} : memref<50x128xf32, #tpu.memory_space<vmem>>, vector<1x16xf32>,
      %get3A_448 = vector.shape_cast %get3A_447 : vector<1x16xf32> to vector<16xf32>
      %get3A_449 = arith.constant 0 : i32
      %get3A_450 = arith.index_cast %get3A_449 : i32 to index
      %get3A_451 = arith.index_cast %scan3A_286 : i32 to index
      %get3A_452 = arith.constant 80 : index
      %get3A_453 = tpu.vector_load %arg11[%get3A_450, %get3A_451, %get3A_452] {strides = array<i32>} : memref<2x50x128xf32, #tpu.memory_space<vmem>>, vector<1x1x16xf32>,
      %get3A_454 = vector.shape_cast %get3A_453 : vector<1x1x16xf32> to vector<16xf32>
      %add3A_455 = arith.addf %get3A_454, %get3A_448 : vector<16xf32>
      %swap3A_456 = arith.constant 0 : i32
      %swap3A_457 = arith.index_cast %swap3A_456 : i32 to index
      %swap3A_458 = arith.index_cast %scan3A_286 : i32 to index
      %swap3A_459 = arith.constant 80 : index
      %swap3A_460 = tpu.vector_load %arg11[%swap3A_457, %swap3A_458, %swap3A_459] {strides = array<i32>} : memref<2x50x128xf32, #tpu.memory_space<vmem>>, vector<1x1x16xf32>,
      %swap3A_461 = vector.shape_cast %swap3A_460 : vector<1x1x16xf32> to vector<16xf32>
      %swap3A_462 = vector.shape_cast %add3A_455 : vector<16xf32> to vector<1x1x16xf32>
      tpu.vector_store %arg11[%swap3A_457, %swap3A_458, %swap3A_459], %swap3A_462 {strides = array<i32>} : memref<2x50x128xf32, #tpu.memory_space<vmem>>, vector<1x1x16xf32>,
      %get3A_463 = arith.constant 1 : i32
      %get3A_464 = arith.index_cast %get3A_463 : i32 to index
      %get3A_465 = arith.index_cast %scan3A_286 : i32 to index
      %get3A_466 = arith.constant 80 : index
      %get3A_467 = tpu.vector_load %arg11[%get3A_464, %get3A_465, %get3A_466] {strides = array<i32>} : memref<2x50x128xf32, #tpu.memory_space<vmem>>, vector<1x1x16xf32>,
      %get3A_468 = vector.shape_cast %get3A_467 : vector<1x1x16xf32> to vector<16xf32>
      %add3A_469 = arith.addf %get3A_468, %get3A_448 : vector<16xf32>
      %swap3A_470 = arith.constant 1 : i32
      %swap3A_471 = arith.index_cast %swap3A_470 : i32 to index
      %swap3A_472 = arith.index_cast %scan3A_286 : i32 to index
      %swap3A_473 = arith.constant 80 : index
      %swap3A_474 = tpu.vector_load %arg11[%swap3A_471, %swap3A_472, %swap3A_473] {strides = array<i32>} : memref<2x50x128xf32, #tpu.memory_space<vmem>>, vector<1x1x16xf32>,
      %swap3A_475 = vector.shape_cast %swap3A_474 : vector<1x1x16xf32> to vector<16xf32>
      %swap3A_476 = vector.shape_cast %add3A_469 : vector<16xf32> to vector<1x1x16xf32>
      tpu.vector_store %arg11[%swap3A_471, %swap3A_472, %swap3A_473], %swap3A_476 {strides = array<i32>} : memref<2x50x128xf32, #tpu.memory_space<vmem>>, vector<1x1x16xf32>,
      %get3A_477 = arith.index_cast %scan3A_286 : i32 to index
      %get3A_478 = arith.constant 96 : index
      %get3A_479 = tpu.vector_load %arg7[%get3A_477, %get3A_478] {strides = array<i32>} : memref<50x128xf32, #tpu.memory_space<vmem>>, vector<1x16xf32>,
      %get3A_480 = vector.shape_cast %get3A_479 : vector<1x16xf32> to vector<16xf32>
      %get3A_481 = arith.constant 0 : i32
      %get3A_482 = arith.index_cast %get3A_481 : i32 to index
      %get3A_483 = arith.index_cast %scan3A_286 : i32 to index
      %get3A_484 = arith.constant 96 : index
      %get3A_485 = tpu.vector_load %arg11[%get3A_482, %get3A_483, %get3A_484] {strides = array<i32>} : memref<2x50x128xf32, #tpu.memory_space<vmem>>, vector<1x1x16xf32>,
      %get3A_486 = vector.shape_cast %get3A_485 : vector<1x1x16xf32> to vector<16xf32>
      %add3A_487 = arith.addf %get3A_486, %get3A_480 : vector<16xf32>
      %swap3A_488 = arith.constant 0 : i32
      %swap3A_489 = arith.index_cast %swap3A_488 : i32 to index
      %swap3A_490 = arith.index_cast %scan3A_286 : i32 to index
      %swap3A_491 = arith.constant 96 : index
      %swap3A_492 = tpu.vector_load %arg11[%swap3A_489, %swap3A_490, %swap3A_491] {strides = array<i32>} : memref<2x50x128xf32, #tpu.memory_space<vmem>>, vector<1x1x16xf32>,
      %swap3A_493 = vector.shape_cast %swap3A_492 : vector<1x1x16xf32> to vector<16xf32>
      %swap3A_494 = vector.shape_cast %add3A_487 : vector<16xf32> to vector<1x1x16xf32>
      tpu.vector_store %arg11[%swap3A_489, %swap3A_490, %swap3A_491], %swap3A_494 {strides = array<i32>} : memref<2x50x128xf32, #tpu.memory_space<vmem>>, vector<1x1x16xf32>,
      %get3A_495 = arith.constant 1 : i32
      %get3A_496 = arith.index_cast %get3A_495 : i32 to index
      %get3A_497 = arith.index_cast %scan3A_286 : i32 to index
      %get3A_498 = arith.constant 96 : index
      %get3A_499 = tpu.vector_load %arg11[%get3A_496, %get3A_497, %get3A_498] {strides = array<i32>} : memref<2x50x128xf32, #tpu.memory_space<vmem>>, vector<1x1x16xf32>,
      %get3A_500 = vector.shape_cast %get3A_499 : vector<1x1x16xf32> to vector<16xf32>
      %add3A_501 = arith.addf %get3A_500, %get3A_480 : vector<16xf32>
      %swap3A_502 = arith.constant 1 : i32
      %swap3A_503 = arith.index_cast %swap3A_502 : i32 to index
      %swap3A_504 = arith.index_cast %scan3A_286 : i32 to index
      %swap3A_505 = arith.constant 96 : index
      %swap3A_506 = tpu.vector_load %arg11[%swap3A_503, %swap3A_504, %swap3A_505] {strides = array<i32>} : memref<2x50x128xf32, #tpu.memory_space<vmem>>, vector<1x1x16xf32>,
      %swap3A_507 = vector.shape_cast %swap3A_506 : vector<1x1x16xf32> to vector<16xf32>
      %swap3A_508 = vector.shape_cast %add3A_501 : vector<16xf32> to vector<1x1x16xf32>
      tpu.vector_store %arg11[%swap3A_503, %swap3A_504, %swap3A_505], %swap3A_508 {strides = array<i32>} : memref<2x50x128xf32, #tpu.memory_space<vmem>>, vector<1x1x16xf32>,
      %get3A_509 = arith.index_cast %scan3A_286 : i32 to index
      %get3A_510 = arith.constant 112 : index
      %get3A_511 = tpu.vector_load %arg7[%get3A_509, %get3A_510] {strides = array<i32>} : memref<50x128xf32, #tpu.memory_space<vmem>>, vector<1x16xf32>,
      %get3A_512 = vector.shape_cast %get3A_511 : vector<1x16xf32> to vector<16xf32>
      %get3A_513 = arith.constant 0 : i32
      %get3A_514 = arith.index_cast %get3A_513 : i32 to index
      %get3A_515 = arith.index_cast %scan3A_286 : i32 to index
      %get3A_516 = arith.constant 112 : index
      %get3A_517 = tpu.vector_load %arg11[%get3A_514, %get3A_515, %get3A_516] {strides = array<i32>} : memref<2x50x128xf32, #tpu.memory_space<vmem>>, vector<1x1x16xf32>,
      %get3A_518 = vector.shape_cast %get3A_517 : vector<1x1x16xf32> to vector<16xf32>
      %add3A_519 = arith.addf %get3A_518, %get3A_512 : vector<16xf32>
      %swap3A_520 = arith.constant 0 : i32
      %swap3A_521 = arith.index_cast %swap3A_520 : i32 to index
      %swap3A_522 = arith.index_cast %scan3A_286 : i32 to index
      %swap3A_523 = arith.constant 112 : index
      %swap3A_524 = tpu.vector_load %arg11[%swap3A_521, %swap3A_522, %swap3A_523] {strides = array<i32>} : memref<2x50x128xf32, #tpu.memory_space<vmem>>, vector<1x1x16xf32>,
      %swap3A_525 = vector.shape_cast %swap3A_524 : vector<1x1x16xf32> to vector<16xf32>
      %swap3A_526 = vector.shape_cast %add3A_519 : vector<16xf32> to vector<1x1x16xf32>
      tpu.vector_store %arg11[%swap3A_521, %swap3A_522, %swap3A_523], %swap3A_526 {strides = array<i32>} : memref<2x50x128xf32, #tpu.memory_space<vmem>>, vector<1x1x16xf32>,
      %get3A_527 = arith.constant 1 : i32
      %get3A_528 = arith.index_cast %get3A_527 : i32 to index
      %get3A_529 = arith.index_cast %scan3A_286 : i32 to index
      %get3A_530 = arith.constant 112 : index
      %get3A_531 = tpu.vector_load %arg11[%get3A_528, %get3A_529, %get3A_530] {strides = array<i32>} : memref<2x50x128xf32, #tpu.memory_space<vmem>>, vector<1x1x16xf32>,
      %get3A_532 = vector.shape_cast %get3A_531 : vector<1x1x16xf32> to vector<16xf32>
      %add3A_533 = arith.addf %get3A_532, %get3A_512 : vector<16xf32>
      %swap3A_534 = arith.constant 1 : i32
      %swap3A_535 = arith.index_cast %swap3A_534 : i32 to index
      %swap3A_536 = arith.index_cast %scan3A_286 : i32 to index
      %swap3A_537 = arith.constant 112 : index
      %swap3A_538 = tpu.vector_load %arg11[%swap3A_535, %swap3A_536, %swap3A_537] {strides = array<i32>} : memref<2x50x128xf32, #tpu.memory_space<vmem>>, vector<1x1x16xf32>,
      %swap3A_539 = vector.shape_cast %swap3A_538 : vector<1x1x16xf32> to vector<16xf32>
      %swap3A_540 = vector.shape_cast %add3A_533 : vector<16xf32> to vector<1x1x16xf32>
      tpu.vector_store %arg11[%swap3A_535, %swap3A_536, %swap3A_537], %swap3A_540 {strides = array<i32>} : memref<2x50x128xf32, #tpu.memory_space<vmem>>, vector<1x1x16xf32>,
    }
    %scan3A_245 = arith.constant 50 : i32
    %add3A_246 = arith.constant 126 : i32
    %add3A_247 = arith.addi %mul3A_2, %add3A_246 : i32
    %dma_start3A_248 = arith.constant 0 : i32
    %dma_start3A_249 = arith.constant 0 : i32
    %dma_start3A_250 = tpu.memref_slice %arg5[%add3A_247, %dma_start3A_248, %dma_start3A_249] : memref<4096x50x128xf32, #tpu.memory_space<hbm>> -> memref<2x50x128xf32, #tpu.memory_space<hbm>>
    %dma_start3A_251 = arith.constant 0 : i32
    %dma_start3A_252 = arith.constant 0 : i32
    %dma_start3A_253 = tpu.memref_slice %arg5[%add3A_247, %dma_start3A_251, %dma_start3A_252] : memref<4096x50x128xf32, #tpu.memory_space<hbm>> -> memref<2x50x128xf32, #tpu.memory_space<hbm>>
    tpu.enqueue_dma source(%arg11 : memref<2x50x128xf32, #tpu.memory_space<vmem>>) target(%dma_start3A_253 : memref<2x50x128xf32, #tpu.memory_space<hbm>>) target_semaphore(%arg19 : memref<!tpu.dma_semaphore, #tpu.memory_space<semaphore_mem>>)
    %dma_wait3A_254 = arith.constant 0 : i32
    %dma_wait3A_255 = arith.constant 0 : i32
    %dma_wait3A_256 = arith.constant 0 : i32
    %dma_wait3A_257 = tpu.memref_slice %arg5[%dma_wait3A_254, %dma_wait3A_255, %dma_wait3A_256] : memref<4096x50x128xf32, #tpu.memory_space<hbm>> -> memref<2x50x128xf32, #tpu.memory_space<hbm>>
    %dma_wait3A_258 = arith.constant 0 : i32
    %dma_wait3A_259 = arith.constant 0 : i32
    %dma_wait3A_260 = arith.constant 0 : i32
    %dma_wait3A_261 = tpu.memref_slice %arg5[%dma_wait3A_258, %dma_wait3A_259, %dma_wait3A_260] : memref<4096x50x128xf32, #tpu.memory_space<hbm>> -> memref<2x50x128xf32, #tpu.memory_space<hbm>>
    tpu.wait_dma2 semaphore(%arg16 : memref<!tpu.dma_semaphore, #tpu.memory_space<semaphore_mem>>) src(%arg8 : memref<2x50x128xf32, #tpu.memory_space<vmem>>) dst(%dma_wait3A_261 : memref<2x50x128xf32, #tpu.memory_space<hbm>>)
    %dma_wait3A_262 = arith.constant 0 : i32
    %dma_wait3A_263 = arith.constant 0 : i32
    %dma_wait3A_264 = arith.constant 0 : i32
    %dma_wait3A_265 = tpu.memref_slice %arg5[%dma_wait3A_262, %dma_wait3A_263, %dma_wait3A_264] : memref<4096x50x128xf32, #tpu.memory_space<hbm>> -> memref<2x50x128xf32, #tpu.memory_space<hbm>>
    %dma_wait3A_266 = arith.constant 0 : i32
    %dma_wait3A_267 = arith.constant 0 : i32
    %dma_wait3A_268 = arith.constant 0 : i32
    %dma_wait3A_269 = tpu.memref_slice %arg5[%dma_wait3A_266, %dma_wait3A_267, %dma_wait3A_268] : memref<4096x50x128xf32, #tpu.memory_space<hbm>> -> memref<2x50x128xf32, #tpu.memory_space<hbm>>
    tpu.wait_dma2 semaphore(%arg17 : memref<!tpu.dma_semaphore, #tpu.memory_space<semaphore_mem>>) src(%arg9 : memref<2x50x128xf32, #tpu.memory_space<vmem>>) dst(%dma_wait3A_269 : memref<2x50x128xf32, #tpu.memory_space<hbm>>)
    %dma_wait3A_270 = arith.constant 0 : i32
    %dma_wait3A_271 = arith.constant 0 : i32
    %dma_wait3A_272 = arith.constant 0 : i32
    %dma_wait3A_273 = tpu.memref_slice %arg5[%dma_wait3A_270, %dma_wait3A_271, %dma_wait3A_272] : memref<4096x50x128xf32, #tpu.memory_space<hbm>> -> memref<2x50x128xf32, #tpu.memory_space<hbm>>
    %dma_wait3A_274 = arith.constant 0 : i32
    %dma_wait3A_275 = arith.constant 0 : i32
    %dma_wait3A_276 = arith.constant 0 : i32
    %dma_wait3A_277 = tpu.memref_slice %arg5[%dma_wait3A_274, %dma_wait3A_275, %dma_wait3A_276] : memref<4096x50x128xf32, #tpu.memory_space<hbm>> -> memref<2x50x128xf32, #tpu.memory_space<hbm>>
    tpu.wait_dma2 semaphore(%arg18 : memref<!tpu.dma_semaphore, #tpu.memory_space<semaphore_mem>>) src(%arg10 : memref<2x50x128xf32, #tpu.memory_space<vmem>>) dst(%dma_wait3A_277 : memref<2x50x128xf32, #tpu.memory_space<hbm>>)
    %dma_wait3A_278 = arith.constant 0 : i32
    %dma_wait3A_279 = arith.constant 0 : i32
    %dma_wait3A_280 = arith.constant 0 : i32
    %dma_wait3A_281 = tpu.memref_slice %arg5[%dma_wait3A_278, %dma_wait3A_279, %dma_wait3A_280] : memref<4096x50x128xf32, #tpu.memory_space<hbm>> -> memref<2x50x128xf32, #tpu.memory_space<hbm>>
    %dma_wait3A_282 = arith.constant 0 : i32
    %dma_wait3A_283 = arith.constant 0 : i32
    %dma_wait3A_284 = arith.constant 0 : i32
    %dma_wait3A_285 = tpu.memref_slice %arg5[%dma_wait3A_282, %dma_wait3A_283, %dma_wait3A_284] : memref<4096x50x128xf32, #tpu.memory_space<hbm>> -> memref<2x50x128xf32, #tpu.memory_space<hbm>>
    tpu.wait_dma2 semaphore(%arg19 : memref<!tpu.dma_semaphore, #tpu.memory_space<semaphore_mem>>) src(%arg11 : memref<2x50x128xf32, #tpu.memory_space<vmem>>) dst(%dma_wait3A_285 : memref<2x50x128xf32, #tpu.memory_space<hbm>>)
    return
  }
}

</mosaic_0001>

<sc_bundles>
// kernel: _impl.3.cloned.1.call-start
scs
__scs_entry_jumppad:
0x0: {  	(pc) =	sbr.rel $0x88, $3  }
0x1: {  	(tag) =	ssettag $0x0;
	lr =	simm.s32 $0x1  }
0x2: {  	[smem:$0x3F9E] =	sst lr;
	_ =	strace $0xD0000000  }
0x3: {  	_ = 	snop  }
0x4: {  	_ = 	snop  }
0x5: {  	_ = 	snop  }
0x6: {  	_ = 	snop  }
0x7: {  	_ = 	snop  }
__scs_overlays_trampoline_lowered:
0x8: {  	[smem:$0x3FAD] =	sst s0  }
0x9: {  	[smem:$0x3FAE] =	sst s1  }
0xa: {  	[smem:$0x3FAF] =	sst s2  }
0xb: {  	[smem:$0x3FB0] =	sst s3  }
0xc: {  	[smem:$0x3FB1] =	sst s4  }
0xd: {  	[smem:$0x3FB2] =	sst s5  }
0xe: {  	[smem:$0x3FB3] =	sst s6  }
0xf: {  	[smem:$0x3FB4] =	sst s7  }
0x10: {  	[smem:$0x3FB5] =	sst s8  }
0x11: {  	[smem:$0x3FB6] =	sst s9;
	s0 =	simm.s32 @!p0 $0x0  }
0x12: {  	s1 =	sld [smem:$0x3F9C];
	s0 =	simm.s32 @p0 $0x1  }
0x13: {  	[smem:$0x3FB7] =	sst s0;
	s0 =	simm.s32 @!p1 $0x0  }
0x14: {  	s2 =	sld [smem:$0x3F9B];
	s0 =	simm.s32 @p1 $0x1  }
0x15: {  	[smem:$0x3FB8] =	sst s0;
	s0 =	simm.s32 @!p2 $0x0  }
0x16: {  	s3 =	sld [smem:$0x3FDB];
	s0 =	simm.s32 @p2 $0x1  }
0x17: {  	s4 =	simm.s32 $0x1BF5;
	[smem:$0x3FBA] =	sst s0  }
0x18: {  	s0 =	sld [smem:$0x3F9D];
	_ =	swait.ge [sflag:s4], $0x0  }
0x19: {  	s7 =	sld [smem:$0x3F9E]  }
0x1a: {  	s8 =	sadd.s32 $0xFFFFE003, lr  }
0x1b: {  	s9 =	sadd.s32 $0xFFFFFEF7, lr;
	s5 =	simm.s32 $0xFFFFFFFF;
	p2 =	slt.u32 s8, $0xFFFFF086  }
0x1c: {  	p1 =	slt.u32 s9, $0xF7A;
	s5 =	simm.s32 @!p2 $0x0  }
0x1d: {  	s5 =	simm.s32 @p1 $0x1;
	p0 =	seq.s32 s7, s2  }
0x1e: {  	s7 =	smul.u32 @!p0 $0xF7A, s2;
	p2 =	seq.s32 @!p0 s5, $0x0  }
0x1f: {  	s9 =	smul.u32 $0xF7A, s1;
	s8 =	simm.s32 @!p0 $0x1BF5;
	p2 =	por !p2, p0  }
0x20: {  	[sflag:s8] =	ssyncset.s32 @!p0 $0xFFFFF086;
	s6 =	sadd.s32 @!p0 s3, s7;
	s7 =	simm.s32 @!p0 $0x108  }
0x21: {  	s3 =	sadd.s32 s3, s9;
	s6 =	sadd.s32 @!p0 $0x88, s6;
	s7 =	simm.s32 @p2 $0x1082  }
0x22: {  	[simem:s7], [sflag:s8] =	dma.local @!p0 [hbm:s6], $0xF7A  }
0x23: {  	s9 =	sor.u32 $0xD0000000, s2;
	s6 =	simm.s32 $0x108;
	_ =	swait.ge @!p0 [sflag:s8], $0x0  }
0x24: {  	s3 =	sadd.s32 $0x88, s3;
	s6 =	simm.s32 @!p1 $0x1082;
	[sflag:s4] =	ssyncset.s32 $0xFFFFF086  }
0x25: {  	[simem:s6], [sflag:s4] =	dma.local [hbm:s3], $0xF7A  }
0x26: {  	[smem:$0x3F9E] =	sst s1;
	(tag) =	ssettag s2;
	_ =	strace s9  }
0x27: {  	s1 =	sld [smem:$0x3FAE]  }
0x28: {  	s2 =	sld [smem:$0x3FAF]  }
0x29: {  	s4 =	sld [smem:$0x3FB1]  }
0x2a: {  	p0 =	seq.s32 s5, $0x0;
	s5 =	sld [smem:$0x3FB2]  }
0x2b: {  	s6 =	sld [smem:$0x3FB3]  }
0x2c: {  	s7 =	sld [smem:$0x3FB4]  }
0x2d: {  	s3 =	simm.s32 $0x108;
	s8 =	sld [smem:$0x3FB5]  }
0x2e: {  	s3 =	simm.s32 @!p0 $0x1082;
	s9 =	sld [smem:$0x3FB6]  }
0x2f: {  	lr =	sadd.s32 s0, s3;
	s0 =	sld [smem:$0x3FAD]  }
0x30: {  	s3 =	sld [smem:$0x3FB0]  }
0x31: {  	[smem:$0x3FB9] =	sst s10  }
0x32: {  	s10 =	sld [smem:$0x3FB7];
	_ =	sdelay $0x3  }
0x33: {  	p0 =	seq.s32 s10, $0x1;
	s10 =	sld [smem:$0x3FB9];
	_ =	sdelay $0x3  }
0x34: {  	[smem:$0x3FB9] =	sst s10  }
0x35: {  	s10 =	sld [smem:$0x3FB8];
	_ =	sdelay $0x3  }
0x36: {  	p1 =	seq.s32 s10, $0x1;
	s10 =	sld [smem:$0x3FB9];
	_ =	sdelay $0x3  }
0x37: {  	[smem:$0x3FB9] =	sst s10  }
0x38: {  	s10 =	sld [smem:$0x3FBA]  }
0x39: {  	_ = 	snop;
	(pc) =	sbr.ind lr, $3  }
0x3a: {  	_ = 	snop  }
0x3b: {  	_ = 	snop  }
0x3c: {  	p2 =	seq.s32 s10, $0x1;
	s10 =	sld [smem:$0x3FB9]  }
0x3d: {  	_ =	shalt  }
0x3e: {  	_ =	shalt  }
0x3f: {  	_ =	shalt  }
0x40: {  	_ =	shalt  }
0x41: {  	_ =	shalt  }
0x42: {  	_ =	shalt  }
0x43: {  	_ =	shalt  }
0x44: {  	_ =	shalt  }
0x45: {  	_ =	shalt  }
0x46: {  	_ =	shalt  }
0x47: {  	_ =	shalt  }
0x48: {  	_ =	shalt  }
0x49: {  	_ =	shalt  }
0x4a: {  	_ =	shalt  }
0x4b: {  	_ =	shalt  }
0x4c: {  	_ =	shalt  }
0x4d: {  	_ =	shalt  }
0x4e: {  	_ =	shalt  }
0x4f: {  	_ =	shalt  }
0x50: {  	_ =	shalt  }
0x51: {  	_ =	shalt  }
0x52: {  	_ =	shalt  }
0x53: {  	_ =	shalt  }
0x54: {  	_ =	shalt  }
0x55: {  	_ =	shalt  }
0x56: {  	_ =	shalt  }
0x57: {  	_ =	shalt  }
0x58: {  	_ =	shalt  }
0x59: {  	_ =	shalt  }
0x5a: {  	_ =	shalt  }
0x5b: {  	_ =	shalt  }
0x5c: {  	_ =	shalt  }
0x5d: {  	_ =	shalt  }
0x5e: {  	_ =	shalt  }
0x5f: {  	_ =	shalt  }
0x60: {  	_ =	shalt  }
0x61: {  	_ =	shalt  }
0x62: {  	_ =	shalt  }
0x63: {  	_ =	shalt  }
0x64: {  	_ =	shalt  }
0x65: {  	_ =	shalt  }
0x66: {  	_ =	shalt  }
0x67: {  	_ =	shalt  }
0x68: {  	_ =	shalt  }
0x69: {  	_ =	shalt  }
0x6a: {  	_ =	shalt  }
0x6b: {  	_ =	shalt  }
0x6c: {  	_ =	shalt  }
0x6d: {  	_ =	shalt  }
0x6e: {  	_ =	shalt  }
0x6f: {  	_ =	shalt  }
0x70: {  	_ =	shalt  }
0x71: {  	_ =	shalt  }
0x72: {  	_ =	shalt  }
0x73: {  	_ =	shalt  }
0x74: {  	_ =	shalt  }
0x75: {  	_ =	shalt  }
0x76: {  	_ =	shalt  }
0x77: {  	_ =	shalt  }
0x78: {  	_ =	shalt  }
0x79: {  	_ =	shalt  }
0x7a: {  	_ =	shalt  }
0x7b: {  	_ =	shalt  }
0x7c: {  	_ =	shalt  }
0x7d: {  	_ =	shalt  }
0x7e: {  	_ =	shalt  }
0x7f: {  	_ =	shalt  }
0x80: {  	_ =	shalt  }
0x81: {  	_ =	shalt  }
0x82: {  	_ =	shalt  }
0x83: {  	_ =	shalt  }
0x84: {  	_ =	shalt  }
0x85: {  	_ =	shalt  }
0x86: {  	_ =	shalt  }
0x87: {  	_ =	shalt  }
.Lfunc_end0:
.L_simem_size_0:
called_computation_lowered:
.L_overlay_start_0:
0x88: {  	s2 =	sld [smem:$0x3FD9]  }
0x89: {  	s3 =	sld [smem:$0x3FFE];
	_ =	sdelay $0x1  }
0x8a: {  	s1 =	srdreg.scid  }
0x8b: {  	s0 =	sand.u32 $0x1, s1  }
0x8c: {  	s17 =	sshll.u32 s0, $0xA;
	s2 =	sadd.s32 s3, s2  }
0x8d: {  	s2 =	sadd.s32 s2, s17  }
0x8e: {  	[smem:$0x3FC5] =	sst s2  }
0x8f: {  	_ = 	snop  }
0x90: {  	s2 =	sld [smem:$0x3FC8]  }
0x91: {  	s18 =	sld [smem:$0x3FC7]  }
0x92: {  	s4 =	sld [smem:$0x3FD0];
	(tm) =	ssettm $0x1  }
0x93: {  	s5 =	sld [smem:$0x3FFB];
	_ =	sdelay $0x3  }
0x94: {  	_ =	strace s5  }
0x95: {  	s5 =	sld [smem:$0x3FFC];
	_ =	sdelay $0x3  }
0x96: {  	_ =	strace s5  }
0x97: {  	s5 =	sld [smem:$0x3FFD];
	_ =	sdelay $0x3  }
0x98: {  	_ =	strace s5  }
0x99: {  	_ =	strace $0x8FFFFFFF  }
0x9a: {  	s19 =	sld [smem:$0x3FDB];
	_ =	sdelay $0x1  }
0x9b: {  	s6 =	simm.s32 $_scs_section_size  }
0x9c: {  	s7 =	simm.s32 $_size__tile_overlayer_lowered;
	s8 =	simm.s32 $_tile_overlayer_lowered  }
0x9d: {  	s22 =	simm.s32 $0x1BFF;
	s21 =	sshll.u32 s8, $0x1;
	s5 =	sadd.s32 s6, s19  }
0x9e: {  	s9 =	simm.s32 $0x0;
	s20 =	sshll.u32 s7, $0x1;
	s7 =	sadd.s32 s21, s5  }
0x9f: {  	[timem:s9], [sflag:s22] =	dma.local [hbm:s7], s20  }
0xa0: {  	_ =	swait.ge [sflag:s22], s20  }
0xa1: {  	s6 =	ssub.s32 $0x0, s20;
	[sflag:s22] =	ssyncset.done $0x0  }
0xa2: {  	[sflag:s22] =	ssyncadd.s32 s6;
	_ =	sdelay $0x1  }
0xa3: {  	s23 =	simm.s32 $0x1B8B  }
0xa4: {  	_ =	swait.ge [sflag:s23], $0x1  }
0xa5: {  	[sflag:s23] =	ssyncset.done $0x0  }
0xa6: {  	s25 =	simm.s32 $0x1B8E;
	s24 =	sld [smem:$0x3FFE];
	[sflag:s23] =	ssyncadd.s32 $0xFFFFFFFF  }
0xa7: {  	s26 =	simm.s32 $execute0_lowered;
	[smem:$0x3FD2] =	sst s25  }
0xa8: {  	s7 =	sshll.u32 s26, $0x1;
	_ =	strace $0x80000046;
	[dreg:$0x1] =	wrdreg $0xFFFFFFFF  }
0xa9: {  	s28 =	simm.s32 $_size_execute0_lowered;
	s5 =	sadd.s32 s5, s7;
	[dreg:$0x0] =	wrdreg $0x0  }
0xaa: {  	s7 =	sshll.u32 s28, $0x1;
	[dreg:$0x2] =	wrdreg s5  }
0xab: {  	[dreg:$0x3] =	wrdreg s7  }
0xac: {  	[dreg:$0x4] =	wrdreg $0xC0  }
0xad: {  	_ =	task [dreg:s9], $0x5FFFF  }
0xae: {  	[dreg:$0x1] =	wrdreg $0xFFFFFFFF  }
0xaf: {  	[dreg:$0x0] =	wrdreg $0x60  }
0xb0: {  	[dreg:$0x2] =	wrdreg s4  }
0xb1: {  	[dreg:$0x3] =	wrdreg s2  }
0xb2: {  	[dreg:$0x4] =	wrdreg s18  }
0xb3: {  	[dreg:$0x5] =	wrdreg s24  }
0xb4: {  	[dreg:$0x6] =	wrdreg $0x9  }
0xb5: {  	_ =	task.clear_ibuf [dreg:s9], $0x7FFFF;
	_ =	strace $0x90000046  }
0xb6: {  	s29 =	simm.s32 $0x9;
	_ =	strace $0x80000048  }
0xb7: {  	_ =	swait.ge [sflag:s29], $0x1  }
0xb8: {  	[sflag:s29] =	ssyncadd.s32 $0xFFFFFFFF  }
0xb9: {  	_ =	strace $0x90000048  }
0xba: {  	_ =	sfence  }
0xbb: {  	s30 =	sld [smem:$0x0];
	_ =	sdelay $0x2  }
0xbc: {  	s31 =	sshll.u32 s1, $0xD;
	s1 =	sshrl.u32 s1, $0x2  }
0xbd: {  	s3 =	sand.u32 $0x4000, s31;
	s1 =	sadd.s32 s1, s30  }
0xbe: {  	s0 =	sor.u32 s3, s0;
	s1 =	sshll.u32 s1, $0x11  }
0xbf: {  	s0 =	sor.u32 s1, s0  }
0xc0: {  	s0 =	sadd.s32 $0x8F2B, s0  }
0xc1: {  	[sflag:s0] =	ssyncadd.remote.s32 $0x1  }
0xc2: {  	_ =	sfence.sel $0xFFFF  }
0xc3: {  	[dreg:$0x0] =	wrdreg $0xFFFFFFFF;
	(pc) =	sbr.abs _section_cstart, $3  }
0xc4: {  	[dreg:$0x1] =	wrdreg $0xFFFFFFFF  }
0xc5: {  	_ =	task.clear_ibuf [dreg:s9], $0x2FFFF;
	_ =	strace $0x9FFFFFFF  }
0xc6: {  	(tm) =	ssettm $0x7FFFFFFF  }
0xc7: {  	_ =	shalt  }
tec
execute0_lowered:
.L_overlay_start_1:
0x0: {  	(tag) =	ssettag $0x1  }
0x1: {  	s0 =	rddreg [dreg:$0x0]  }
0x2: {  	s1 =	rddreg [dreg:$0x1]  }
0x3: {  	s2 =	srdreg.scid;
	s4 =	stileid.u32  }
0x4: {  	s3 =	rddreg [dreg:$0x3];
	s13 =	simm.s32 $0x9;
	s15 =	simm.s32 $0x32  }
0x5: {  	s16 =	simm.s32 $0x5C00;
	s18 =	simm.s32 $0x7800;
	s20 =	simm.s32 $0x9400  }
0x6: {  	s22 =	simm.s32 $0xB000;
	s28 =	simm.s32 $0x1;
	s30 =	simm.s32 $0x10400  }
0x7: {  	s14 =	simm.s32 $0x3;
	s17 =	simm.s32 $0x6;
	s19 =	simm.s32 $0x4  }
0x8: {  	s21 =	simm.s32 $0x7;
	s2 =	sand.u32 $0x1, s2;
	s4 =	sshll.u32 s4, $0x8  }
0x9: {  	s6 =	sadd.s32 $0x400, s3;
	s3 =	simm.s32 $0x5;
	s5 =	sshll.u32 s2, $0x7  }
0xa: {  	s2 =	ssub.s32 $0x2, s2;
	s4 =	sor.u32 s5, s4;
	s5 =	simm.s32 $0x0  }
0xb: {  	s8 =	sshrl.u32 s2, $0x1;
	s7 =	smul.u32 $0x380, s4;
	[smem:$0x7FF] =	sst s5  }
0xc: {  	s9 =	smul.u32 $0x1C00, s4;
	s2 =	ssub.s32 s2, s8;
	s23 =	sshll.u32 s4, $0x4  }
0xd: {  	_ =	strace $0x80000047;
	s0 =	sadd.s32 s0, s23;
	s31 =	smax.u32 s2, $0x1  }
0xe: {  	s2 =	simm.s32 $0x12000;
	s23 =	simm.s32 $0x8;
	[dreg:$0x6] =	wrdreg s0  }
0xf: {  	s7 =	sadd.s32 s6, s7;
	s24 =	sshrl.u32 s9, $0x3;
	[dreg:$0xa] =	wrdreg s31  }
0x10: {  	[dreg:$0x5] =	wrdreg s7;
	s25 =	sadd.s32 $0x700, s7;
	s26 =	sadd.s32 s6, s24  }
0x11: {  	s24 =	simm.s32 $0xCC00;
	[dreg:$0x7] =	wrdreg s25;
	s29 =	sadd.s32 $0x1B200, s26  }
0x12: {  	s0 =	sadd.s32 $0x1B900, s26;
	s26 =	simm.s32 $0xE800;
	[dreg:$0x8] =	wrdreg s29  }
0x13: {  	s25 =	simm.s32 $0x0;
	[dreg:$0x9] =	wrdreg s0;
	s0 =	simm.s32 $0x2  }
.LBB2_1:
0x14: {  	s7 =	rddreg [dreg:$0x6]  }
0x15: {  	[tilespmem:s5], [sflag:$0x9] =	stream.linear.gather [hbm4b:s7+s5], $0x4000, $0x38;
	[tilespmem:$0x13C00] =	vst v63  }
0x16: {  	_ =	swait.ge [sflag:s13], $0x4000  }
0x17: {  	[sflag:s13] =	ssyncset.done $0x0  }
0x18: {  	[sflag:s13] =	ssyncadd.s32 $0xFFFFC000  }
0x19: {  	s8 =	simm.s32 $0x4000;
	s9 =	rddreg [dreg:$0x2]  }
0x1a: {  	[tilespmem:s8], [sflag:$0x9] =	stream.linear.gather [hbm4b:s9+s5], $0x1900, $0x38;
	[tilespmem:$0x13C00] =	vst v63  }
0x1b: {  	_ =	swait.ge [sflag:s13], $0x1900  }
0x1c: {  	[sflag:s13] =	ssyncset.done $0x0  }
0x1d: {  	[sflag:s13] =	ssyncadd.s32 $0xFFFFE700  }
0x1e: {  	[tilespmem:s16], [sflag:$0x1] =	stream.indirect.gather [hbm4b:s1+s15], $0x80, s5, s15, $0xb8;
	[tilespmem:$0x13C00] =	vst v63  }
0x1f: {  	s10 =	simm.s32 $0x80  }
0x20: {  	[tilespmem:s18], [sflag:$0x1] =	stream.indirect.gather [hbm4b:s1+s15], $0x80, s10, s15, $0xb8;
	[tilespmem:$0x13C00] =	vst v63  }
0x21: {  	s11 =	simm.s32 $0x100  }
0x22: {  	[tilespmem:s20], [sflag:$0x2] =	stream.indirect.gather [hbm4b:s1+s15], $0x80, s11, s15, $0xb8;
	[tilespmem:$0x13C00] =	vst v63  }
0x23: {  	s12 =	simm.s32 $0x180  }
0x24: {  	[tilespmem:s22], [sflag:$0x2] =	stream.indirect.gather [hbm4b:s1+s15], $0x80, s12, s15, $0xb8;
	[tilespmem:$0x13C00] =	vst v63  }
0x25: {  	s29 =	simm.s32 $0x200  }
0x26: {  	[tilespmem:s24], [sflag:$0x3] =	stream.indirect.gather [hbm4b:s1+s15], $0x80, s29, s15, $0xb8;
	[tilespmem:$0x13C00] =	vst v63  }
0x27: {  	s31 =	simm.s32 $0x280  }
0x28: {  	[tilespmem:s26], [sflag:$0x3] =	stream.indirect.gather [hbm4b:s1+s15], $0x80, s31, s15, $0xb8;
	[tilespmem:$0x13C00] =	vst v63  }
0x29: {  	_ =	swait.ge [sflag:s28], $0x1900  }
0x2a: {  	[sflag:s28] =	ssyncset.done $0x0  }
0x2b: {  	[sflag:s28] =	ssyncadd.s32 $0xFFFFE700  }
0x2c: {  	_ =	swait.ge [sflag:s28], $0x1900  }
0x2d: {  	[sflag:s28] =	ssyncset.done $0x0  }
0x2e: {  	s8 =	simm.s32 $0x0;
	[sflag:s28] =	ssyncadd.s32 $0xFFFFE700  }
0x2f: {  	v3 =	vld [tilespmem:s8+$0x4000]  }
0x30: {  	v4 =	vld [tilespmem:s8+$0x4010]  }
0x31: {  	v5 =	vld [tilespmem:s8+$0x4020]  }
0x32: {  	v6 =	vld [tilespmem:s8+$0x4030]  }
0x33: {  	v7 =	vld [tilespmem:s8+$0x4040]  }
0x34: {  	v2 =	vld [tilespmem:s8+$0x4050]  }
0x35: {  	v1 =	vld [tilespmem:s8+$0x4060]  }
0x36: {  	v0 =	vld [tilespmem:s8+$0x4070]  }
0x37: {  	v8 =	vld [tilespmem:s8+$0x5C00]  }
0x38: {  	v9 =	vld [tilespmem:s8+$0x7800]  }
0x39: {  	v10 =	vld [tilespmem:s8+$0x5C10]  }
0x3a: {  	v11 =	vld [tilespmem:s8+$0x7810]  }
0x3b: {  	v12 =	vld [tilespmem:s8+$0x5C20]  }
0x3c: {  	v13 =	vld [tilespmem:s8+$0x7820];
	v8 =	vadd.f32 v8, v3  }
0x3d: {  	v14 =	vld [tilespmem:s8+$0x5C30];
	v3 =	vadd.f32 v9, v3  }
0x3e: {  	v9 =	vadd.f32 v10, v4;
	[tilespmem:s8+$0x5C00] =	vst v8;
	v8 =	vld [tilespmem:s8+$0x7830]  }
0x3f: {  	v10 =	vld [tilespmem:s8+$0x5C40];
	[tilespmem:s8+$0x7800] =	vst v3;
	v3 =	vadd.f32 v11, v4  }
0x40: {  	[tilespmem:s8+$0x5C10] =	vst v9;
	v11 =	vld [tilespmem:s8+$0x7840];
	v9 =	vadd.f32 v12, v5  }
0x41: {  	v4 =	vld [tilespmem:s8+$0x5C50];
	v5 =	vadd.f32 v13, v5;
	[tilespmem:s8+$0x7810] =	vst v3  }
0x42: {  	[tilespmem:s8+$0x5C20] =	vst v9;
	v3 =	vld [tilespmem:s8+$0x7850];
	v9 =	vadd.f32 v14, v6  }
0x43: {  	[tilespmem:s8+$0x7820] =	vst v5;
	v5 =	vld [tilespmem:s8+$0x5C60];
	v8 =	vadd.f32 v8, v6  }
0x44: {  	[tilespmem:s8+$0x5C30] =	vst v9;
	v9 =	vadd.f32 v10, v7;
	v6 =	vld [tilespmem:s8+$0x7860]  }
0x45: {  	s9 =	simm.s32 $0x200;
	[tilespmem:s8+$0x7830] =	vst v8;
	v8 =	vadd.f32 v11, v7;
	v7 =	vld [tilespmem:s8+$0x5C70]  }
.LBB2_2:
0x46: {  	s10 =	sshra.s32 s9, $0x2;
	p0 =	sne.s32 s9, $0x6200;
	[tilespmem:s8+$0x5C40] =	vst v9;
	v4 =	vadd.f32 v4, v2;
	v9 =	vld [tilespmem:s8+$0x7870]  }
0x47: {  	v10 =	vld [tilespmem:s10+$0x4000];
	[tilespmem:s8+$0x7840] =	vst v8;
	v2 =	vadd.f32 v3, v2  }
0x48: {  	v3 =	vld [tilespmem:s10+$0x4010];
	[tilespmem:s8+$0x5C50] =	vst v4;
	v4 =	vadd.f32 v5, v1  }
0x49: {  	v5 =	vld [tilespmem:s10+$0x4020];
	[tilespmem:s8+$0x7850] =	vst v2;
	v1 =	vadd.f32 v6, v1  }
0x4a: {  	v6 =	vld [tilespmem:s10+$0x4030];
	[tilespmem:s8+$0x5C60] =	vst v4;
	v4 =	vadd.f32 v7, v0  }
0x4b: {  	v7 =	vld [tilespmem:s10+$0x4040];
	[tilespmem:s8+$0x7860] =	vst v1;
	v0 =	vadd.f32 v9, v0  }
0x4c: {  	v2 =	vld [tilespmem:s10+$0x4050];
	[tilespmem:s8+$0x5C70] =	vst v4  }
0x4d: {  	v1 =	vld [tilespmem:s10+$0x4060];
	[tilespmem:s8+$0x7870] =	vst v0;
	s8 =	smov.u32 s10  }
0x4e: {  	v0 =	vld [tilespmem:s8+$0x4070]  }
0x4f: {  	v4 =	vld [tilespmem:s8+$0x5C00]  }
0x50: {  	v8 =	vld [tilespmem:s8+$0x7800]  }
0x51: {  	v9 =	vld [tilespmem:s8+$0x5C10]  }
0x52: {  	v11 =	vld [tilespmem:s8+$0x7810]  }
0x53: {  	v12 =	vld [tilespmem:s8+$0x5C20]  }
0x54: {  	v4 =	vadd.f32 v4, v10;
	v13 =	vld [tilespmem:s8+$0x7820]  }
0x55: {  	v8 =	vadd.f32 v8, v10;
	v10 =	vld [tilespmem:s8+$0x5C30]  }
0x56: {  	[tilespmem:s8+$0x5C00] =	vst v4;
	v4 =	vadd.f32 v9, v3;
	v9 =	vld [tilespmem:s8+$0x7830]  }
0x57: {  	[tilespmem:s8+$0x7800] =	vst v8;
	v3 =	vadd.f32 v11, v3;
	v8 =	vld [tilespmem:s8+$0x5C40]  }
0x58: {  	[tilespmem:s8+$0x5C10] =	vst v4;
	v11 =	vadd.f32 v12, v5;
	v12 =	vld [tilespmem:s8+$0x7840]  }
.Ltmp0:
0x59: {  	[tilespmem:s8+$0x7810] =	vst v3;
	v5 =	vadd.f32 v13, v5;
	v4 =	vld [tilespmem:s8+$0x5C50];
	(pc) =	sbr.rel @p0 .LBB2_2-.Ltmp0, $4  }
0x5a: {  	[tilespmem:s8+$0x5C20] =	vst v11;
	v10 =	vadd.f32 v10, v6;
	v3 =	vld [tilespmem:s8+$0x7850]  }
0x5b: {  	[tilespmem:s8+$0x7820] =	vst v5;
	v11 =	vadd.f32 v9, v6;
	v5 =	vld [tilespmem:s8+$0x5C60]  }
0x5c: {  	[tilespmem:s8+$0x5C30] =	vst v10;
	v9 =	vadd.f32 v8, v7;
	v6 =	vld [tilespmem:s8+$0x7860]  }
0x5d: {  	s9 =	sadd.s32 $0x200, s9;
	[tilespmem:s8+$0x7830] =	vst v11;
	v8 =	vadd.f32 v12, v7;
	v7 =	vld [tilespmem:s8+$0x5C70]  }
0x5e: {  	[tilespmem:s8+$0x5C40] =	vst v9;
	v4 =	vadd.f32 v4, v2;
	v9 =	vld [tilespmem:s8+$0x7870]  }
0x5f: {  	[tilespmem:s8+$0x7840] =	vst v8;
	v2 =	vadd.f32 v3, v2  }
0x60: {  	[tilespmem:s8+$0x5C50] =	vst v4;
	v3 =	vadd.f32 v5, v1  }
0x61: {  	[tilespmem:s8+$0x7850] =	vst v2;
	v1 =	vadd.f32 v6, v1  }
0x62: {  	[tilespmem:s8+$0x5C60] =	vst v3;
	v2 =	vadd.f32 v7, v0  }
0x63: {  	[tilespmem:s8+$0x7860] =	vst v1;
	v0 =	vadd.f32 v9, v0  }
0x64: {  	[tilespmem:s8+$0x5C70] =	vst v2  }
0x65: {  	s12 =	simm.s32 $0x0;
	s7 =	rddreg [dreg:$0x5];
	[tilespmem:s8+$0x7870] =	vst v0  }
0x66: {  	[hbm4b:s7+s12] =	stream.linear.scatter [tilespmem:s16], [sflag:$0x5], $0x1900, $0x38;
	[tilespmem:$0x13C00] =	vst v63  }
0x67: {  	s9 =	sadd.s32 $0x380, s7  }
0x68: {  	[hbm4b:s9+s12] =	stream.linear.scatter [tilespmem:s18], [sflag:$0x5], $0x1900, $0x38;
	[tilespmem:$0x13C00] =	vst v63  }
0x69: {  	s29 =	simm.s32 $0x300  }
0x6a: {  	[tilespmem:s30], [sflag:$0x4] =	stream.indirect.gather [hbm4b:s1+s15], $0x80, s29, s15, $0xb8;
	[tilespmem:$0x13C00] =	vst v63  }
0x6b: {  	s31 =	simm.s32 $0x380  }
0x6c: {  	[tilespmem:s2], [sflag:$0x4] =	stream.indirect.gather [hbm4b:s1+s15], $0x80, s31, s15, $0xb8;
	[tilespmem:$0x13C00] =	vst v63  }
0x6d: {  	_ =	swait.ge [sflag:s0], $0x1900  }
0x6e: {  	[sflag:s0] =	ssyncset.done $0x0  }
0x6f: {  	[sflag:s0] =	ssyncadd.s32 $0xFFFFE700  }
0x70: {  	_ =	swait.ge [sflag:s0], $0x1900  }
0x71: {  	[sflag:s0] =	ssyncset.done $0x0  }
0x72: {  	s8 =	simm.s32 $0x0;
	[sflag:s0] =	ssyncadd.s32 $0xFFFFE700  }
0x73: {  	v3 =	vld [tilespmem:s8+$0x4000]  }
0x74: {  	v4 =	vld [tilespmem:s8+$0x4010]  }
0x75: {  	v5 =	vld [tilespmem:s8+$0x4020]  }
0x76: {  	v6 =	vld [tilespmem:s8+$0x4030]  }
0x77: {  	v7 =	vld [tilespmem:s8+$0x4040]  }
0x78: {  	v2 =	vld [tilespmem:s8+$0x4050]  }
0x79: {  	v1 =	vld [tilespmem:s8+$0x4060]  }
0x7a: {  	v0 =	vld [tilespmem:s8+$0x4070]  }
0x7b: {  	v8 =	vld [tilespmem:s8+$0x9400]  }
0x7c: {  	v9 =	vld [tilespmem:s8+$0xB000]  }
0x7d: {  	v10 =	vld [tilespmem:s8+$0x9410]  }
0x7e: {  	v11 =	vld [tilespmem:s8+$0xB010]  }
0x7f: {  	v12 =	vld [tilespmem:s8+$0x9420]  }
0x80: {  	v13 =	vld [tilespmem:s8+$0xB020];
	v8 =	vadd.f32 v8, v3  }
0x81: {  	v14 =	vld [tilespmem:s8+$0x9430];
	v3 =	vadd.f32 v9, v3  }
0x82: {  	v9 =	vadd.f32 v10, v4;
	[tilespmem:s8+$0x9400] =	vst v8;
	v8 =	vld [tilespmem:s8+$0xB030]  }
0x83: {  	v10 =	vld [tilespmem:s8+$0x9440];
	[tilespmem:s8+$0xB000] =	vst v3;
	v3 =	vadd.f32 v11, v4  }
0x84: {  	[tilespmem:s8+$0x9410] =	vst v9;
	v11 =	vld [tilespmem:s8+$0xB040];
	v9 =	vadd.f32 v12, v5  }
0x85: {  	v4 =	vld [tilespmem:s8+$0x9450];
	v5 =	vadd.f32 v13, v5;
	[tilespmem:s8+$0xB010] =	vst v3  }
0x86: {  	[tilespmem:s8+$0x9420] =	vst v9;
	v3 =	vld [tilespmem:s8+$0xB050];
	v9 =	vadd.f32 v14, v6  }
0x87: {  	[tilespmem:s8+$0xB020] =	vst v5;
	v5 =	vld [tilespmem:s8+$0x9460];
	v8 =	vadd.f32 v8, v6  }
0x88: {  	[tilespmem:s8+$0x9430] =	vst v9;
	v9 =	vadd.f32 v10, v7;
	v6 =	vld [tilespmem:s8+$0xB060]  }
0x89: {  	s9 =	simm.s32 $0x200;
	[tilespmem:s8+$0xB030] =	vst v8;
	v8 =	vadd.f32 v11, v7;
	v7 =	vld [tilespmem:s8+$0x9470]  }
.LBB2_4:
0x8a: {  	s10 =	sshra.s32 s9, $0x2;
	p0 =	sne.s32 s9, $0x6200;
	[tilespmem:s8+$0x9440] =	vst v9;
	v4 =	vadd.f32 v4, v2;
	v9 =	vld [tilespmem:s8+$0xB070]  }
0x8b: {  	v10 =	vld [tilespmem:s10+$0x4000];
	[tilespmem:s8+$0xB040] =	vst v8;
	v2 =	vadd.f32 v3, v2  }
0x8c: {  	v3 =	vld [tilespmem:s10+$0x4010];
	[tilespmem:s8+$0x9450] =	vst v4;
	v4 =	vadd.f32 v5, v1  }
0x8d: {  	v5 =	vld [tilespmem:s10+$0x4020];
	[tilespmem:s8+$0xB050] =	vst v2;
	v1 =	vadd.f32 v6, v1  }
0x8e: {  	v6 =	vld [tilespmem:s10+$0x4030];
	[tilespmem:s8+$0x9460] =	vst v4;
	v4 =	vadd.f32 v7, v0  }
0x8f: {  	v7 =	vld [tilespmem:s10+$0x4040];
	[tilespmem:s8+$0xB060] =	vst v1;
	v0 =	vadd.f32 v9, v0  }
0x90: {  	v2 =	vld [tilespmem:s10+$0x4050];
	[tilespmem:s8+$0x9470] =	vst v4  }
0x91: {  	v1 =	vld [tilespmem:s10+$0x4060];
	[tilespmem:s8+$0xB070] =	vst v0;
	s8 =	smov.u32 s10  }
0x92: {  	v0 =	vld [tilespmem:s8+$0x4070]  }
0x93: {  	v4 =	vld [tilespmem:s8+$0x9400]  }
0x94: {  	v8 =	vld [tilespmem:s8+$0xB000]  }
0x95: {  	v9 =	vld [tilespmem:s8+$0x9410]  }
0x96: {  	v11 =	vld [tilespmem:s8+$0xB010]  }
0x97: {  	v12 =	vld [tilespmem:s8+$0x9420]  }
0x98: {  	v4 =	vadd.f32 v4, v10;
	v13 =	vld [tilespmem:s8+$0xB020]  }
0x99: {  	v8 =	vadd.f32 v8, v10;
	v10 =	vld [tilespmem:s8+$0x9430]  }
0x9a: {  	[tilespmem:s8+$0x9400] =	vst v4;
	v4 =	vadd.f32 v9, v3;
	v9 =	vld [tilespmem:s8+$0xB030]  }
0x9b: {  	[tilespmem:s8+$0xB000] =	vst v8;
	v3 =	vadd.f32 v11, v3;
	v8 =	vld [tilespmem:s8+$0x9440]  }
0x9c: {  	[tilespmem:s8+$0x9410] =	vst v4;
	v11 =	vadd.f32 v12, v5;
	v12 =	vld [tilespmem:s8+$0xB040]  }
.Ltmp1:
0x9d: {  	[tilespmem:s8+$0xB010] =	vst v3;
	v5 =	vadd.f32 v13, v5;
	v4 =	vld [tilespmem:s8+$0x9450];
	(pc) =	sbr.rel @p0 .LBB2_4-.Ltmp1, $4  }
0x9e: {  	[tilespmem:s8+$0x9420] =	vst v11;
	v10 =	vadd.f32 v10, v6;
	v3 =	vld [tilespmem:s8+$0xB050]  }
0x9f: {  	[tilespmem:s8+$0xB020] =	vst v5;
	v11 =	vadd.f32 v9, v6;
	v5 =	vld [tilespmem:s8+$0x9460]  }
0xa0: {  	[tilespmem:s8+$0x9430] =	vst v10;
	v9 =	vadd.f32 v8, v7;
	v6 =	vld [tilespmem:s8+$0xB060]  }
0xa1: {  	s9 =	sadd.s32 $0x200, s9;
	[tilespmem:s8+$0xB030] =	vst v11;
	v8 =	vadd.f32 v12, v7;
	v7 =	vld [tilespmem:s8+$0x9470]  }
0xa2: {  	[tilespmem:s8+$0x9440] =	vst v9;
	v4 =	vadd.f32 v4, v2;
	v58 =	vld [tilespmem:s8+$0xB070]  }
0xa3: {  	[tilespmem:s8+$0xB040] =	vst v8;
	v59 =	vadd.f32 v3, v2  }
0xa4: {  	[tilespmem:s8+$0x9450] =	vst v4;
	v60 =	vadd.f32 v5, v1  }
0xa5: {  	[tilespmem:s8+$0xB050] =	vst v59;
	v61 =	vadd.f32 v6, v1  }
0xa6: {  	[tilespmem:s8+$0x9460] =	vst v60;
	v62 =	vadd.f32 v7, v0  }
0xa7: {  	[tilespmem:s8+$0xB060] =	vst v61;
	v63 =	vadd.f32 v58, v0  }
0xa8: {  	[tilespmem:s8+$0x9470] =	vst v62  }
0xa9: {  	s29 =	simm.s32 $0x0;
	s7 =	rddreg [dreg:$0x7];
	[tilespmem:s8+$0xB070] =	vst v63  }
0xaa: {  	[hbm4b:s7+s29] =	stream.linear.scatter [tilespmem:s20], [sflag:$0x6], $0x1900, $0x38;
	[tilespmem:$0x13C00] =	vst v63  }
0xab: {  	s31 =	sadd.s32 $0x380, s7  }
0xac: {  	[hbm4b:s31+s29] =	stream.linear.scatter [tilespmem:s22], [sflag:$0x6], $0x1900, $0x38;
	[tilespmem:$0x13C00] =	vst v63  }
.LBB2_6:
0xad: {  	s12 =	sshll.u32 s29, $0x3  }
0xae: {  	_ =	swait.ge [sflag:s3], $0x3200;
	s8 =	sadd.s32 $0x8, s12  }
0xaf: {  	s11 =	sshll.u32 s29, $0xA;
	[sflag:s3] =	ssyncset.done $0x0;
	s9 =	sshll.u32 s8, $0x7  }
0xb0: {  	s31 =	sand.u32 $0x3FFFFC00, s11;
	[sflag:s3] =	ssyncadd.s32 $0xFFFFCE00;
	s9 =	sand.u32 $0x3FFFFC00, s9  }
0xb1: {  	[tilespmem:s16], [sflag:$0x1] =	stream.indirect.gather [hbm4b:s1+s15], $0x80, s9, s15, $0xb8;
	[tilespmem:$0x13C00] =	vst v63  }
0xb2: {  	s9 =	sadd.s32 $0x480, s31  }
0xb3: {  	[tilespmem:s18], [sflag:$0x1] =	stream.indirect.gather [hbm4b:s1+s15], $0x80, s9, s15, $0xb8;
	[tilespmem:$0x13C00] =	vst v63  }
0xb4: {  	_ =	swait.ge [sflag:s14], $0x1900  }
0xb5: {  	[sflag:s14] =	ssyncset.done $0x0  }
0xb6: {  	[sflag:s14] =	ssyncadd.s32 $0xFFFFE700  }
0xb7: {  	_ =	swait.ge [sflag:s14], $0x1900  }
0xb8: {  	[sflag:s14] =	ssyncset.done $0x0  }
0xb9: {  	s10 =	simm.s32 $0x0;
	[sflag:s14] =	ssyncadd.s32 $0xFFFFE700  }
0xba: {  	v3 =	vld [tilespmem:s10+$0x4000]  }
0xbb: {  	v4 =	vld [tilespmem:s10+$0x4010]  }
0xbc: {  	v5 =	vld [tilespmem:s10+$0x4020]  }
0xbd: {  	v6 =	vld [tilespmem:s10+$0x4030]  }
0xbe: {  	v7 =	vld [tilespmem:s10+$0x4040]  }
0xbf: {  	v2 =	vld [tilespmem:s10+$0x4050]  }
0xc0: {  	v1 =	vld [tilespmem:s10+$0x4060]  }
0xc1: {  	v0 =	vld [tilespmem:s10+$0x4070]  }
0xc2: {  	v8 =	vld [tilespmem:s10+$0xCC00]  }
0xc3: {  	v9 =	vld [tilespmem:s10+$0xE800]  }
0xc4: {  	v10 =	vld [tilespmem:s10+$0xCC10]  }
0xc5: {  	v11 =	vld [tilespmem:s10+$0xE810]  }
0xc6: {  	v12 =	vld [tilespmem:s10+$0xCC20]  }
0xc7: {  	v13 =	vld [tilespmem:s10+$0xE820];
	v8 =	vadd.f32 v8, v3  }
0xc8: {  	v14 =	vld [tilespmem:s10+$0xCC30];
	v3 =	vadd.f32 v9, v3  }
0xc9: {  	v9 =	vadd.f32 v10, v4;
	[tilespmem:s10+$0xCC00] =	vst v8;
	v8 =	vld [tilespmem:s10+$0xE830]  }
0xca: {  	v10 =	vld [tilespmem:s10+$0xCC40];
	[tilespmem:s10+$0xE800] =	vst v3;
	v3 =	vadd.f32 v11, v4  }
0xcb: {  	[tilespmem:s10+$0xCC10] =	vst v9;
	v11 =	vld [tilespmem:s10+$0xE840];
	v9 =	vadd.f32 v12, v5  }
0xcc: {  	v4 =	vld [tilespmem:s10+$0xCC50];
	v5 =	vadd.f32 v13, v5;
	[tilespmem:s10+$0xE810] =	vst v3  }
0xcd: {  	[tilespmem:s10+$0xCC20] =	vst v9;
	v3 =	vld [tilespmem:s10+$0xE850];
	v9 =	vadd.f32 v14, v6  }
0xce: {  	[tilespmem:s10+$0xE820] =	vst v5;
	v5 =	vld [tilespmem:s10+$0xCC60];
	v8 =	vadd.f32 v8, v6  }
0xcf: {  	[tilespmem:s10+$0xCC30] =	vst v9;
	v9 =	vadd.f32 v10, v7;
	v6 =	vld [tilespmem:s10+$0xE860]  }
0xd0: {  	s9 =	simm.s32 $0x200;
	[tilespmem:s10+$0xE830] =	vst v8;
	v8 =	vadd.f32 v11, v7;
	v7 =	vld [tilespmem:s10+$0xCC70]  }
.LBB2_7:
0xd1: {  	s11 =	sshra.s32 s9, $0x2;
	p0 =	sne.s32 s9, $0x6200;
	[tilespmem:s10+$0xCC40] =	vst v9;
	v4 =	vadd.f32 v4, v2;
	v9 =	vld [tilespmem:s10+$0xE870]  }
0xd2: {  	v10 =	vld [tilespmem:s11+$0x4000];
	[tilespmem:s10+$0xE840] =	vst v8;
	v2 =	vadd.f32 v3, v2  }
0xd3: {  	v3 =	vld [tilespmem:s11+$0x4010];
	[tilespmem:s10+$0xCC50] =	vst v4;
	v4 =	vadd.f32 v5, v1  }
0xd4: {  	v5 =	vld [tilespmem:s11+$0x4020];
	[tilespmem:s10+$0xE850] =	vst v2;
	v1 =	vadd.f32 v6, v1  }
0xd5: {  	v6 =	vld [tilespmem:s11+$0x4030];
	[tilespmem:s10+$0xCC60] =	vst v4;
	v4 =	vadd.f32 v7, v0  }
0xd6: {  	v7 =	vld [tilespmem:s11+$0x4040];
	[tilespmem:s10+$0xE860] =	vst v1;
	v0 =	vadd.f32 v9, v0  }
0xd7: {  	v2 =	vld [tilespmem:s11+$0x4050];
	[tilespmem:s10+$0xCC70] =	vst v4  }
0xd8: {  	v1 =	vld [tilespmem:s11+$0x4060];
	[tilespmem:s10+$0xE870] =	vst v0;
	s10 =	smov.u32 s11  }
0xd9: {  	v0 =	vld [tilespmem:s10+$0x4070]  }
0xda: {  	v4 =	vld [tilespmem:s10+$0xCC00]  }
0xdb: {  	v8 =	vld [tilespmem:s10+$0xE800]  }
0xdc: {  	v9 =	vld [tilespmem:s10+$0xCC10]  }
0xdd: {  	v11 =	vld [tilespmem:s10+$0xE810]  }
0xde: {  	v12 =	vld [tilespmem:s10+$0xCC20]  }
0xdf: {  	v4 =	vadd.f32 v4, v10;
	v13 =	vld [tilespmem:s10+$0xE820]  }
0xe0: {  	v8 =	vadd.f32 v8, v10;
	v10 =	vld [tilespmem:s10+$0xCC30]  }
0xe1: {  	[tilespmem:s10+$0xCC00] =	vst v4;
	v4 =	vadd.f32 v9, v3;
	v9 =	vld [tilespmem:s10+$0xE830]  }
0xe2: {  	[tilespmem:s10+$0xE800] =	vst v8;
	v3 =	vadd.f32 v11, v3;
	v8 =	vld [tilespmem:s10+$0xCC40]  }
0xe3: {  	[tilespmem:s10+$0xCC10] =	vst v4;
	v11 =	vadd.f32 v12, v5;
	v12 =	vld [tilespmem:s10+$0xE840]  }
.Ltmp2:
0xe4: {  	[tilespmem:s10+$0xE810] =	vst v3;
	v5 =	vadd.f32 v13, v5;
	v4 =	vld [tilespmem:s10+$0xCC50];
	(pc) =	sbr.rel @p0 .LBB2_7-.Ltmp2, $4  }
0xe5: {  	[tilespmem:s10+$0xCC20] =	vst v11;
	v10 =	vadd.f32 v10, v6;
	v3 =	vld [tilespmem:s10+$0xE850]  }
0xe6: {  	[tilespmem:s10+$0xE820] =	vst v5;
	v11 =	vadd.f32 v9, v6;
	v5 =	vld [tilespmem:s10+$0xCC60]  }
0xe7: {  	[tilespmem:s10+$0xCC30] =	vst v10;
	v9 =	vadd.f32 v8, v7;
	v6 =	vld [tilespmem:s10+$0xE860]  }
0xe8: {  	s9 =	sadd.s32 $0x200, s9;
	[tilespmem:s10+$0xE830] =	vst v11;
	v8 =	vadd.f32 v12, v7;
	v7 =	vld [tilespmem:s10+$0xCC70]  }
0xe9: {  	[tilespmem:s10+$0xCC40] =	vst v9;
	v4 =	vadd.f32 v4, v2;
	v9 =	vld [tilespmem:s10+$0xE870]  }
0xea: {  	[tilespmem:s10+$0xE840] =	vst v8;
	v2 =	vadd.f32 v3, v2  }
0xeb: {  	[tilespmem:s10+$0xCC50] =	vst v4;
	v3 =	vadd.f32 v5, v1  }
0xec: {  	s9 =	sadd.s32 s12, s4;
	[tilespmem:s10+$0xE850] =	vst v2;
	v1 =	vadd.f32 v6, v1  }
0xed: {  	s9 =	smul.u32 $0x380, s9;
	[tilespmem:s10+$0xCC60] =	vst v3;
	v2 =	vadd.f32 v7, v0  }
0xee: {  	[tilespmem:s10+$0xE860] =	vst v1;
	v0 =	vadd.f32 v9, v0  }
0xef: {  	s9 =	sadd.s32 s6, s9;
	[tilespmem:s10+$0xCC70] =	vst v2  }
0xf0: {  	s11 =	simm.s32 $0x0;
	s7 =	sadd.s32 $0xE00, s9;
	[tilespmem:s10+$0xE870] =	vst v0  }
0xf1: {  	[hbm4b:s7+s11] =	stream.linear.scatter [tilespmem:s24], [sflag:$0x7], $0x1900, $0x38;
	[tilespmem:$0x13C00] =	vst v63  }
0xf2: {  	s7 =	sadd.s32 $0x1180, s9  }
0xf3: {  	[hbm4b:s7+s11] =	stream.linear.scatter [tilespmem:s26], [sflag:$0x7], $0x1900, $0x38;
	[tilespmem:$0x13C00] =	vst v63  }
0xf4: {  	s12 =	sadd.s32 $0xA, s12;
	_ =	swait.ge [sflag:s17], $0x3200  }
0xf5: {  	s7 =	sshll.u32 s12, $0x7;
	[sflag:s17] =	ssyncset.done $0x0  }
0xf6: {  	s10 =	sand.u32 $0x3FFFFF80, s7;
	[sflag:s17] =	ssyncadd.s32 $0xFFFFCE00  }
0xf7: {  	[tilespmem:s20], [sflag:$0x2] =	stream.indirect.gather [hbm4b:s1+s15], $0x80, s10, s15, $0xb8;
	[tilespmem:$0x13C00] =	vst v63  }
0xf8: {  	s11 =	sadd.s32 $0x580, s31  }
0xf9: {  	[tilespmem:s22], [sflag:$0x2] =	stream.indirect.gather [hbm4b:s1+s15], $0x80, s11, s15, $0xb8;
	[tilespmem:$0x13C00] =	vst v63  }
0xfa: {  	_ =	swait.ge [sflag:s19], $0x1900  }
0xfb: {  	[sflag:s19] =	ssyncset.done $0x0  }
0xfc: {  	[sflag:s19] =	ssyncadd.s32 $0xFFFFE700  }
0xfd: {  	_ =	swait.ge [sflag:s19], $0x1900  }
0xfe: {  	[sflag:s19] =	ssyncset.done $0x0  }
0xff: {  	s10 =	simm.s32 $0x0;
	[sflag:s19] =	ssyncadd.s32 $0xFFFFE700  }
0x100: {  	v3 =	vld [tilespmem:s10+$0x4000]  }
0x101: {  	v4 =	vld [tilespmem:s10+$0x4010]  }
0x102: {  	v5 =	vld [tilespmem:s10+$0x4020]  }
0x103: {  	v6 =	vld [tilespmem:s10+$0x4030]  }
0x104: {  	v7 =	vld [tilespmem:s10+$0x4040]  }
0x105: {  	v2 =	vld [tilespmem:s10+$0x4050]  }
0x106: {  	v1 =	vld [tilespmem:s10+$0x4060]  }
0x107: {  	v0 =	vld [tilespmem:s10+$0x4070]  }
0x108: {  	v8 =	vld [tilespmem:s10+$0x10400]  }
0x109: {  	v9 =	vld [tilespmem:s10+$0x12000]  }
0x10a: {  	v10 =	vld [tilespmem:s10+$0x10410]  }
0x10b: {  	v11 =	vld [tilespmem:s10+$0x12010]  }
0x10c: {  	v12 =	vld [tilespmem:s10+$0x10420]  }
0x10d: {  	v13 =	vld [tilespmem:s10+$0x12020];
	v8 =	vadd.f32 v8, v3  }
0x10e: {  	v14 =	vld [tilespmem:s10+$0x10430];
	v3 =	vadd.f32 v9, v3  }
0x10f: {  	v9 =	vadd.f32 v10, v4;
	[tilespmem:s10+$0x10400] =	vst v8;
	v8 =	vld [tilespmem:s10+$0x12030]  }
0x110: {  	v10 =	vld [tilespmem:s10+$0x10440];
	[tilespmem:s10+$0x12000] =	vst v3;
	v3 =	vadd.f32 v11, v4  }
0x111: {  	[tilespmem:s10+$0x10410] =	vst v9;
	v11 =	vld [tilespmem:s10+$0x12040];
	v9 =	vadd.f32 v12, v5  }
0x112: {  	v4 =	vld [tilespmem:s10+$0x10450];
	v5 =	vadd.f32 v13, v5;
	[tilespmem:s10+$0x12010] =	vst v3  }
0x113: {  	[tilespmem:s10+$0x10420] =	vst v9;
	v3 =	vld [tilespmem:s10+$0x12050];
	v9 =	vadd.f32 v14, v6  }
0x114: {  	[tilespmem:s10+$0x12020] =	vst v5;
	v5 =	vld [tilespmem:s10+$0x10460];
	v8 =	vadd.f32 v8, v6  }
0x115: {  	[tilespmem:s10+$0x10430] =	vst v9;
	v9 =	vadd.f32 v10, v7;
	v6 =	vld [tilespmem:s10+$0x12060]  }
0x116: {  	s11 =	simm.s32 $0x200;
	[tilespmem:s10+$0x12030] =	vst v8;
	v8 =	vadd.f32 v11, v7;
	v7 =	vld [tilespmem:s10+$0x10470]  }
.LBB2_9:
0x117: {  	s7 =	sshra.s32 s11, $0x2;
	p0 =	sne.s32 s11, $0x6200;
	[tilespmem:s10+$0x10440] =	vst v9;
	v4 =	vadd.f32 v4, v2;
	v9 =	vld [tilespmem:s10+$0x12070]  }
0x118: {  	v10 =	vld [tilespmem:s7+$0x4000];
	[tilespmem:s10+$0x12040] =	vst v8;
	v2 =	vadd.f32 v3, v2  }
0x119: {  	v3 =	vld [tilespmem:s7+$0x4010];
	[tilespmem:s10+$0x10450] =	vst v4;
	v4 =	vadd.f32 v5, v1  }
0x11a: {  	v5 =	vld [tilespmem:s7+$0x4020];
	[tilespmem:s10+$0x12050] =	vst v2;
	v1 =	vadd.f32 v6, v1  }
0x11b: {  	v6 =	vld [tilespmem:s7+$0x4030];
	[tilespmem:s10+$0x10460] =	vst v4;
	v4 =	vadd.f32 v7, v0  }
0x11c: {  	v7 =	vld [tilespmem:s7+$0x4040];
	[tilespmem:s10+$0x12060] =	vst v1;
	v0 =	vadd.f32 v9, v0  }
0x11d: {  	v2 =	vld [tilespmem:s7+$0x4050];
	[tilespmem:s10+$0x10470] =	vst v4  }
0x11e: {  	v1 =	vld [tilespmem:s7+$0x4060];
	[tilespmem:s10+$0x12070] =	vst v0;
	s10 =	smov.u32 s7  }
0x11f: {  	v0 =	vld [tilespmem:s10+$0x4070]  }
0x120: {  	v4 =	vld [tilespmem:s10+$0x10400]  }
0x121: {  	v8 =	vld [tilespmem:s10+$0x12000]  }
0x122: {  	v9 =	vld [tilespmem:s10+$0x10410]  }
0x123: {  	v11 =	vld [tilespmem:s10+$0x12010]  }
0x124: {  	v12 =	vld [tilespmem:s10+$0x10420]  }
0x125: {  	v4 =	vadd.f32 v4, v10;
	v13 =	vld [tilespmem:s10+$0x12020]  }
0x126: {  	v8 =	vadd.f32 v8, v10;
	v10 =	vld [tilespmem:s10+$0x10430]  }
0x127: {  	[tilespmem:s10+$0x10400] =	vst v4;
	v4 =	vadd.f32 v9, v3;
	v9 =	vld [tilespmem:s10+$0x12030]  }
0x128: {  	[tilespmem:s10+$0x12000] =	vst v8;
	v3 =	vadd.f32 v11, v3;
	v8 =	vld [tilespmem:s10+$0x10440]  }
0x129: {  	[tilespmem:s10+$0x10410] =	vst v4;
	v11 =	vadd.f32 v12, v5;
	v12 =	vld [tilespmem:s10+$0x12040]  }
.Ltmp3:
0x12a: {  	[tilespmem:s10+$0x12010] =	vst v3;
	v5 =	vadd.f32 v13, v5;
	v4 =	vld [tilespmem:s10+$0x10450];
	(pc) =	sbr.rel @p0 .LBB2_9-.Ltmp3, $4  }
0x12b: {  	[tilespmem:s10+$0x10420] =	vst v11;
	v10 =	vadd.f32 v10, v6;
	v3 =	vld [tilespmem:s10+$0x12050]  }
0x12c: {  	[tilespmem:s10+$0x12020] =	vst v5;
	v11 =	vadd.f32 v9, v6;
	v5 =	vld [tilespmem:s10+$0x10460]  }
0x12d: {  	[tilespmem:s10+$0x10430] =	vst v10;
	v9 =	vadd.f32 v8, v7;
	v6 =	vld [tilespmem:s10+$0x12060]  }
0x12e: {  	s11 =	sadd.s32 $0x200, s11;
	[tilespmem:s10+$0x12030] =	vst v11;
	v8 =	vadd.f32 v12, v7;
	v7 =	vld [tilespmem:s10+$0x10470]  }
0x12f: {  	[tilespmem:s10+$0x10440] =	vst v9;
	v4 =	vadd.f32 v4, v2;
	v9 =	vld [tilespmem:s10+$0x12070]  }
0x130: {  	[tilespmem:s10+$0x12040] =	vst v8;
	v2 =	vadd.f32 v3, v2  }
0x131: {  	[tilespmem:s10+$0x10450] =	vst v4;
	v3 =	vadd.f32 v5, v1  }
0x132: {  	[tilespmem:s10+$0x12050] =	vst v2;
	v1 =	vadd.f32 v6, v1  }
0x133: {  	[tilespmem:s10+$0x10460] =	vst v3;
	v2 =	vadd.f32 v7, v0  }
0x134: {  	[tilespmem:s10+$0x12060] =	vst v1;
	v0 =	vadd.f32 v9, v0  }
0x135: {  	[tilespmem:s10+$0x10470] =	vst v2  }
0x136: {  	s7 =	sadd.s32 $0x1500, s9;
	s11 =	simm.s32 $0x0;
	[tilespmem:s10+$0x12070] =	vst v0  }
0x137: {  	[hbm4b:s7+s11] =	stream.linear.scatter [tilespmem:s30], [sflag:$0x8], $0x1900, $0x38;
	[tilespmem:$0x13C00] =	vst v63  }
0x138: {  	s9 =	sadd.s32 $0x1880, s9  }
0x139: {  	[hbm4b:s9+s11] =	stream.linear.scatter [tilespmem:s2], [sflag:$0x8], $0x1900, $0x38;
	[tilespmem:$0x13C00] =	vst v63  }
0x13a: {  	_ =	swait.ge [sflag:s21], $0x3200  }
0x13b: {  	[sflag:s21] =	ssyncset.done $0x0  }
0x13c: {  	s10 =	sadd.s32 $0x600, s31;
	[sflag:s21] =	ssyncadd.s32 $0xFFFFCE00  }
0x13d: {  	[tilespmem:s24], [sflag:$0x3] =	stream.indirect.gather [hbm4b:s1+s15], $0x80, s10, s15, $0xb8;
	[tilespmem:$0x13C00] =	vst v63  }
0x13e: {  	s11 =	sadd.s32 $0x680, s31  }
0x13f: {  	[tilespmem:s26], [sflag:$0x3] =	stream.indirect.gather [hbm4b:s1+s15], $0x80, s11, s15, $0xb8;
	[tilespmem:$0x13C00] =	vst v63  }
0x140: {  	_ =	swait.ge [sflag:s28], $0x1900  }
0x141: {  	[sflag:s28] =	ssyncset.done $0x0  }
0x142: {  	[sflag:s28] =	ssyncadd.s32 $0xFFFFE700  }
0x143: {  	_ =	swait.ge [sflag:s28], $0x1900  }
0x144: {  	[sflag:s28] =	ssyncset.done $0x0  }
0x145: {  	s9 =	simm.s32 $0x0;
	[sflag:s28] =	ssyncadd.s32 $0xFFFFE700  }
0x146: {  	v3 =	vld [tilespmem:s9+$0x4000]  }
0x147: {  	v4 =	vld [tilespmem:s9+$0x4010]  }
0x148: {  	v5 =	vld [tilespmem:s9+$0x4020]  }
0x149: {  	v6 =	vld [tilespmem:s9+$0x4030]  }
0x14a: {  	v7 =	vld [tilespmem:s9+$0x4040]  }
0x14b: {  	v2 =	vld [tilespmem:s9+$0x4050]  }
0x14c: {  	v1 =	vld [tilespmem:s9+$0x4060]  }
0x14d: {  	v0 =	vld [tilespmem:s9+$0x4070]  }
0x14e: {  	v8 =	vld [tilespmem:s9+$0x5C00]  }
0x14f: {  	v9 =	vld [tilespmem:s9+$0x7800]  }
0x150: {  	v10 =	vld [tilespmem:s9+$0x5C10]  }
0x151: {  	v11 =	vld [tilespmem:s9+$0x7810]  }
0x152: {  	v12 =	vld [tilespmem:s9+$0x5C20]  }
0x153: {  	v13 =	vld [tilespmem:s9+$0x7820];
	v8 =	vadd.f32 v8, v3  }
0x154: {  	v14 =	vld [tilespmem:s9+$0x5C30];
	v3 =	vadd.f32 v9, v3  }
0x155: {  	v9 =	vadd.f32 v10, v4;
	[tilespmem:s9+$0x5C00] =	vst v8;
	v8 =	vld [tilespmem:s9+$0x7830]  }
0x156: {  	v10 =	vld [tilespmem:s9+$0x5C40];
	[tilespmem:s9+$0x7800] =	vst v3;
	v3 =	vadd.f32 v11, v4  }
0x157: {  	[tilespmem:s9+$0x5C10] =	vst v9;
	v11 =	vld [tilespmem:s9+$0x7840];
	v9 =	vadd.f32 v12, v5  }
0x158: {  	v4 =	vld [tilespmem:s9+$0x5C50];
	v5 =	vadd.f32 v13, v5;
	[tilespmem:s9+$0x7810] =	vst v3  }
0x159: {  	[tilespmem:s9+$0x5C20] =	vst v9;
	v3 =	vld [tilespmem:s9+$0x7850];
	v9 =	vadd.f32 v14, v6  }
0x15a: {  	[tilespmem:s9+$0x7820] =	vst v5;
	v5 =	vld [tilespmem:s9+$0x5C60];
	v8 =	vadd.f32 v8, v6  }
0x15b: {  	[tilespmem:s9+$0x5C30] =	vst v9;
	v9 =	vadd.f32 v10, v7;
	v6 =	vld [tilespmem:s9+$0x7860]  }
0x15c: {  	s10 =	simm.s32 $0x200;
	[tilespmem:s9+$0x7830] =	vst v8;
	v8 =	vadd.f32 v11, v7;
	v7 =	vld [tilespmem:s9+$0x5C70]  }
.LBB2_11:
0x15d: {  	s7 =	sshra.s32 s10, $0x2;
	p0 =	sne.s32 s10, $0x6200;
	[tilespmem:s9+$0x5C40] =	vst v9;
	v4 =	vadd.f32 v4, v2;
	v9 =	vld [tilespmem:s9+$0x7870]  }
0x15e: {  	v10 =	vld [tilespmem:s7+$0x4000];
	[tilespmem:s9+$0x7840] =	vst v8;
	v2 =	vadd.f32 v3, v2  }
0x15f: {  	v3 =	vld [tilespmem:s7+$0x4010];
	[tilespmem:s9+$0x5C50] =	vst v4;
	v4 =	vadd.f32 v5, v1  }
0x160: {  	v5 =	vld [tilespmem:s7+$0x4020];
	[tilespmem:s9+$0x7850] =	vst v2;
	v1 =	vadd.f32 v6, v1  }
0x161: {  	v6 =	vld [tilespmem:s7+$0x4030];
	[tilespmem:s9+$0x5C60] =	vst v4;
	v4 =	vadd.f32 v7, v0  }
0x162: {  	v7 =	vld [tilespmem:s7+$0x4040];
	[tilespmem:s9+$0x7860] =	vst v1;
	v0 =	vadd.f32 v9, v0  }
0x163: {  	v2 =	vld [tilespmem:s7+$0x4050];
	[tilespmem:s9+$0x5C70] =	vst v4  }
0x164: {  	v1 =	vld [tilespmem:s7+$0x4060];
	[tilespmem:s9+$0x7870] =	vst v0;
	s9 =	smov.u32 s7  }
0x165: {  	v0 =	vld [tilespmem:s9+$0x4070]  }
0x166: {  	v4 =	vld [tilespmem:s9+$0x5C00]  }
0x167: {  	v8 =	vld [tilespmem:s9+$0x7800]  }
0x168: {  	v9 =	vld [tilespmem:s9+$0x5C10]  }
0x169: {  	v11 =	vld [tilespmem:s9+$0x7810]  }
0x16a: {  	v12 =	vld [tilespmem:s9+$0x5C20]  }
0x16b: {  	v4 =	vadd.f32 v4, v10;
	v13 =	vld [tilespmem:s9+$0x7820]  }
0x16c: {  	v8 =	vadd.f32 v8, v10;
	v10 =	vld [tilespmem:s9+$0x5C30]  }
0x16d: {  	[tilespmem:s9+$0x5C00] =	vst v4;
	v4 =	vadd.f32 v9, v3;
	v9 =	vld [tilespmem:s9+$0x7830]  }
0x16e: {  	[tilespmem:s9+$0x7800] =	vst v8;
	v3 =	vadd.f32 v11, v3;
	v8 =	vld [tilespmem:s9+$0x5C40]  }
0x16f: {  	[tilespmem:s9+$0x5C10] =	vst v4;
	v11 =	vadd.f32 v12, v5;
	v12 =	vld [tilespmem:s9+$0x7840]  }
.Ltmp4:
0x170: {  	[tilespmem:s9+$0x7810] =	vst v3;
	v5 =	vadd.f32 v13, v5;
	v4 =	vld [tilespmem:s9+$0x5C50];
	(pc) =	sbr.rel @p0 .LBB2_11-.Ltmp4, $4  }
0x171: {  	[tilespmem:s9+$0x5C20] =	vst v11;
	v10 =	vadd.f32 v10, v6;
	v3 =	vld [tilespmem:s9+$0x7850]  }
0x172: {  	[tilespmem:s9+$0x7820] =	vst v5;
	v11 =	vadd.f32 v9, v6;
	v5 =	vld [tilespmem:s9+$0x5C60]  }
0x173: {  	[tilespmem:s9+$0x5C30] =	vst v10;
	v9 =	vadd.f32 v8, v7;
	v6 =	vld [tilespmem:s9+$0x7860]  }
0x174: {  	s10 =	sadd.s32 $0x200, s10;
	[tilespmem:s9+$0x7830] =	vst v11;
	v8 =	vadd.f32 v12, v7;
	v7 =	vld [tilespmem:s9+$0x5C70]  }
0x175: {  	[tilespmem:s9+$0x5C40] =	vst v9;
	v4 =	vadd.f32 v4, v2;
	v9 =	vld [tilespmem:s9+$0x7870]  }
0x176: {  	[tilespmem:s9+$0x7840] =	vst v8;
	v2 =	vadd.f32 v3, v2  }
0x177: {  	[tilespmem:s9+$0x5C50] =	vst v4;
	v3 =	vadd.f32 v5, v1  }
0x178: {  	[tilespmem:s9+$0x7850] =	vst v2;
	v1 =	vadd.f32 v6, v1  }
0x179: {  	s7 =	sadd.s32 s4, s8;
	[tilespmem:s9+$0x5C60] =	vst v3;
	v2 =	vadd.f32 v7, v0  }
0x17a: {  	s7 =	smul.u32 $0x380, s7;
	[tilespmem:s9+$0x7860] =	vst v1;
	v0 =	vadd.f32 v9, v0  }
0x17b: {  	[tilespmem:s9+$0x5C70] =	vst v2  }
0x17c: {  	s10 =	simm.s32 $0x0;
	s7 =	sadd.s32 s6, s7;
	[tilespmem:s9+$0x7870] =	vst v0  }
0x17d: {  	[hbm4b:s7+s10] =	stream.linear.scatter [tilespmem:s16], [sflag:$0x5], $0x1900, $0x38;
	[tilespmem:$0x13C00] =	vst v63  }
0x17e: {  	s7 =	sadd.s32 $0x380, s7  }
0x17f: {  	[hbm4b:s7+s10] =	stream.linear.scatter [tilespmem:s18], [sflag:$0x5], $0x1900, $0x38;
	[tilespmem:$0x13C00] =	vst v63  }
0x180: {  	_ =	swait.ge [sflag:s23], $0x3200  }
0x181: {  	[sflag:s23] =	ssyncset.done $0x0  }
0x182: {  	s11 =	sadd.s32 $0x700, s31;
	[sflag:s23] =	ssyncadd.s32 $0xFFFFCE00  }
0x183: {  	[tilespmem:s30], [sflag:$0x4] =	stream.indirect.gather [hbm4b:s1+s15], $0x80, s11, s15, $0xb8;
	[tilespmem:$0x13C00] =	vst v63  }
0x184: {  	s31 =	sadd.s32 $0x780, s31  }
0x185: {  	[tilespmem:s2], [sflag:$0x4] =	stream.indirect.gather [hbm4b:s1+s15], $0x80, s31, s15, $0xb8;
	[tilespmem:$0x13C00] =	vst v63  }
0x186: {  	_ =	swait.ge [sflag:s0], $0x1900  }
0x187: {  	[sflag:s0] =	ssyncset.done $0x0  }
0x188: {  	[sflag:s0] =	ssyncadd.s32 $0xFFFFE700  }
0x189: {  	_ =	swait.ge [sflag:s0], $0x1900  }
0x18a: {  	[sflag:s0] =	ssyncset.done $0x0  }
0x18b: {  	s8 =	simm.s32 $0x0;
	[sflag:s0] =	ssyncadd.s32 $0xFFFFE700  }
0x18c: {  	v3 =	vld [tilespmem:s8+$0x4000]  }
0x18d: {  	v4 =	vld [tilespmem:s8+$0x4010]  }
0x18e: {  	v5 =	vld [tilespmem:s8+$0x4020]  }
0x18f: {  	v6 =	vld [tilespmem:s8+$0x4030]  }
0x190: {  	v7 =	vld [tilespmem:s8+$0x4040]  }
0x191: {  	v2 =	vld [tilespmem:s8+$0x4050]  }
0x192: {  	v1 =	vld [tilespmem:s8+$0x4060]  }
0x193: {  	v0 =	vld [tilespmem:s8+$0x4070]  }
0x194: {  	v8 =	vld [tilespmem:s8+$0x9400]  }
0x195: {  	v9 =	vld [tilespmem:s8+$0xB000]  }
0x196: {  	v10 =	vld [tilespmem:s8+$0x9410]  }
0x197: {  	v11 =	vld [tilespmem:s8+$0xB010]  }
0x198: {  	v12 =	vld [tilespmem:s8+$0x9420]  }
0x199: {  	v13 =	vld [tilespmem:s8+$0xB020];
	v8 =	vadd.f32 v8, v3  }
0x19a: {  	v14 =	vld [tilespmem:s8+$0x9430];
	v3 =	vadd.f32 v9, v3  }
0x19b: {  	v9 =	vadd.f32 v10, v4;
	[tilespmem:s8+$0x9400] =	vst v8;
	v8 =	vld [tilespmem:s8+$0xB030]  }
0x19c: {  	v10 =	vld [tilespmem:s8+$0x9440];
	[tilespmem:s8+$0xB000] =	vst v3;
	v3 =	vadd.f32 v11, v4  }
0x19d: {  	[tilespmem:s8+$0x9410] =	vst v9;
	v11 =	vld [tilespmem:s8+$0xB040];
	v9 =	vadd.f32 v12, v5  }
0x19e: {  	v4 =	vld [tilespmem:s8+$0x9450];
	v5 =	vadd.f32 v13, v5;
	[tilespmem:s8+$0xB010] =	vst v3  }
0x19f: {  	[tilespmem:s8+$0x9420] =	vst v9;
	v3 =	vld [tilespmem:s8+$0xB050];
	v9 =	vadd.f32 v14, v6  }
0x1a0: {  	[tilespmem:s8+$0xB020] =	vst v5;
	v5 =	vld [tilespmem:s8+$0x9460];
	v8 =	vadd.f32 v8, v6  }
0x1a1: {  	[tilespmem:s8+$0x9430] =	vst v9;
	v9 =	vadd.f32 v10, v7;
	v6 =	vld [tilespmem:s8+$0xB060]  }
0x1a2: {  	s9 =	simm.s32 $0x200;
	[tilespmem:s8+$0xB030] =	vst v8;
	v8 =	vadd.f32 v11, v7;
	v7 =	vld [tilespmem:s8+$0x9470]  }
.LBB2_13:
0x1a3: {  	s7 =	sshra.s32 s9, $0x2;
	p0 =	sne.s32 s9, $0x6200;
	[tilespmem:s8+$0x9440] =	vst v9;
	v4 =	vadd.f32 v4, v2;
	v9 =	vld [tilespmem:s8+$0xB070]  }
0x1a4: {  	v10 =	vld [tilespmem:s7+$0x4000];
	[tilespmem:s8+$0xB040] =	vst v8;
	v2 =	vadd.f32 v3, v2  }
0x1a5: {  	v3 =	vld [tilespmem:s7+$0x4010];
	[tilespmem:s8+$0x9450] =	vst v4;
	v4 =	vadd.f32 v5, v1  }
0x1a6: {  	v5 =	vld [tilespmem:s7+$0x4020];
	[tilespmem:s8+$0xB050] =	vst v2;
	v1 =	vadd.f32 v6, v1  }
0x1a7: {  	v6 =	vld [tilespmem:s7+$0x4030];
	[tilespmem:s8+$0x9460] =	vst v4;
	v4 =	vadd.f32 v7, v0  }
0x1a8: {  	v7 =	vld [tilespmem:s7+$0x4040];
	[tilespmem:s8+$0xB060] =	vst v1;
	v0 =	vadd.f32 v9, v0  }
0x1a9: {  	v2 =	vld [tilespmem:s7+$0x4050];
	[tilespmem:s8+$0x9470] =	vst v4  }
0x1aa: {  	v1 =	vld [tilespmem:s7+$0x4060];
	[tilespmem:s8+$0xB070] =	vst v0;
	s8 =	smov.u32 s7  }
0x1ab: {  	v0 =	vld [tilespmem:s8+$0x4070]  }
0x1ac: {  	v4 =	vld [tilespmem:s8+$0x9400]  }
0x1ad: {  	v8 =	vld [tilespmem:s8+$0xB000]  }
0x1ae: {  	v9 =	vld [tilespmem:s8+$0x9410]  }
0x1af: {  	v11 =	vld [tilespmem:s8+$0xB010]  }
0x1b0: {  	v12 =	vld [tilespmem:s8+$0x9420]  }
0x1b1: {  	v4 =	vadd.f32 v4, v10;
	v13 =	vld [tilespmem:s8+$0xB020]  }
0x1b2: {  	v8 =	vadd.f32 v8, v10;
	v10 =	vld [tilespmem:s8+$0x9430]  }
0x1b3: {  	[tilespmem:s8+$0x9400] =	vst v4;
	v4 =	vadd.f32 v9, v3;
	v9 =	vld [tilespmem:s8+$0xB030]  }
0x1b4: {  	[tilespmem:s8+$0xB000] =	vst v8;
	v3 =	vadd.f32 v11, v3;
	v8 =	vld [tilespmem:s8+$0x9440]  }
0x1b5: {  	[tilespmem:s8+$0x9410] =	vst v4;
	v11 =	vadd.f32 v12, v5;
	v12 =	vld [tilespmem:s8+$0xB040]  }
.Ltmp5:
0x1b6: {  	[tilespmem:s8+$0xB010] =	vst v3;
	v5 =	vadd.f32 v13, v5;
	v4 =	vld [tilespmem:s8+$0x9450];
	(pc) =	sbr.rel @p0 .LBB2_13-.Ltmp5, $4  }
0x1b7: {  	[tilespmem:s8+$0x9420] =	vst v11;
	v10 =	vadd.f32 v10, v6;
	v3 =	vld [tilespmem:s8+$0xB050]  }
0x1b8: {  	[tilespmem:s8+$0xB020] =	vst v5;
	v11 =	vadd.f32 v9, v6;
	v5 =	vld [tilespmem:s8+$0x9460]  }
0x1b9: {  	[tilespmem:s8+$0x9430] =	vst v10;
	v9 =	vadd.f32 v8, v7;
	v6 =	vld [tilespmem:s8+$0xB060]  }
0x1ba: {  	s9 =	sadd.s32 $0x200, s9;
	[tilespmem:s8+$0xB030] =	vst v11;
	v8 =	vadd.f32 v12, v7;
	v7 =	vld [tilespmem:s8+$0x9470]  }
0x1bb: {  	[tilespmem:s8+$0x9440] =	vst v9;
	v4 =	vadd.f32 v4, v2;
	v58 =	vld [tilespmem:s8+$0xB070]  }
0x1bc: {  	[tilespmem:s8+$0xB040] =	vst v8;
	v59 =	vadd.f32 v3, v2  }
0x1bd: {  	[tilespmem:s8+$0x9450] =	vst v4;
	v60 =	vadd.f32 v5, v1  }
0x1be: {  	[tilespmem:s8+$0xB050] =	vst v59;
	v61 =	vadd.f32 v6, v1  }
0x1bf: {  	s7 =	sadd.s32 s4, s12;
	s29 =	sadd.s32 $0x1, s29;
	[tilespmem:s8+$0x9460] =	vst v60;
	v62 =	vadd.f32 v7, v0  }
0x1c0: {  	s7 =	smul.u32 $0x380, s7;
	p0 =	sne.s32 s29, $0xF;
	[tilespmem:s8+$0xB060] =	vst v61;
	v63 =	vadd.f32 v58, v0  }
.Ltmp6:
0x1c1: {  	[tilespmem:s8+$0x9470] =	vst v62;
	(pc) =	sbr.rel @p0 .LBB2_6-.Ltmp6, $4  }
0x1c2: {  	s7 =	sadd.s32 s6, s7;
	[tilespmem:s8+$0xB070] =	vst v63  }
0x1c3: {  	[hbm4b:s7+s5] =	stream.linear.scatter [tilespmem:s20], [sflag:$0x6], $0x1900, $0x38;
	[tilespmem:$0x13C00] =	vst v63  }
0x1c4: {  	s7 =	sadd.s32 $0x380, s7  }
0x1c5: {  	[hbm4b:s7+s5] =	stream.linear.scatter [tilespmem:s22], [sflag:$0x6], $0x1900, $0x38;
	[tilespmem:$0x13C00] =	vst v63  }
0x1c6: {  	_ =	swait.ge [sflag:s14], $0x1900  }
0x1c7: {  	[sflag:s14] =	ssyncset.done $0x0  }
0x1c8: {  	[sflag:s14] =	ssyncadd.s32 $0xFFFFE700  }
0x1c9: {  	_ =	swait.ge [sflag:s14], $0x1900  }
0x1ca: {  	[sflag:s14] =	ssyncset.done $0x0  }
0x1cb: {  	s8 =	simm.s32 $0x0;
	[sflag:s14] =	ssyncadd.s32 $0xFFFFE700  }
0x1cc: {  	v3 =	vld [tilespmem:s8+$0x4000]  }
0x1cd: {  	v4 =	vld [tilespmem:s8+$0x4010]  }
0x1ce: {  	v5 =	vld [tilespmem:s8+$0x4020]  }
0x1cf: {  	v6 =	vld [tilespmem:s8+$0x4030]  }
0x1d0: {  	v7 =	vld [tilespmem:s8+$0x4040]  }
0x1d1: {  	v2 =	vld [tilespmem:s8+$0x4050]  }
0x1d2: {  	v1 =	vld [tilespmem:s8+$0x4060]  }
0x1d3: {  	v0 =	vld [tilespmem:s8+$0x4070]  }
0x1d4: {  	v8 =	vld [tilespmem:s8+$0xCC00]  }
0x1d5: {  	v9 =	vld [tilespmem:s8+$0xE800]  }
0x1d6: {  	v10 =	vld [tilespmem:s8+$0xCC10]  }
0x1d7: {  	v11 =	vld [tilespmem:s8+$0xE810]  }
0x1d8: {  	v12 =	vld [tilespmem:s8+$0xCC20]  }
0x1d9: {  	v13 =	vld [tilespmem:s8+$0xE820];
	v8 =	vadd.f32 v8, v3  }
0x1da: {  	v14 =	vld [tilespmem:s8+$0xCC30];
	v3 =	vadd.f32 v9, v3  }
0x1db: {  	v9 =	vadd.f32 v10, v4;
	[tilespmem:s8+$0xCC00] =	vst v8;
	v8 =	vld [tilespmem:s8+$0xE830]  }
0x1dc: {  	v10 =	vld [tilespmem:s8+$0xCC40];
	[tilespmem:s8+$0xE800] =	vst v3;
	v3 =	vadd.f32 v11, v4  }
0x1dd: {  	[tilespmem:s8+$0xCC10] =	vst v9;
	v11 =	vld [tilespmem:s8+$0xE840];
	v9 =	vadd.f32 v12, v5  }
0x1de: {  	v4 =	vld [tilespmem:s8+$0xCC50];
	v5 =	vadd.f32 v13, v5;
	[tilespmem:s8+$0xE810] =	vst v3  }
0x1df: {  	[tilespmem:s8+$0xCC20] =	vst v9;
	v3 =	vld [tilespmem:s8+$0xE850];
	v9 =	vadd.f32 v14, v6  }
0x1e0: {  	[tilespmem:s8+$0xE820] =	vst v5;
	v5 =	vld [tilespmem:s8+$0xCC60];
	v8 =	vadd.f32 v8, v6  }
0x1e1: {  	[tilespmem:s8+$0xCC30] =	vst v9;
	v9 =	vadd.f32 v10, v7;
	v6 =	vld [tilespmem:s8+$0xE860]  }
0x1e2: {  	s9 =	simm.s32 $0x200;
	[tilespmem:s8+$0xE830] =	vst v8;
	v8 =	vadd.f32 v11, v7;
	v7 =	vld [tilespmem:s8+$0xCC70]  }
.LBB2_16:
0x1e3: {  	s7 =	sshra.s32 s9, $0x2;
	p0 =	sne.s32 s9, $0x6200;
	[tilespmem:s8+$0xCC40] =	vst v9;
	v4 =	vadd.f32 v4, v2;
	v9 =	vld [tilespmem:s8+$0xE870]  }
0x1e4: {  	v10 =	vld [tilespmem:s7+$0x4000];
	[tilespmem:s8+$0xE840] =	vst v8;
	v2 =	vadd.f32 v3, v2  }
0x1e5: {  	v3 =	vld [tilespmem:s7+$0x4010];
	[tilespmem:s8+$0xCC50] =	vst v4;
	v4 =	vadd.f32 v5, v1  }
0x1e6: {  	v5 =	vld [tilespmem:s7+$0x4020];
	[tilespmem:s8+$0xE850] =	vst v2;
	v1 =	vadd.f32 v6, v1  }
0x1e7: {  	v6 =	vld [tilespmem:s7+$0x4030];
	[tilespmem:s8+$0xCC60] =	vst v4;
	v4 =	vadd.f32 v7, v0  }
0x1e8: {  	v7 =	vld [tilespmem:s7+$0x4040];
	[tilespmem:s8+$0xE860] =	vst v1;
	v0 =	vadd.f32 v9, v0  }
0x1e9: {  	v2 =	vld [tilespmem:s7+$0x4050];
	[tilespmem:s8+$0xCC70] =	vst v4  }
0x1ea: {  	v1 =	vld [tilespmem:s7+$0x4060];
	[tilespmem:s8+$0xE870] =	vst v0;
	s8 =	smov.u32 s7  }
0x1eb: {  	v0 =	vld [tilespmem:s8+$0x4070]  }
0x1ec: {  	v4 =	vld [tilespmem:s8+$0xCC00]  }
0x1ed: {  	v8 =	vld [tilespmem:s8+$0xE800]  }
0x1ee: {  	v9 =	vld [tilespmem:s8+$0xCC10]  }
0x1ef: {  	v11 =	vld [tilespmem:s8+$0xE810]  }
0x1f0: {  	v12 =	vld [tilespmem:s8+$0xCC20]  }
0x1f1: {  	v4 =	vadd.f32 v4, v10;
	v13 =	vld [tilespmem:s8+$0xE820]  }
0x1f2: {  	v8 =	vadd.f32 v8, v10;
	v10 =	vld [tilespmem:s8+$0xCC30]  }
0x1f3: {  	[tilespmem:s8+$0xCC00] =	vst v4;
	v4 =	vadd.f32 v9, v3;
	v9 =	vld [tilespmem:s8+$0xE830]  }
0x1f4: {  	[tilespmem:s8+$0xE800] =	vst v8;
	v3 =	vadd.f32 v11, v3;
	v8 =	vld [tilespmem:s8+$0xCC40]  }
0x1f5: {  	[tilespmem:s8+$0xCC10] =	vst v4;
	v11 =	vadd.f32 v12, v5;
	v12 =	vld [tilespmem:s8+$0xE840]  }
.Ltmp7:
0x1f6: {  	[tilespmem:s8+$0xE810] =	vst v3;
	v5 =	vadd.f32 v13, v5;
	v4 =	vld [tilespmem:s8+$0xCC50];
	(pc) =	sbr.rel @p0 .LBB2_16-.Ltmp7, $4  }
0x1f7: {  	[tilespmem:s8+$0xCC20] =	vst v11;
	v10 =	vadd.f32 v10, v6;
	v3 =	vld [tilespmem:s8+$0xE850]  }
0x1f8: {  	[tilespmem:s8+$0xE820] =	vst v5;
	v11 =	vadd.f32 v9, v6;
	v5 =	vld [tilespmem:s8+$0xCC60]  }
0x1f9: {  	[tilespmem:s8+$0xCC30] =	vst v10;
	v9 =	vadd.f32 v8, v7;
	v6 =	vld [tilespmem:s8+$0xE860]  }
0x1fa: {  	s9 =	sadd.s32 $0x200, s9;
	[tilespmem:s8+$0xE830] =	vst v11;
	v8 =	vadd.f32 v12, v7;
	v7 =	vld [tilespmem:s8+$0xCC70]  }
0x1fb: {  	[tilespmem:s8+$0xCC40] =	vst v9;
	v4 =	vadd.f32 v4, v2;
	v9 =	vld [tilespmem:s8+$0xE870]  }
0x1fc: {  	[tilespmem:s8+$0xE840] =	vst v8;
	v2 =	vadd.f32 v3, v2  }
0x1fd: {  	[tilespmem:s8+$0xCC50] =	vst v4;
	v3 =	vadd.f32 v5, v1  }
0x1fe: {  	[tilespmem:s8+$0xE850] =	vst v2;
	v1 =	vadd.f32 v6, v1  }
0x1ff: {  	[tilespmem:s8+$0xCC60] =	vst v3;
	v2 =	vadd.f32 v7, v0  }
0x200: {  	[tilespmem:s8+$0xE860] =	vst v1;
	v0 =	vadd.f32 v9, v0  }
0x201: {  	[tilespmem:s8+$0xCC70] =	vst v2  }
0x202: {  	s7 =	simm.s32 $0x0;
	s31 =	rddreg [dreg:$0x8];
	[tilespmem:s8+$0xE870] =	vst v0  }
0x203: {  	[hbm4b:s31+s7] =	stream.linear.scatter [tilespmem:s24], [sflag:$0x7], $0x1900, $0x38;
	[tilespmem:$0x13C00] =	vst v63  }
0x204: {  	s8 =	sadd.s32 $0x380, s31  }
0x205: {  	[hbm4b:s8+s7] =	stream.linear.scatter [tilespmem:s26], [sflag:$0x7], $0x1900, $0x38;
	[tilespmem:$0x13C00] =	vst v63  }
0x206: {  	_ =	swait.ge [sflag:s19], $0x1900  }
0x207: {  	[sflag:s19] =	ssyncset.done $0x0  }
0x208: {  	[sflag:s19] =	ssyncadd.s32 $0xFFFFE700  }
0x209: {  	_ =	swait.ge [sflag:s19], $0x1900  }
0x20a: {  	[sflag:s19] =	ssyncset.done $0x0  }
0x20b: {  	s8 =	simm.s32 $0x0;
	[sflag:s19] =	ssyncadd.s32 $0xFFFFE700  }
0x20c: {  	v3 =	vld [tilespmem:s8+$0x4000]  }
0x20d: {  	v4 =	vld [tilespmem:s8+$0x4010]  }
0x20e: {  	v5 =	vld [tilespmem:s8+$0x4020]  }
0x20f: {  	v6 =	vld [tilespmem:s8+$0x4030]  }
0x210: {  	v7 =	vld [tilespmem:s8+$0x4040]  }
0x211: {  	v2 =	vld [tilespmem:s8+$0x4050]  }
0x212: {  	v1 =	vld [tilespmem:s8+$0x4060]  }
0x213: {  	v0 =	vld [tilespmem:s8+$0x4070]  }
0x214: {  	v8 =	vld [tilespmem:s8+$0x10400]  }
0x215: {  	v9 =	vld [tilespmem:s8+$0x12000]  }
0x216: {  	v10 =	vld [tilespmem:s8+$0x10410]  }
0x217: {  	v11 =	vld [tilespmem:s8+$0x12010]  }
0x218: {  	v12 =	vld [tilespmem:s8+$0x10420]  }
0x219: {  	v13 =	vld [tilespmem:s8+$0x12020];
	v8 =	vadd.f32 v8, v3  }
0x21a: {  	v14 =	vld [tilespmem:s8+$0x10430];
	v3 =	vadd.f32 v9, v3  }
0x21b: {  	v9 =	vadd.f32 v10, v4;
	[tilespmem:s8+$0x10400] =	vst v8;
	v8 =	vld [tilespmem:s8+$0x12030]  }
0x21c: {  	v10 =	vld [tilespmem:s8+$0x10440];
	[tilespmem:s8+$0x12000] =	vst v3;
	v3 =	vadd.f32 v11, v4  }
0x21d: {  	[tilespmem:s8+$0x10410] =	vst v9;
	v11 =	vld [tilespmem:s8+$0x12040];
	v9 =	vadd.f32 v12, v5  }
0x21e: {  	v4 =	vld [tilespmem:s8+$0x10450];
	v5 =	vadd.f32 v13, v5;
	[tilespmem:s8+$0x12010] =	vst v3  }
0x21f: {  	[tilespmem:s8+$0x10420] =	vst v9;
	v3 =	vld [tilespmem:s8+$0x12050];
	v9 =	vadd.f32 v14, v6  }
0x220: {  	[tilespmem:s8+$0x12020] =	vst v5;
	v5 =	vld [tilespmem:s8+$0x10460];
	v8 =	vadd.f32 v8, v6  }
0x221: {  	[tilespmem:s8+$0x10430] =	vst v9;
	v9 =	vadd.f32 v10, v7;
	v6 =	vld [tilespmem:s8+$0x12060]  }
0x222: {  	s9 =	simm.s32 $0x200;
	[tilespmem:s8+$0x12030] =	vst v8;
	v8 =	vadd.f32 v11, v7;
	v7 =	vld [tilespmem:s8+$0x10470]  }
.LBB2_18:
0x223: {  	s7 =	sshra.s32 s9, $0x2;
	p0 =	sne.s32 s9, $0x6200;
	[tilespmem:s8+$0x10440] =	vst v9;
	v4 =	vadd.f32 v4, v2;
	v9 =	vld [tilespmem:s8+$0x12070]  }
0x224: {  	v10 =	vld [tilespmem:s7+$0x4000];
	[tilespmem:s8+$0x12040] =	vst v8;
	v2 =	vadd.f32 v3, v2  }
0x225: {  	v3 =	vld [tilespmem:s7+$0x4010];
	[tilespmem:s8+$0x10450] =	vst v4;
	v4 =	vadd.f32 v5, v1  }
0x226: {  	v5 =	vld [tilespmem:s7+$0x4020];
	[tilespmem:s8+$0x12050] =	vst v2;
	v1 =	vadd.f32 v6, v1  }
0x227: {  	v6 =	vld [tilespmem:s7+$0x4030];
	[tilespmem:s8+$0x10460] =	vst v4;
	v4 =	vadd.f32 v7, v0  }
0x228: {  	v7 =	vld [tilespmem:s7+$0x4040];
	[tilespmem:s8+$0x12060] =	vst v1;
	v0 =	vadd.f32 v9, v0  }
0x229: {  	v2 =	vld [tilespmem:s7+$0x4050];
	[tilespmem:s8+$0x10470] =	vst v4  }
0x22a: {  	v1 =	vld [tilespmem:s7+$0x4060];
	[tilespmem:s8+$0x12070] =	vst v0;
	s8 =	smov.u32 s7  }
0x22b: {  	v0 =	vld [tilespmem:s8+$0x4070]  }
0x22c: {  	v4 =	vld [tilespmem:s8+$0x10400]  }
0x22d: {  	v8 =	vld [tilespmem:s8+$0x12000]  }
0x22e: {  	v9 =	vld [tilespmem:s8+$0x10410]  }
0x22f: {  	v11 =	vld [tilespmem:s8+$0x12010]  }
0x230: {  	v12 =	vld [tilespmem:s8+$0x10420]  }
0x231: {  	v4 =	vadd.f32 v4, v10;
	v13 =	vld [tilespmem:s8+$0x12020]  }
0x232: {  	v8 =	vadd.f32 v8, v10;
	v10 =	vld [tilespmem:s8+$0x10430]  }
0x233: {  	[tilespmem:s8+$0x10400] =	vst v4;
	v4 =	vadd.f32 v9, v3;
	v9 =	vld [tilespmem:s8+$0x12030]  }
0x234: {  	[tilespmem:s8+$0x12000] =	vst v8;
	v3 =	vadd.f32 v11, v3;
	v8 =	vld [tilespmem:s8+$0x10440]  }
0x235: {  	[tilespmem:s8+$0x10410] =	vst v4;
	v11 =	vadd.f32 v12, v5;
	v12 =	vld [tilespmem:s8+$0x12040]  }
.Ltmp8:
0x236: {  	[tilespmem:s8+$0x12010] =	vst v3;
	v5 =	vadd.f32 v13, v5;
	v4 =	vld [tilespmem:s8+$0x10450];
	(pc) =	sbr.rel @p0 .LBB2_18-.Ltmp8, $4  }
0x237: {  	[tilespmem:s8+$0x10420] =	vst v11;
	v10 =	vadd.f32 v10, v6;
	v3 =	vld [tilespmem:s8+$0x12050]  }
0x238: {  	[tilespmem:s8+$0x12020] =	vst v5;
	v11 =	vadd.f32 v9, v6;
	v5 =	vld [tilespmem:s8+$0x10460]  }
0x239: {  	[tilespmem:s8+$0x10430] =	vst v10;
	v9 =	vadd.f32 v8, v7;
	v6 =	vld [tilespmem:s8+$0x12060]  }
0x23a: {  	s9 =	sadd.s32 $0x200, s9;
	[tilespmem:s8+$0x12030] =	vst v11;
	v8 =	vadd.f32 v12, v7;
	v7 =	vld [tilespmem:s8+$0x10470]  }
0x23b: {  	[tilespmem:s8+$0x10440] =	vst v9;
	v4 =	vadd.f32 v4, v2;
	v58 =	vld [tilespmem:s8+$0x12070]  }
0x23c: {  	[tilespmem:s8+$0x12040] =	vst v8;
	v59 =	vadd.f32 v3, v2  }
0x23d: {  	[tilespmem:s8+$0x10450] =	vst v4;
	v60 =	vadd.f32 v5, v1  }
0x23e: {  	[tilespmem:s8+$0x12050] =	vst v59;
	v61 =	vadd.f32 v6, v1  }
0x23f: {  	[tilespmem:s8+$0x10460] =	vst v60;
	v62 =	vadd.f32 v7, v0  }
0x240: {  	[tilespmem:s8+$0x12060] =	vst v61;
	v63 =	vadd.f32 v58, v0  }
0x241: {  	[tilespmem:s8+$0x10470] =	vst v62  }
0x242: {  	s7 =	rddreg [dreg:$0x9];
	[tilespmem:s8+$0x12070] =	vst v63  }
0x243: {  	[hbm4b:s7+s5] =	stream.linear.scatter [tilespmem:s30], [sflag:$0x8], $0x1900, $0x38;
	[tilespmem:$0x13C00] =	vst v63  }
0x244: {  	s7 =	sadd.s32 $0x380, s7  }
0x245: {  	[hbm4b:s7+s5] =	stream.linear.scatter [tilespmem:s2], [sflag:$0x8], $0x1900, $0x38;
	[tilespmem:$0x13C00] =	vst v63  }
0x246: {  	_ =	swait.ge [sflag:s3], $0x3200  }
0x247: {  	[sflag:s3] =	ssyncset.done $0x0  }
0x248: {  	[sflag:s3] =	ssyncadd.s32 $0xFFFFCE00  }
0x249: {  	_ =	swait.ge [sflag:s17], $0x3200  }
0x24a: {  	[sflag:s17] =	ssyncset.done $0x0  }
0x24b: {  	[sflag:s17] =	ssyncadd.s32 $0xFFFFCE00  }
0x24c: {  	_ =	swait.ge [sflag:s21], $0x3200  }
0x24d: {  	[sflag:s21] =	ssyncset.done $0x0  }
0x24e: {  	[sflag:s21] =	ssyncadd.s32 $0xFFFFCE00  }
0x24f: {  	_ =	swait.ge [sflag:s23], $0x3200  }
0x250: {  	s25 =	sadd.s32 $0x1, s25;
	s31 =	rddreg [dreg:$0xa]  }
0x251: {  	p0 =	sne.s32 s25, s31  }
.Ltmp9:
0x252: {  	_ = 	snop;
	(pc) =	sbr.rel @p0 .LBB2_1-.Ltmp9, $3  }
0x253: {  	_ =	sdelay $0x1  }
0x254: {  	[sflag:s23] =	ssyncset.done $0x0  }
0x255: {  	[sflag:s23] =	ssyncadd.s32 $0xFFFFCE00  }
0x256: {  	_ =	sfence.sel $0x180000  }
0x257: {  	[bflag:$0x0] =	sbarrier.arrive $0xFFFF  }
0x258: {  	_ =	strace $0x90000047  }
0x259: {  	s0 =	stileid.u32;
	[bflag:$0x2] =	sbarrier.arrive $0xFFFF  }
0x25a: {  	p0 =	sne.s32 s0, $0x0;
	s0 =	rddreg [dreg:$0x4]  }
0x25b: {  	s0 =	sadd.s32 @!p0 $0x100000, s0  }
0x25c: {  	[sflag:s0] =	ssyncadd.tile.s32 @!p0 $0x1;
	_ =	shalt  }
.Lfunc_end2:
_tile_overlayer_lowered:
.L_overlay_start_2:
0x25d: {  	(tag) =	ssettag $0x2  }
0x25e: {  	s0 =	rddreg [dreg:$0x0];
	s2 =	stileid.u32  }
0x25f: {  	s1 =	rddreg [dreg:$0x1];
	p0 =	sne.s32 s2, $0x0  }
0x260: {  	s3 =	rddreg [dreg:$0x2];
	[bflag:$0x3] =	sbarrier.arrive $0xFFFF;
	s2 =	simm.s32 @!p0 $0x1C09  }
0x261: {  	[timem:s3], [sflag:s2] =	dma.local @!p0 [hbm:s0], s1  }
0x262: {  	s0 =	simm.s32 @!p0 $0x9  }
0x263: {  	_ =	swait.ge @!p0 [sflag:s0], s1  }
0x264: {  	s1 =	ssub.s32 @!p0 $0x0, s1;
	[sflag:s0] =	ssyncset.done @!p0 $0x0  }
0x265: {  	[sflag:s0] =	ssyncadd.s32 @!p0 s1  }
0x266: {  	[bflag:$0x3] =	sbarrier.arrive $0xFFFF  }
0x267: {  	_ =	shalt  }

</sc_bundles>
